<compile_context>
chip_gen: v7x
topology: tpu7x:2x2x1
jax: 0.10.2.dev20260603
libtpu: 0.0.44.dev20260713+nightly
codegen_flags: <defaults>
</compile_context>

<pallas_src>
import jax
import jax.numpy as jnp
from jax import lax
from jax.experimental import pallas as pl
from jax.experimental.pallas import tpu as pltpu
from jax.experimental.pallas import tpu_sc as plsc

NC = 2
NS = 16
NW = NC * NS
C = 128


def _sc_agg(n_pad, d, k):
    rpt = n_pad // NS
    nzc = rpt // C

    out = jax.ShapeDtypeStruct((NC, n_pad, d), jnp.float32)
    scratch = [
        pltpu.VMEM((k, C), jnp.int32),
        pltpu.VMEM((k, C), jnp.int32),
        pltpu.VMEM((C, d), jnp.float32),
        pltpu.VMEM_SHARED((n_pad, d), jnp.float32),
    ]

    def body(x_hbm, src_hbm, dst_hbm, agg_out, src_l, dst_l, rows, agg_sh):
        cid = lax.axis_index("c")
        sid = lax.axis_index("s")
        wid = sid * NC + cid
        stripe = sid * rpt

        zero16 = jnp.zeros((16,), jnp.float32)

        def zrow(i, carry):
            for kk in range(d // 16):
                rows[i, pl.ds(kk * 16, 16)] = zero16
            return carry
        lax.fori_loop(0, C, zrow, 0)
        for q in range(nzc):
            pltpu.sync_copy(rows.at[pl.ds(0, C)],
                            agg_sh.at[pl.ds(stripe + q * C, C)])

        pltpu.sync_copy(src_hbm.at[wid], src_l)
        pltpu.sync_copy(dst_hbm.at[wid], dst_l)

        plsc.subcore_barrier()

        def chunk(j, carry):
            pltpu.sync_copy(x_hbm.at[src_l.at[j]], rows)
            pltpu.sync_copy(rows, agg_sh.at[dst_l.at[j]], add=True)
            return carry
        lax.fori_loop(0, k, chunk, 0)

        plsc.subcore_barrier()

        pltpu.sync_copy(agg_sh.at[pl.ds(stripe, rpt)],
                        agg_out.at[cid, pl.ds(stripe, rpt)])

    mesh = plsc.VectorSubcoreMesh(core_axis_name="c", subcore_axis_name="s")
    return pl.kernel(body, out_type=out, mesh=mesh, scratch_types=scratch)


def _sc_deg(n_pad, d, k):
    rpt = n_pad // NS
    nzc = rpt // C

    out = jax.ShapeDtypeStruct((NC, n_pad, d), jnp.float32)
    scratch = [
        pltpu.VMEM((k, C), jnp.int32),
        pltpu.VMEM((C, d), jnp.float32),
        pltpu.VMEM_SHARED((n_pad, d), jnp.float32),
    ]

    def body(dst_hbm, deg_out, dst_l, ones_v, deg_sh):
        cid = lax.axis_index("c")
        sid = lax.axis_index("s")
        wid = sid * NC + cid
        stripe = sid * rpt

        zero16 = jnp.zeros((16,), jnp.float32)
        def zrow(i, carry):
            for kk in range(d // 16):
                ones_v[i, pl.ds(kk * 16, 16)] = zero16
            return carry
        lax.fori_loop(0, C, zrow, 0)
        for q in range(nzc):
            pltpu.sync_copy(ones_v.at[pl.ds(0, C)],
                            deg_sh.at[pl.ds(stripe + q * C, C)])
        one16 = jnp.ones((16,), jnp.float32)
        def orow(i, carry):
            for kk in range(d // 16):
                ones_v[i, pl.ds(kk * 16, 16)] = one16
            return carry
        lax.fori_loop(0, C, orow, 0)

        pltpu.sync_copy(dst_hbm.at[wid], dst_l)
        plsc.subcore_barrier()

        def chunk(j, carry):
            pltpu.sync_copy(ones_v, deg_sh.at[dst_l.at[j]], add=True)
            return carry
        lax.fori_loop(0, k, chunk, 0)

        plsc.subcore_barrier()
        pltpu.sync_copy(deg_sh.at[pl.ds(stripe, rpt)],
                        deg_out.at[cid, pl.ds(stripe, rpt)])

    mesh = plsc.VectorSubcoreMesh(core_axis_name="c", subcore_axis_name="s")
    return pl.kernel(body, out_type=out, mesh=mesh, scratch_types=scratch)


def _dense(n_pad, d, relu):
    rb = 512

    def body(a0, a1, d0, d1, xr, wl, wr, br, o):
        deg = jnp.maximum(d0[...][:, 0:1] + d1[...][:, 0:1], 1.0)
        mean = (a0[...] + a1[...]) / deg
        acc = jnp.dot(mean, wl[...], preferred_element_type=jnp.float32)
        acc = acc + jnp.dot(xr[...], wr[...], preferred_element_type=jnp.float32)
        acc = acc + br[...]
        if relu:
            acc = jnp.maximum(acc, 0.0)
        o[...] = acc

    row_spec = pl.BlockSpec((rb, d), lambda i: (i, 0))
    deg_spec = pl.BlockSpec((rb, d), lambda i: (i, 0))
    full_spec = pl.BlockSpec((d, d), lambda i: (0, 0))
    bias_spec = pl.BlockSpec((1, d), lambda i: (0, 0))
    return pl.pallas_call(
        body,
        grid=(n_pad // rb,),
        in_specs=[row_spec, row_spec, deg_spec, deg_spec, row_spec,
                  full_spec, full_spec, bias_spec],
        out_specs=row_spec,
        out_shape=jax.ShapeDtypeStruct((n_pad, d), jnp.float32),
    )


@jax.jit
def kernel(x, edge_index, W1_l, W1_r, b1, W2_l, W2_r, b2, W3_l, W3_r, b3):
    n, d = x.shape
    e = edge_index.shape[1]

    n_pad = -(-(n + 1) // (NS * C)) * (NS * C)
    k = -(-e // (NW * C))
    e_pad = NW * k * C
    pad_dst = n + jnp.arange(e_pad - e, dtype=jnp.int32) % (n_pad - n)
    src = jnp.concatenate(
        [edge_index[0], jnp.zeros((e_pad - e,), jnp.int32)]).reshape(NW, k, C)
    dst = jnp.concatenate([edge_index[1], pad_dst]).reshape(NW, k, C)
    xp = jnp.pad(x, ((0, n_pad - n), (0, 0)))

    sc_agg = _sc_agg(n_pad, d, k)
    dense_relu = _dense(n_pad, d, relu=True)
    dense_lin = _dense(n_pad, d, relu=False)

    deg = _sc_deg(n_pad, d, k)(dst)
    d0, d1 = deg[0], deg[1]

    agg = sc_agg(xp, src, dst)
    h = dense_relu(agg[0], agg[1], d0, d1, xp, W1_l, W1_r, b1.reshape(1, d))

    agg = sc_agg(h, src, dst)
    h = dense_relu(agg[0], agg[1], d0, d1, h, W2_l, W2_r, b2.reshape(1, d))

    agg = sc_agg(h, src, dst)
    out = dense_lin(agg[0], agg[1], d0, d1, h, W3_l, W3_r, b3.reshape(1, d))
    return out[:n]

# --- scband reference (transcript-rebuilt; emitter-appended) ---
"""Pipeline reference for scband-graph-sage-43550968381728 (READ-ONLY COPY).

The authoritative reference and input builder live on the scoring server;
editing this copy changes nothing except your own understanding.
"""

import jax, jax.numpy as jnp
import numpy as np

N = 10000
E = 320000
D_IN = 128
D_HID = 128
D_OUT = 128

def _glorot(key, shape):
    lim = float(np.sqrt(6.0 / (shape[0] + shape[1])))
    return jax.random.uniform(key, shape, dtype=jnp.float32, minval=-lim, maxval=lim)

def setup_inputs(seed: int = 0):
    key = jax.random.key(seed)
    ks = jax.random.split(key, 12)
    x = jax.random.normal(ks[0], (N, D_IN), dtype=jnp.float32)
    edge_index = jax.random.randint(ks[1], (2, E), 0, N, dtype=jnp.int32)
    inp = {"x": x, "edge_index": edge_index}
    dims = [(D_IN, D_HID), (D_HID, D_HID), (D_HID, D_OUT)]
    for i, (di, do) in enumerate(dims, start=1):
        inp["W%d_l" % i] = _glorot(ks[3 * i - 1], (di, do))
        inp["W%d_r" % i] = _glorot(ks[3 * i], (di, do))
        inp["b%d" % i] = jnp.zeros((do,), dtype=jnp.float32)
    return inp

def _sage_conv(x, edge_index, W_l, W_r, b):
    # PyG SAGEConv with mean aggregation: out = mean_{j in N(i)} x_j @ W_l + x_i @ W_r + b
    src = edge_index[0]
    dst = edge_index[1]
    msgs = jnp.take(x, src, axis=0)                                   # gather  (SparseCore)
    agg = jax.ops.segment_sum(msgs, dst, num_segments=N)              # scatter-add
    deg = jax.ops.segment_sum(jnp.ones((edge_index.shape[1],), dtype=x.dtype), dst, num_segments=N)
    mean = agg / jnp.clip(deg, 1.0, None)[:, None]
    return mean @ W_l + x @ W_r + b

def reference(x, edge_index, W1_l, W1_r, b1, W2_l, W2_r, b2, W3_l, W3_r, b3):
    # Dropout is identity in eval mode (deterministic reference).
    h = jax.nn.relu(_sage_conv(x, edge_index, W1_l, W1_r, b1))
    h = jax.nn.relu(_sage_conv(h, edge_index, W2_l, W2_r, b2))
    out = _sage_conv(h, edge_index, W3_l, W3_r, b3)
    return out

if __name__ == "__main__":
    import jax
    _d = setup_inputs()
    print(jax.jit(kernel)(*tuple(_d.values())))

</pallas_src>

<mosaic_0001>
#map = affine_map<(d0, d1) -> (0, 0)>
#map1 = affine_map<(d0, d1) -> (0, 0, 0)>
module attributes {stable_mosaic.version = 14 : i64} {
  func.func @body(%arg0: i32, %arg1: i32, %arg2: memref<10240x128xf32, #tpu.memory_space<hbm>>, %arg3: memref<32x79x128xi32, #tpu.memory_space<hbm>>, %arg4: memref<32x79x128xi32, #tpu.memory_space<hbm>>, %arg5: memref<2x10240x128xf32, #tpu.memory_space<hbm>>, %arg6: memref<79x128xi32, #tpu.memory_space<vmem>>, %arg7: memref<79x128xi32, #tpu.memory_space<vmem>>, %arg8: memref<128x128xf32, #tpu.memory_space<vmem>>, %arg9: memref<10240x128xf32, #tpu.memory_space<vmem_shared>>) attributes {dimension_semantics = [#tpu.dimension_semantics<core_parallel>, #tpu.dimension_semantics<subcore_parallel>], iteration_bounds = array<i64: 2, 16>, scalar_prefetch = 0 : i64, scratch_operands = 4 : i64, tpu.core_type = #tpu.core_type<sc_vector_subcore>, window_params = [{transform_indices = #map}, {transform_indices = #map1}, {transform_indices = #map1}, {transform_indices = #map1}]} {
    %mul3A = arith.constant 2 : i32
    %mul3A_0 = arith.muli %arg1, %mul3A : i32
    %add3A = arith.addi %mul3A_0, %arg0 : i32
    %mul3A_1 = arith.constant 640 : i32
    %mul3A_2 = arith.muli %arg1, %mul3A_1 : i32
    %broadcast_in_dim3A = arith.constant 0.000000e+00 : f32
    %broadcast_in_dim3A_3 = vector.broadcast %broadcast_in_dim3A : f32 to vector<16xf32>
    %scan3A = arith.constant 0 : i32
    %scan3A_4 = arith.constant 0 : i32
    %scan3A_5 = arith.constant 128 : i32
    %scan3A_6 = arith.addi %scan3A_4, %scan3A_5 : i32
    %scan3A_7 = arith.constant 1 : i32
    scf.for %scan3A_26 = %scan3A_4 to %scan3A_6 step %scan3A_7  : i32 {
      %swap3A = arith.index_cast %scan3A_26 : i32 to index
      %swap3A_27 = arith.constant 0 : index
      %swap3A_28 = tpu.vector_load %arg8[%swap3A, %swap3A_27] {strides = array<i32>} : memref<128x128xf32, #tpu.memory_space<vmem>>, vector<1x16xf32>,
      %swap3A_29 = vector.shape_cast %swap3A_28 : vector<1x16xf32> to vector<16xf32>
      %swap3A_30 = vector.shape_cast %broadcast_in_dim3A_3 : vector<16xf32> to vector<1x16xf32>
      tpu.vector_store %arg8[%swap3A, %swap3A_27], %swap3A_30 {strides = array<i32>} : memref<128x128xf32, #tpu.memory_space<vmem>>, vector<1x16xf32>,
      %swap3A_31 = arith.index_cast %scan3A_26 : i32 to index
      %swap3A_32 = arith.constant 16 : index
      %swap3A_33 = tpu.vector_load %arg8[%swap3A_31, %swap3A_32] {strides = array<i32>} : memref<128x128xf32, #tpu.memory_space<vmem>>, vector<1x16xf32>,
      %swap3A_34 = vector.shape_cast %swap3A_33 : vector<1x16xf32> to vector<16xf32>
      %swap3A_35 = vector.shape_cast %broadcast_in_dim3A_3 : vector<16xf32> to vector<1x16xf32>
      tpu.vector_store %arg8[%swap3A_31, %swap3A_32], %swap3A_35 {strides = array<i32>} : memref<128x128xf32, #tpu.memory_space<vmem>>, vector<1x16xf32>,
      %swap3A_36 = arith.index_cast %scan3A_26 : i32 to index
      %swap3A_37 = arith.constant 32 : index
      %swap3A_38 = tpu.vector_load %arg8[%swap3A_36, %swap3A_37] {strides = array<i32>} : memref<128x128xf32, #tpu.memory_space<vmem>>, vector<1x16xf32>,
      %swap3A_39 = vector.shape_cast %swap3A_38 : vector<1x16xf32> to vector<16xf32>
      %swap3A_40 = vector.shape_cast %broadcast_in_dim3A_3 : vector<16xf32> to vector<1x16xf32>
      tpu.vector_store %arg8[%swap3A_36, %swap3A_37], %swap3A_40 {strides = array<i32>} : memref<128x128xf32, #tpu.memory_space<vmem>>, vector<1x16xf32>,
      %swap3A_41 = arith.index_cast %scan3A_26 : i32 to index
      %swap3A_42 = arith.constant 48 : index
      %swap3A_43 = tpu.vector_load %arg8[%swap3A_41, %swap3A_42] {strides = array<i32>} : memref<128x128xf32, #tpu.memory_space<vmem>>, vector<1x16xf32>,
      %swap3A_44 = vector.shape_cast %swap3A_43 : vector<1x16xf32> to vector<16xf32>
      %swap3A_45 = vector.shape_cast %broadcast_in_dim3A_3 : vector<16xf32> to vector<1x16xf32>
      tpu.vector_store %arg8[%swap3A_41, %swap3A_42], %swap3A_45 {strides = array<i32>} : memref<128x128xf32, #tpu.memory_space<vmem>>, vector<1x16xf32>,
      %swap3A_46 = arith.index_cast %scan3A_26 : i32 to index
      %swap3A_47 = arith.constant 64 : index
      %swap3A_48 = tpu.vector_load %arg8[%swap3A_46, %swap3A_47] {strides = array<i32>} : memref<128x128xf32, #tpu.memory_space<vmem>>, vector<1x16xf32>,
      %swap3A_49 = vector.shape_cast %swap3A_48 : vector<1x16xf32> to vector<16xf32>
      %swap3A_50 = vector.shape_cast %broadcast_in_dim3A_3 : vector<16xf32> to vector<1x16xf32>
      tpu.vector_store %arg8[%swap3A_46, %swap3A_47], %swap3A_50 {strides = array<i32>} : memref<128x128xf32, #tpu.memory_space<vmem>>, vector<1x16xf32>,
      %swap3A_51 = arith.index_cast %scan3A_26 : i32 to index
      %swap3A_52 = arith.constant 80 : index
      %swap3A_53 = tpu.vector_load %arg8[%swap3A_51, %swap3A_52] {strides = array<i32>} : memref<128x128xf32, #tpu.memory_space<vmem>>, vector<1x16xf32>,
      %swap3A_54 = vector.shape_cast %swap3A_53 : vector<1x16xf32> to vector<16xf32>
      %swap3A_55 = vector.shape_cast %broadcast_in_dim3A_3 : vector<16xf32> to vector<1x16xf32>
      tpu.vector_store %arg8[%swap3A_51, %swap3A_52], %swap3A_55 {strides = array<i32>} : memref<128x128xf32, #tpu.memory_space<vmem>>, vector<1x16xf32>,
      %swap3A_56 = arith.index_cast %scan3A_26 : i32 to index
      %swap3A_57 = arith.constant 96 : index
      %swap3A_58 = tpu.vector_load %arg8[%swap3A_56, %swap3A_57] {strides = array<i32>} : memref<128x128xf32, #tpu.memory_space<vmem>>, vector<1x16xf32>,
      %swap3A_59 = vector.shape_cast %swap3A_58 : vector<1x16xf32> to vector<16xf32>
      %swap3A_60 = vector.shape_cast %broadcast_in_dim3A_3 : vector<16xf32> to vector<1x16xf32>
      tpu.vector_store %arg8[%swap3A_56, %swap3A_57], %swap3A_60 {strides = array<i32>} : memref<128x128xf32, #tpu.memory_space<vmem>>, vector<1x16xf32>,
      %swap3A_61 = arith.index_cast %scan3A_26 : i32 to index
      %swap3A_62 = arith.constant 112 : index
      %swap3A_63 = tpu.vector_load %arg8[%swap3A_61, %swap3A_62] {strides = array<i32>} : memref<128x128xf32, #tpu.memory_space<vmem>>, vector<1x16xf32>,
      %swap3A_64 = vector.shape_cast %swap3A_63 : vector<1x16xf32> to vector<16xf32>
      %swap3A_65 = vector.shape_cast %broadcast_in_dim3A_3 : vector<16xf32> to vector<1x16xf32>
      tpu.vector_store %arg8[%swap3A_61, %swap3A_62], %swap3A_65 {strides = array<i32>} : memref<128x128xf32, #tpu.memory_space<vmem>>, vector<1x16xf32>,
    }
    %scan3A_8 = arith.constant 128 : i32
    %add3A_9 = arith.constant 0 : i32
    %add3A_10 = arith.addi %mul3A_2, %add3A_9 : i32
    "tpu.region"() ({
      %run_scoped3A = tpu.sem_alloc : memref<!tpu.dma_semaphore, #tpu.memory_space<semaphore_mem>>
      %dma_start3A = arith.constant 0 : i32
      %dma_start3A_26 = arith.constant 0 : i32
      %dma_start3A_27 = tpu.memref_slice %arg8[%dma_start3A, %dma_start3A_26] : memref<128x128xf32, #tpu.memory_space<vmem>> -> memref<128x128xf32, #tpu.memory_space<vmem>>
      %dma_start3A_28 = arith.constant 0 : i32
      %dma_start3A_29 = tpu.memref_slice %arg9[%add3A_10, %dma_start3A_28] : memref<10240x128xf32, #tpu.memory_space<vmem_shared>> -> memref<128x128xf32, #tpu.memory_space<vmem_shared>>
      %dma_start3A_30 = arith.constant 0 : i32
      %dma_start3A_31 = tpu.memref_slice %arg9[%add3A_10, %dma_start3A_30] : memref<10240x128xf32, #tpu.memory_space<vmem_shared>> -> memref<128x128xf32, #tpu.memory_space<vmem_shared>>
      %dma_start3A_32 = arith.constant 0 : i32
      %dma_start3A_33 = arith.constant 0 : i32
      %dma_start3A_34 = tpu.memref_slice %arg8[%dma_start3A_32, %dma_start3A_33] : memref<128x128xf32, #tpu.memory_space<vmem>> -> memref<128x128xf32, #tpu.memory_space<vmem>>
      tpu.enqueue_dma source(%dma_start3A_34 : memref<128x128xf32, #tpu.memory_space<vmem>>) target(%dma_start3A_31 : memref<128x128xf32, #tpu.memory_space<vmem_shared>>) target_semaphore(%run_scoped3A : memref<!tpu.dma_semaphore, #tpu.memory_space<semaphore_mem>>)
      %dma_wait3A = arith.constant 0 : i32
      %dma_wait3A_35 = arith.constant 0 : i32
      %dma_wait3A_36 = tpu.memref_slice %arg8[%dma_wait3A, %dma_wait3A_35] : memref<128x128xf32, #tpu.memory_space<vmem>> -> memref<128x128xf32, #tpu.memory_space<vmem>>
      %dma_wait3A_37 = arith.constant 0 : i32
      %dma_wait3A_38 = tpu.memref_slice %arg9[%add3A_10, %dma_wait3A_37] : memref<10240x128xf32, #tpu.memory_space<vmem_shared>> -> memref<128x128xf32, #tpu.memory_space<vmem_shared>>
      %dma_wait3A_39 = arith.constant 0 : i32
      %dma_wait3A_40 = tpu.memref_slice %arg9[%add3A_10, %dma_wait3A_39] : memref<10240x128xf32, #tpu.memory_space<vmem_shared>> -> memref<128x128xf32, #tpu.memory_space<vmem_shared>>
      %dma_wait3A_41 = arith.constant 0 : i32
      %dma_wait3A_42 = arith.constant 0 : i32
      %dma_wait3A_43 = tpu.memref_slice %arg8[%dma_wait3A_41, %dma_wait3A_42] : memref<128x128xf32, #tpu.memory_space<vmem>> -> memref<128x128xf32, #tpu.memory_space<vmem>>
      tpu.wait_dma2 semaphore(%run_scoped3A : memref<!tpu.dma_semaphore, #tpu.memory_space<semaphore_mem>>) src(%dma_wait3A_43 : memref<128x128xf32, #tpu.memory_space<vmem>>) dst(%dma_wait3A_40 : memref<128x128xf32, #tpu.memory_space<vmem_shared>>)
      tpu.yield
    }) : () -> ()
    %add3A_11 = arith.constant 128 : i32
    %add3A_12 = arith.addi %mul3A_2, %add3A_11 : i32
    "tpu.region"() ({
      %run_scoped3A = tpu.sem_alloc : memref<!tpu.dma_semaphore, #tpu.memory_space<semaphore_mem>>
      %dma_start3A = arith.constant 0 : i32
      %dma_start3A_26 = arith.constant 0 : i32
      %dma_start3A_27 = tpu.memref_slice %arg8[%dma_start3A, %dma_start3A_26] : memref<128x128xf32, #tpu.memory_space<vmem>> -> memref<128x128xf32, #tpu.memory_space<vmem>>
      %dma_start3A_28 = arith.constant 0 : i32
      %dma_start3A_29 = tpu.memref_slice %arg9[%add3A_12, %dma_start3A_28] : memref<10240x128xf32, #tpu.memory_space<vmem_shared>> -> memref<128x128xf32, #tpu.memory_space<vmem_shared>>
      %dma_start3A_30 = arith.constant 0 : i32
      %dma_start3A_31 = tpu.memref_slice %arg9[%add3A_12, %dma_start3A_30] : memref<10240x128xf32, #tpu.memory_space<vmem_shared>> -> memref<128x128xf32, #tpu.memory_space<vmem_shared>>
      %dma_start3A_32 = arith.constant 0 : i32
      %dma_start3A_33 = arith.constant 0 : i32
      %dma_start3A_34 = tpu.memref_slice %arg8[%dma_start3A_32, %dma_start3A_33] : memref<128x128xf32, #tpu.memory_space<vmem>> -> memref<128x128xf32, #tpu.memory_space<vmem>>
      tpu.enqueue_dma source(%dma_start3A_34 : memref<128x128xf32, #tpu.memory_space<vmem>>) target(%dma_start3A_31 : memref<128x128xf32, #tpu.memory_space<vmem_shared>>) target_semaphore(%run_scoped3A : memref<!tpu.dma_semaphore, #tpu.memory_space<semaphore_mem>>)
      %dma_wait3A = arith.constant 0 : i32
      %dma_wait3A_35 = arith.constant 0 : i32
      %dma_wait3A_36 = tpu.memref_slice %arg8[%dma_wait3A, %dma_wait3A_35] : memref<128x128xf32, #tpu.memory_space<vmem>> -> memref<128x128xf32, #tpu.memory_space<vmem>>
      %dma_wait3A_37 = arith.constant 0 : i32
      %dma_wait3A_38 = tpu.memref_slice %arg9[%add3A_12, %dma_wait3A_37] : memref<10240x128xf32, #tpu.memory_space<vmem_shared>> -> memref<128x128xf32, #tpu.memory_space<vmem_shared>>
      %dma_wait3A_39 = arith.constant 0 : i32
      %dma_wait3A_40 = tpu.memref_slice %arg9[%add3A_12, %dma_wait3A_39] : memref<10240x128xf32, #tpu.memory_space<vmem_shared>> -> memref<128x128xf32, #tpu.memory_space<vmem_shared>>
      %dma_wait3A_41 = arith.constant 0 : i32
      %dma_wait3A_42 = arith.constant 0 : i32
      %dma_wait3A_43 = tpu.memref_slice %arg8[%dma_wait3A_41, %dma_wait3A_42] : memref<128x128xf32, #tpu.memory_space<vmem>> -> memref<128x128xf32, #tpu.memory_space<vmem>>
      tpu.wait_dma2 semaphore(%run_scoped3A : memref<!tpu.dma_semaphore, #tpu.memory_space<semaphore_mem>>) src(%dma_wait3A_43 : memref<128x128xf32, #tpu.memory_space<vmem>>) dst(%dma_wait3A_40 : memref<128x128xf32, #tpu.memory_space<vmem_shared>>)
      tpu.yield
    }) : () -> ()
    %add3A_13 = arith.constant 256 : i32
    %add3A_14 = arith.addi %mul3A_2, %add3A_13 : i32
    "tpu.region"() ({
      %run_scoped3A = tpu.sem_alloc : memref<!tpu.dma_semaphore, #tpu.memory_space<semaphore_mem>>
      %dma_start3A = arith.constant 0 : i32
      %dma_start3A_26 = arith.constant 0 : i32
      %dma_start3A_27 = tpu.memref_slice %arg8[%dma_start3A, %dma_start3A_26] : memref<128x128xf32, #tpu.memory_space<vmem>> -> memref<128x128xf32, #tpu.memory_space<vmem>>
      %dma_start3A_28 = arith.constant 0 : i32
      %dma_start3A_29 = tpu.memref_slice %arg9[%add3A_14, %dma_start3A_28] : memref<10240x128xf32, #tpu.memory_space<vmem_shared>> -> memref<128x128xf32, #tpu.memory_space<vmem_shared>>
      %dma_start3A_30 = arith.constant 0 : i32
      %dma_start3A_31 = tpu.memref_slice %arg9[%add3A_14, %dma_start3A_30] : memref<10240x128xf32, #tpu.memory_space<vmem_shared>> -> memref<128x128xf32, #tpu.memory_space<vmem_shared>>
      %dma_start3A_32 = arith.constant 0 : i32
      %dma_start3A_33 = arith.constant 0 : i32
      %dma_start3A_34 = tpu.memref_slice %arg8[%dma_start3A_32, %dma_start3A_33] : memref<128x128xf32, #tpu.memory_space<vmem>> -> memref<128x128xf32, #tpu.memory_space<vmem>>
      tpu.enqueue_dma source(%dma_start3A_34 : memref<128x128xf32, #tpu.memory_space<vmem>>) target(%dma_start3A_31 : memref<128x128xf32, #tpu.memory_space<vmem_shared>>) target_semaphore(%run_scoped3A : memref<!tpu.dma_semaphore, #tpu.memory_space<semaphore_mem>>)
      %dma_wait3A = arith.constant 0 : i32
      %dma_wait3A_35 = arith.constant 0 : i32
      %dma_wait3A_36 = tpu.memref_slice %arg8[%dma_wait3A, %dma_wait3A_35] : memref<128x128xf32, #tpu.memory_space<vmem>> -> memref<128x128xf32, #tpu.memory_space<vmem>>
      %dma_wait3A_37 = arith.constant 0 : i32
      %dma_wait3A_38 = tpu.memref_slice %arg9[%add3A_14, %dma_wait3A_37] : memref<10240x128xf32, #tpu.memory_space<vmem_shared>> -> memref<128x128xf32, #tpu.memory_space<vmem_shared>>
      %dma_wait3A_39 = arith.constant 0 : i32
      %dma_wait3A_40 = tpu.memref_slice %arg9[%add3A_14, %dma_wait3A_39] : memref<10240x128xf32, #tpu.memory_space<vmem_shared>> -> memref<128x128xf32, #tpu.memory_space<vmem_shared>>
      %dma_wait3A_41 = arith.constant 0 : i32
      %dma_wait3A_42 = arith.constant 0 : i32
      %dma_wait3A_43 = tpu.memref_slice %arg8[%dma_wait3A_41, %dma_wait3A_42] : memref<128x128xf32, #tpu.memory_space<vmem>> -> memref<128x128xf32, #tpu.memory_space<vmem>>
      tpu.wait_dma2 semaphore(%run_scoped3A : memref<!tpu.dma_semaphore, #tpu.memory_space<semaphore_mem>>) src(%dma_wait3A_43 : memref<128x128xf32, #tpu.memory_space<vmem>>) dst(%dma_wait3A_40 : memref<128x128xf32, #tpu.memory_space<vmem_shared>>)
      tpu.yield
    }) : () -> ()
    %add3A_15 = arith.constant 384 : i32
    %add3A_16 = arith.addi %mul3A_2, %add3A_15 : i32
    "tpu.region"() ({
      %run_scoped3A = tpu.sem_alloc : memref<!tpu.dma_semaphore, #tpu.memory_space<semaphore_mem>>
      %dma_start3A = arith.constant 0 : i32
      %dma_start3A_26 = arith.constant 0 : i32
      %dma_start3A_27 = tpu.memref_slice %arg8[%dma_start3A, %dma_start3A_26] : memref<128x128xf32, #tpu.memory_space<vmem>> -> memref<128x128xf32, #tpu.memory_space<vmem>>
      %dma_start3A_28 = arith.constant 0 : i32
      %dma_start3A_29 = tpu.memref_slice %arg9[%add3A_16, %dma_start3A_28] : memref<10240x128xf32, #tpu.memory_space<vmem_shared>> -> memref<128x128xf32, #tpu.memory_space<vmem_shared>>
      %dma_start3A_30 = arith.constant 0 : i32
      %dma_start3A_31 = tpu.memref_slice %arg9[%add3A_16, %dma_start3A_30] : memref<10240x128xf32, #tpu.memory_space<vmem_shared>> -> memref<128x128xf32, #tpu.memory_space<vmem_shared>>
      %dma_start3A_32 = arith.constant 0 : i32
      %dma_start3A_33 = arith.constant 0 : i32
      %dma_start3A_34 = tpu.memref_slice %arg8[%dma_start3A_32, %dma_start3A_33] : memref<128x128xf32, #tpu.memory_space<vmem>> -> memref<128x128xf32, #tpu.memory_space<vmem>>
      tpu.enqueue_dma source(%dma_start3A_34 : memref<128x128xf32, #tpu.memory_space<vmem>>) target(%dma_start3A_31 : memref<128x128xf32, #tpu.memory_space<vmem_shared>>) target_semaphore(%run_scoped3A : memref<!tpu.dma_semaphore, #tpu.memory_space<semaphore_mem>>)
      %dma_wait3A = arith.constant 0 : i32
      %dma_wait3A_35 = arith.constant 0 : i32
      %dma_wait3A_36 = tpu.memref_slice %arg8[%dma_wait3A, %dma_wait3A_35] : memref<128x128xf32, #tpu.memory_space<vmem>> -> memref<128x128xf32, #tpu.memory_space<vmem>>
      %dma_wait3A_37 = arith.constant 0 : i32
      %dma_wait3A_38 = tpu.memref_slice %arg9[%add3A_16, %dma_wait3A_37] : memref<10240x128xf32, #tpu.memory_space<vmem_shared>> -> memref<128x128xf32, #tpu.memory_space<vmem_shared>>
      %dma_wait3A_39 = arith.constant 0 : i32
      %dma_wait3A_40 = tpu.memref_slice %arg9[%add3A_16, %dma_wait3A_39] : memref<10240x128xf32, #tpu.memory_space<vmem_shared>> -> memref<128x128xf32, #tpu.memory_space<vmem_shared>>
      %dma_wait3A_41 = arith.constant 0 : i32
      %dma_wait3A_42 = arith.constant 0 : i32
      %dma_wait3A_43 = tpu.memref_slice %arg8[%dma_wait3A_41, %dma_wait3A_42] : memref<128x128xf32, #tpu.memory_space<vmem>> -> memref<128x128xf32, #tpu.memory_space<vmem>>
      tpu.wait_dma2 semaphore(%run_scoped3A : memref<!tpu.dma_semaphore, #tpu.memory_space<semaphore_mem>>) src(%dma_wait3A_43 : memref<128x128xf32, #tpu.memory_space<vmem>>) dst(%dma_wait3A_40 : memref<128x128xf32, #tpu.memory_space<vmem_shared>>)
      tpu.yield
    }) : () -> ()
    %add3A_17 = arith.constant 512 : i32
    %add3A_18 = arith.addi %mul3A_2, %add3A_17 : i32
    "tpu.region"() ({
      %run_scoped3A = tpu.sem_alloc : memref<!tpu.dma_semaphore, #tpu.memory_space<semaphore_mem>>
      %dma_start3A = arith.constant 0 : i32
      %dma_start3A_26 = arith.constant 0 : i32
      %dma_start3A_27 = tpu.memref_slice %arg8[%dma_start3A, %dma_start3A_26] : memref<128x128xf32, #tpu.memory_space<vmem>> -> memref<128x128xf32, #tpu.memory_space<vmem>>
      %dma_start3A_28 = arith.constant 0 : i32
      %dma_start3A_29 = tpu.memref_slice %arg9[%add3A_18, %dma_start3A_28] : memref<10240x128xf32, #tpu.memory_space<vmem_shared>> -> memref<128x128xf32, #tpu.memory_space<vmem_shared>>
      %dma_start3A_30 = arith.constant 0 : i32
      %dma_start3A_31 = tpu.memref_slice %arg9[%add3A_18, %dma_start3A_30] : memref<10240x128xf32, #tpu.memory_space<vmem_shared>> -> memref<128x128xf32, #tpu.memory_space<vmem_shared>>
      %dma_start3A_32 = arith.constant 0 : i32
      %dma_start3A_33 = arith.constant 0 : i32
      %dma_start3A_34 = tpu.memref_slice %arg8[%dma_start3A_32, %dma_start3A_33] : memref<128x128xf32, #tpu.memory_space<vmem>> -> memref<128x128xf32, #tpu.memory_space<vmem>>
      tpu.enqueue_dma source(%dma_start3A_34 : memref<128x128xf32, #tpu.memory_space<vmem>>) target(%dma_start3A_31 : memref<128x128xf32, #tpu.memory_space<vmem_shared>>) target_semaphore(%run_scoped3A : memref<!tpu.dma_semaphore, #tpu.memory_space<semaphore_mem>>)
      %dma_wait3A = arith.constant 0 : i32
      %dma_wait3A_35 = arith.constant 0 : i32
      %dma_wait3A_36 = tpu.memref_slice %arg8[%dma_wait3A, %dma_wait3A_35] : memref<128x128xf32, #tpu.memory_space<vmem>> -> memref<128x128xf32, #tpu.memory_space<vmem>>
      %dma_wait3A_37 = arith.constant 0 : i32
      %dma_wait3A_38 = tpu.memref_slice %arg9[%add3A_18, %dma_wait3A_37] : memref<10240x128xf32, #tpu.memory_space<vmem_shared>> -> memref<128x128xf32, #tpu.memory_space<vmem_shared>>
      %dma_wait3A_39 = arith.constant 0 : i32
      %dma_wait3A_40 = tpu.memref_slice %arg9[%add3A_18, %dma_wait3A_39] : memref<10240x128xf32, #tpu.memory_space<vmem_shared>> -> memref<128x128xf32, #tpu.memory_space<vmem_shared>>
      %dma_wait3A_41 = arith.constant 0 : i32
      %dma_wait3A_42 = arith.constant 0 : i32
      %dma_wait3A_43 = tpu.memref_slice %arg8[%dma_wait3A_41, %dma_wait3A_42] : memref<128x128xf32, #tpu.memory_space<vmem>> -> memref<128x128xf32, #tpu.memory_space<vmem>>
      tpu.wait_dma2 semaphore(%run_scoped3A : memref<!tpu.dma_semaphore, #tpu.memory_space<semaphore_mem>>) src(%dma_wait3A_43 : memref<128x128xf32, #tpu.memory_space<vmem>>) dst(%dma_wait3A_40 : memref<128x128xf32, #tpu.memory_space<vmem_shared>>)
      tpu.yield
    }) : () -> ()
    "tpu.region"() ({
      %run_scoped3A = tpu.sem_alloc : memref<!tpu.dma_semaphore, #tpu.memory_space<semaphore_mem>>
      %dma_start3A = arith.constant 0 : i32
      %dma_start3A_26 = arith.constant 0 : i32
      %dma_start3A_27 = tpu.memref_slice %arg3[%add3A, %dma_start3A, %dma_start3A_26] : memref<32x79x128xi32, #tpu.memory_space<hbm>> -> memref<1x79x128xi32, #tpu.memory_space<hbm>>
      %dma_start3A_28 = tpu.memref_squeeze %dma_start3A_27 : memref<1x79x128xi32, #tpu.memory_space<hbm>> -> memref<79x128xi32, #tpu.memory_space<hbm>>
      %dma_start3A_29 = arith.constant 0 : i32
      %dma_start3A_30 = arith.constant 0 : i32
      %dma_start3A_31 = tpu.memref_slice %arg3[%add3A, %dma_start3A_29, %dma_start3A_30] : memref<32x79x128xi32, #tpu.memory_space<hbm>> -> memref<1x79x128xi32, #tpu.memory_space<hbm>>
      %dma_start3A_32 = tpu.memref_squeeze %dma_start3A_31 : memref<1x79x128xi32, #tpu.memory_space<hbm>> -> memref<79x128xi32, #tpu.memory_space<hbm>>
      tpu.enqueue_dma source(%dma_start3A_32 : memref<79x128xi32, #tpu.memory_space<hbm>>) target(%arg6 : memref<79x128xi32, #tpu.memory_space<vmem>>) target_semaphore(%run_scoped3A : memref<!tpu.dma_semaphore, #tpu.memory_space<semaphore_mem>>)
      %dma_wait3A = arith.constant 0 : i32
      %dma_wait3A_33 = arith.constant 0 : i32
      %dma_wait3A_34 = tpu.memref_slice %arg3[%add3A, %dma_wait3A, %dma_wait3A_33] : memref<32x79x128xi32, #tpu.memory_space<hbm>> -> memref<1x79x128xi32, #tpu.memory_space<hbm>>
      %dma_wait3A_35 = tpu.memref_squeeze %dma_wait3A_34 : memref<1x79x128xi32, #tpu.memory_space<hbm>> -> memref<79x128xi32, #tpu.memory_space<hbm>>
      %dma_wait3A_36 = arith.constant 0 : i32
      %dma_wait3A_37 = arith.constant 0 : i32
      %dma_wait3A_38 = tpu.memref_slice %arg3[%add3A, %dma_wait3A_36, %dma_wait3A_37] : memref<32x79x128xi32, #tpu.memory_space<hbm>> -> memref<1x79x128xi32, #tpu.memory_space<hbm>>
      %dma_wait3A_39 = tpu.memref_squeeze %dma_wait3A_38 : memref<1x79x128xi32, #tpu.memory_space<hbm>> -> memref<79x128xi32, #tpu.memory_space<hbm>>
      tpu.wait_dma2 semaphore(%run_scoped3A : memref<!tpu.dma_semaphore, #tpu.memory_space<semaphore_mem>>) src(%dma_wait3A_39 : memref<79x128xi32, #tpu.memory_space<hbm>>) dst(%arg6 : memref<79x128xi32, #tpu.memory_space<vmem>>)
      tpu.yield
    }) : () -> ()
    "tpu.region"() ({
      %run_scoped3A = tpu.sem_alloc : memref<!tpu.dma_semaphore, #tpu.memory_space<semaphore_mem>>
      %dma_start3A = arith.constant 0 : i32
      %dma_start3A_26 = arith.constant 0 : i32
      %dma_start3A_27 = tpu.memref_slice %arg4[%add3A, %dma_start3A, %dma_start3A_26] : memref<32x79x128xi32, #tpu.memory_space<hbm>> -> memref<1x79x128xi32, #tpu.memory_space<hbm>>
      %dma_start3A_28 = tpu.memref_squeeze %dma_start3A_27 : memref<1x79x128xi32, #tpu.memory_space<hbm>> -> memref<79x128xi32, #tpu.memory_space<hbm>>
      %dma_start3A_29 = arith.constant 0 : i32
      %dma_start3A_30 = arith.constant 0 : i32
      %dma_start3A_31 = tpu.memref_slice %arg4[%add3A, %dma_start3A_29, %dma_start3A_30] : memref<32x79x128xi32, #tpu.memory_space<hbm>> -> memref<1x79x128xi32, #tpu.memory_space<hbm>>
      %dma_start3A_32 = tpu.memref_squeeze %dma_start3A_31 : memref<1x79x128xi32, #tpu.memory_space<hbm>> -> memref<79x128xi32, #tpu.memory_space<hbm>>
      tpu.enqueue_dma source(%dma_start3A_32 : memref<79x128xi32, #tpu.memory_space<hbm>>) target(%arg7 : memref<79x128xi32, #tpu.memory_space<vmem>>) target_semaphore(%run_scoped3A : memref<!tpu.dma_semaphore, #tpu.memory_space<semaphore_mem>>)
      %dma_wait3A = arith.constant 0 : i32
      %dma_wait3A_33 = arith.constant 0 : i32
      %dma_wait3A_34 = tpu.memref_slice %arg4[%add3A, %dma_wait3A, %dma_wait3A_33] : memref<32x79x128xi32, #tpu.memory_space<hbm>> -> memref<1x79x128xi32, #tpu.memory_space<hbm>>
      %dma_wait3A_35 = tpu.memref_squeeze %dma_wait3A_34 : memref<1x79x128xi32, #tpu.memory_space<hbm>> -> memref<79x128xi32, #tpu.memory_space<hbm>>
      %dma_wait3A_36 = arith.constant 0 : i32
      %dma_wait3A_37 = arith.constant 0 : i32
      %dma_wait3A_38 = tpu.memref_slice %arg4[%add3A, %dma_wait3A_36, %dma_wait3A_37] : memref<32x79x128xi32, #tpu.memory_space<hbm>> -> memref<1x79x128xi32, #tpu.memory_space<hbm>>
      %dma_wait3A_39 = tpu.memref_squeeze %dma_wait3A_38 : memref<1x79x128xi32, #tpu.memory_space<hbm>> -> memref<79x128xi32, #tpu.memory_space<hbm>>
      tpu.wait_dma2 semaphore(%run_scoped3A : memref<!tpu.dma_semaphore, #tpu.memory_space<semaphore_mem>>) src(%dma_wait3A_39 : memref<79x128xi32, #tpu.memory_space<hbm>>) dst(%arg7 : memref<79x128xi32, #tpu.memory_space<vmem>>)
      tpu.yield
    }) : () -> ()
    %barrier3A = arith.constant 0 : index
    tpu.barrier barrier_id(%barrier3A)
    %scan3A_19 = arith.constant 0 : i32
    %scan3A_20 = arith.constant 0 : i32
    %scan3A_21 = arith.constant 79 : i32
    %scan3A_22 = arith.addi %scan3A_20, %scan3A_21 : i32
    %scan3A_23 = arith.constant 1 : i32
    scf.for %scan3A_26 = %scan3A_20 to %scan3A_22 step %scan3A_23  : i32 {
      "tpu.region"() ({
        %run_scoped3A = tpu.sem_alloc : memref<!tpu.dma_semaphore, #tpu.memory_space<semaphore_mem>>
        %dma_start3A = arith.constant 0 : i32
        %dma_start3A_27 = tpu.memref_slice %arg6[%scan3A_26, %dma_start3A] : memref<79x128xi32, #tpu.memory_space<vmem>> -> memref<1x128xi32, #tpu.memory_space<vmem>>
        %dma_start3A_28 = tpu.memref_squeeze %dma_start3A_27 : memref<1x128xi32, #tpu.memory_space<vmem>> -> memref<128xi32, #tpu.memory_space<vmem>>
        %dma_start3A_29 = arith.constant 0 : i32
        %dma_start3A_30 = arith.constant 0 : i32
        %dma_start3A_31 = tpu.memref_slice %arg2[%dma_start3A_29, %dma_start3A_30] : memref<10240x128xf32, #tpu.memory_space<hbm>> -> memref<10240x128xf32, #tpu.memory_space<hbm>>
        tpu.enqueue_indirect_dma source(%dma_start3A_31 : memref<10240x128xf32, #tpu.memory_space<hbm>>) target(%arg8 : memref<128x128xf32, #tpu.memory_space<vmem>>) offsets(%dma_start3A_28 : memref<128xi32, #tpu.memory_space<vmem>>) semaphore(%run_scoped3A : memref<!tpu.dma_semaphore, #tpu.memory_space<semaphore_mem>>)
        %dma_wait3A = arith.constant 0 : i32
        %dma_wait3A_32 = tpu.memref_slice %arg6[%scan3A_26, %dma_wait3A] : memref<79x128xi32, #tpu.memory_space<vmem>> -> memref<1x128xi32, #tpu.memory_space<vmem>>
        %dma_wait3A_33 = tpu.memref_squeeze %dma_wait3A_32 : memref<1x128xi32, #tpu.memory_space<vmem>> -> memref<128xi32, #tpu.memory_space<vmem>>
        %dma_wait3A_34 = arith.constant 0 : i32
        %dma_wait3A_35 = arith.constant 0 : i32
        %dma_wait3A_36 = tpu.memref_slice %arg2[%dma_wait3A_34, %dma_wait3A_35] : memref<10240x128xf32, #tpu.memory_space<hbm>> -> memref<10240x128xf32, #tpu.memory_space<hbm>>
        tpu.wait_indirect_dma semaphore(%run_scoped3A : memref<!tpu.dma_semaphore, #tpu.memory_space<semaphore_mem>>) src(%dma_wait3A_36 : memref<10240x128xf32, #tpu.memory_space<hbm>>) dst(%arg8 : memref<128x128xf32, #tpu.memory_space<vmem>>)
        tpu.yield
      }) : () -> ()
      "tpu.region"() ({
        %run_scoped3A = tpu.sem_alloc : memref<!tpu.dma_semaphore, #tpu.memory_space<semaphore_mem>>
        %dma_start3A = arith.constant 0 : i32
        %dma_start3A_27 = tpu.memref_slice %arg7[%scan3A_26, %dma_start3A] : memref<79x128xi32, #tpu.memory_space<vmem>> -> memref<1x128xi32, #tpu.memory_space<vmem>>
        %dma_start3A_28 = tpu.memref_squeeze %dma_start3A_27 : memref<1x128xi32, #tpu.memory_space<vmem>> -> memref<128xi32, #tpu.memory_space<vmem>>
        %dma_start3A_29 = arith.constant 0 : i32
        %dma_start3A_30 = arith.constant 0 : i32
        %dma_start3A_31 = tpu.memref_slice %arg9[%dma_start3A_29, %dma_start3A_30] : memref<10240x128xf32, #tpu.memory_space<vmem_shared>> -> memref<10240x128xf32, #tpu.memory_space<vmem_shared>>
        tpu.enqueue_indirect_dma source(%arg8 : memref<128x128xf32, #tpu.memory_space<vmem>>) target(%dma_start3A_31 : memref<10240x128xf32, #tpu.memory_space<vmem_shared>>) offsets(%dma_start3A_28 : memref<128xi32, #tpu.memory_space<vmem>>) semaphore(%run_scoped3A : memref<!tpu.dma_semaphore, #tpu.memory_space<semaphore_mem>>) {add = true}
        %dma_wait3A = arith.constant 0 : i32
        %dma_wait3A_32 = tpu.memref_slice %arg7[%scan3A_26, %dma_wait3A] : memref<79x128xi32, #tpu.memory_space<vmem>> -> memref<1x128xi32, #tpu.memory_space<vmem>>
        %dma_wait3A_33 = tpu.memref_squeeze %dma_wait3A_32 : memref<1x128xi32, #tpu.memory_space<vmem>> -> memref<128xi32, #tpu.memory_space<vmem>>
        %dma_wait3A_34 = arith.constant 0 : i32
        %dma_wait3A_35 = arith.constant 0 : i32
        %dma_wait3A_36 = tpu.memref_slice %arg9[%dma_wait3A_34, %dma_wait3A_35] : memref<10240x128xf32, #tpu.memory_space<vmem_shared>> -> memref<10240x128xf32, #tpu.memory_space<vmem_shared>>
        tpu.wait_indirect_dma semaphore(%run_scoped3A : memref<!tpu.dma_semaphore, #tpu.memory_space<semaphore_mem>>) src(%arg8 : memref<128x128xf32, #tpu.memory_space<vmem>>) dst(%dma_wait3A_36 : memref<10240x128xf32, #tpu.memory_space<vmem_shared>>)
        tpu.yield
      }) : () -> ()
    }
    %scan3A_24 = arith.constant 79 : i32
    %barrier3A_25 = arith.constant 0 : index
    tpu.barrier barrier_id(%barrier3A_25)
    "tpu.region"() ({
      %run_scoped3A = tpu.sem_alloc : memref<!tpu.dma_semaphore, #tpu.memory_space<semaphore_mem>>
      %dma_start3A = arith.constant 0 : i32
      %dma_start3A_26 = tpu.memref_slice %arg5[%arg0, %mul3A_2, %dma_start3A] : memref<2x10240x128xf32, #tpu.memory_space<hbm>> -> memref<1x640x128xf32, #tpu.memory_space<hbm>>
      %dma_start3A_27 = tpu.memref_squeeze %dma_start3A_26 : memref<1x640x128xf32, #tpu.memory_space<hbm>> -> memref<640x128xf32, #tpu.memory_space<hbm>>
      %dma_start3A_28 = arith.constant 0 : i32
      %dma_start3A_29 = tpu.memref_slice %arg9[%mul3A_2, %dma_start3A_28] : memref<10240x128xf32, #tpu.memory_space<vmem_shared>> -> memref<640x128xf32, #tpu.memory_space<vmem_shared>>
      tpu.enqueue_dma source(%dma_start3A_29 : memref<640x128xf32, #tpu.memory_space<vmem_shared>>) target(%dma_start3A_27 : memref<640x128xf32, #tpu.memory_space<hbm>>) target_semaphore(%run_scoped3A : memref<!tpu.dma_semaphore, #tpu.memory_space<semaphore_mem>>)
      %dma_wait3A = arith.constant 0 : i32
      %dma_wait3A_30 = tpu.memref_slice %arg5[%arg0, %mul3A_2, %dma_wait3A] : memref<2x10240x128xf32, #tpu.memory_space<hbm>> -> memref<1x640x128xf32, #tpu.memory_space<hbm>>
      %dma_wait3A_31 = tpu.memref_squeeze %dma_wait3A_30 : memref<1x640x128xf32, #tpu.memory_space<hbm>> -> memref<640x128xf32, #tpu.memory_space<hbm>>
      %dma_wait3A_32 = arith.constant 0 : i32
      %dma_wait3A_33 = tpu.memref_slice %arg9[%mul3A_2, %dma_wait3A_32] : memref<10240x128xf32, #tpu.memory_space<vmem_shared>> -> memref<640x128xf32, #tpu.memory_space<vmem_shared>>
      tpu.wait_dma2 semaphore(%run_scoped3A : memref<!tpu.dma_semaphore, #tpu.memory_space<semaphore_mem>>) src(%dma_wait3A_33 : memref<640x128xf32, #tpu.memory_space<vmem_shared>>) dst(%dma_wait3A_31 : memref<640x128xf32, #tpu.memory_space<hbm>>)
      tpu.yield
    }) : () -> ()
    return
  }
}

#map = affine_map<(d0, d1) -> (0, 0)>
#map1 = affine_map<(d0, d1) -> (0, 0, 0)>
module attributes {stable_mosaic.version = 14 : i64} {
  func.func @body(%arg0: i32, %arg1: i32, %arg2: memref<10240x128xf32, #tpu.memory_space<hbm>>, %arg3: memref<32x79x128xi32, #tpu.memory_space<hbm>>, %arg4: memref<32x79x128xi32, #tpu.memory_space<hbm>>, %arg5: memref<2x10240x128xf32, #tpu.memory_space<hbm>>, %arg6: memref<79x128xi32, #tpu.memory_space<vmem>>, %arg7: memref<79x128xi32, #tpu.memory_space<vmem>>, %arg8: memref<128x128xf32, #tpu.memory_space<vmem>>, %arg9: memref<10240x128xf32, #tpu.memory_space<vmem_shared>>) attributes {dimension_semantics = [#tpu.dimension_semantics<core_parallel>, #tpu.dimension_semantics<subcore_parallel>], iteration_bounds = array<i64: 2, 16>, scalar_prefetch = 0 : i64, scratch_operands = 4 : i64, tpu.core_type = #tpu.core_type<sc_vector_subcore>, window_params = [{transform_indices = #map}, {transform_indices = #map1}, {transform_indices = #map1}, {transform_indices = #map1}]} {
    %mul3A = arith.constant 2 : i32
    %mul3A_0 = arith.muli %arg1, %mul3A : i32
    %add3A = arith.addi %mul3A_0, %arg0 : i32
    %mul3A_1 = arith.constant 640 : i32
    %mul3A_2 = arith.muli %arg1, %mul3A_1 : i32
    %broadcast_in_dim3A = arith.constant 0.000000e+00 : f32
    %broadcast_in_dim3A_3 = vector.broadcast %broadcast_in_dim3A : f32 to vector<16xf32>
    %scan3A = arith.constant 0 : i32
    %scan3A_4 = arith.constant 0 : i32
    %scan3A_5 = arith.constant 128 : i32
    %scan3A_6 = arith.addi %scan3A_4, %scan3A_5 : i32
    %scan3A_7 = arith.constant 1 : i32
    scf.for %scan3A_26 = %scan3A_4 to %scan3A_6 step %scan3A_7  : i32 {
      %swap3A = arith.index_cast %scan3A_26 : i32 to index
      %swap3A_27 = arith.constant 0 : index
      %swap3A_28 = tpu.vector_load %arg8[%swap3A, %swap3A_27] {strides = array<i32>} : memref<128x128xf32, #tpu.memory_space<vmem>>, vector<1x16xf32>,
      %swap3A_29 = vector.shape_cast %swap3A_28 : vector<1x16xf32> to vector<16xf32>
      %swap3A_30 = vector.shape_cast %broadcast_in_dim3A_3 : vector<16xf32> to vector<1x16xf32>
      tpu.vector_store %arg8[%swap3A, %swap3A_27], %swap3A_30 {strides = array<i32>} : memref<128x128xf32, #tpu.memory_space<vmem>>, vector<1x16xf32>,
      %swap3A_31 = arith.index_cast %scan3A_26 : i32 to index
      %swap3A_32 = arith.constant 16 : index
      %swap3A_33 = tpu.vector_load %arg8[%swap3A_31, %swap3A_32] {strides = array<i32>} : memref<128x128xf32, #tpu.memory_space<vmem>>, vector<1x16xf32>,
      %swap3A_34 = vector.shape_cast %swap3A_33 : vector<1x16xf32> to vector<16xf32>
      %swap3A_35 = vector.shape_cast %broadcast_in_dim3A_3 : vector<16xf32> to vector<1x16xf32>
      tpu.vector_store %arg8[%swap3A_31, %swap3A_32], %swap3A_35 {strides = array<i32>} : memref<128x128xf32, #tpu.memory_space<vmem>>, vector<1x16xf32>,
      %swap3A_36 = arith.index_cast %scan3A_26 : i32 to index
      %swap3A_37 = arith.constant 32 : index
      %swap3A_38 = tpu.vector_load %arg8[%swap3A_36, %swap3A_37] {strides = array<i32>} : memref<128x128xf32, #tpu.memory_space<vmem>>, vector<1x16xf32>,
      %swap3A_39 = vector.shape_cast %swap3A_38 : vector<1x16xf32> to vector<16xf32>
      %swap3A_40 = vector.shape_cast %broadcast_in_dim3A_3 : vector<16xf32> to vector<1x16xf32>
      tpu.vector_store %arg8[%swap3A_36, %swap3A_37], %swap3A_40 {strides = array<i32>} : memref<128x128xf32, #tpu.memory_space<vmem>>, vector<1x16xf32>,
      %swap3A_41 = arith.index_cast %scan3A_26 : i32 to index
      %swap3A_42 = arith.constant 48 : index
      %swap3A_43 = tpu.vector_load %arg8[%swap3A_41, %swap3A_42] {strides = array<i32>} : memref<128x128xf32, #tpu.memory_space<vmem>>, vector<1x16xf32>,
      %swap3A_44 = vector.shape_cast %swap3A_43 : vector<1x16xf32> to vector<16xf32>
      %swap3A_45 = vector.shape_cast %broadcast_in_dim3A_3 : vector<16xf32> to vector<1x16xf32>
      tpu.vector_store %arg8[%swap3A_41, %swap3A_42], %swap3A_45 {strides = array<i32>} : memref<128x128xf32, #tpu.memory_space<vmem>>, vector<1x16xf32>,
      %swap3A_46 = arith.index_cast %scan3A_26 : i32 to index
      %swap3A_47 = arith.constant 64 : index
      %swap3A_48 = tpu.vector_load %arg8[%swap3A_46, %swap3A_47] {strides = array<i32>} : memref<128x128xf32, #tpu.memory_space<vmem>>, vector<1x16xf32>,
      %swap3A_49 = vector.shape_cast %swap3A_48 : vector<1x16xf32> to vector<16xf32>
      %swap3A_50 = vector.shape_cast %broadcast_in_dim3A_3 : vector<16xf32> to vector<1x16xf32>
      tpu.vector_store %arg8[%swap3A_46, %swap3A_47], %swap3A_50 {strides = array<i32>} : memref<128x128xf32, #tpu.memory_space<vmem>>, vector<1x16xf32>,
      %swap3A_51 = arith.index_cast %scan3A_26 : i32 to index
      %swap3A_52 = arith.constant 80 : index
      %swap3A_53 = tpu.vector_load %arg8[%swap3A_51, %swap3A_52] {strides = array<i32>} : memref<128x128xf32, #tpu.memory_space<vmem>>, vector<1x16xf32>,
      %swap3A_54 = vector.shape_cast %swap3A_53 : vector<1x16xf32> to vector<16xf32>
      %swap3A_55 = vector.shape_cast %broadcast_in_dim3A_3 : vector<16xf32> to vector<1x16xf32>
      tpu.vector_store %arg8[%swap3A_51, %swap3A_52], %swap3A_55 {strides = array<i32>} : memref<128x128xf32, #tpu.memory_space<vmem>>, vector<1x16xf32>,
      %swap3A_56 = arith.index_cast %scan3A_26 : i32 to index
      %swap3A_57 = arith.constant 96 : index
      %swap3A_58 = tpu.vector_load %arg8[%swap3A_56, %swap3A_57] {strides = array<i32>} : memref<128x128xf32, #tpu.memory_space<vmem>>, vector<1x16xf32>,
      %swap3A_59 = vector.shape_cast %swap3A_58 : vector<1x16xf32> to vector<16xf32>
      %swap3A_60 = vector.shape_cast %broadcast_in_dim3A_3 : vector<16xf32> to vector<1x16xf32>
      tpu.vector_store %arg8[%swap3A_56, %swap3A_57], %swap3A_60 {strides = array<i32>} : memref<128x128xf32, #tpu.memory_space<vmem>>, vector<1x16xf32>,
      %swap3A_61 = arith.index_cast %scan3A_26 : i32 to index
      %swap3A_62 = arith.constant 112 : index
      %swap3A_63 = tpu.vector_load %arg8[%swap3A_61, %swap3A_62] {strides = array<i32>} : memref<128x128xf32, #tpu.memory_space<vmem>>, vector<1x16xf32>,
      %swap3A_64 = vector.shape_cast %swap3A_63 : vector<1x16xf32> to vector<16xf32>
      %swap3A_65 = vector.shape_cast %broadcast_in_dim3A_3 : vector<16xf32> to vector<1x16xf32>
      tpu.vector_store %arg8[%swap3A_61, %swap3A_62], %swap3A_65 {strides = array<i32>} : memref<128x128xf32, #tpu.memory_space<vmem>>, vector<1x16xf32>,
    }
    %scan3A_8 = arith.constant 128 : i32
    %add3A_9 = arith.constant 0 : i32
    %add3A_10 = arith.addi %mul3A_2, %add3A_9 : i32
    "tpu.region"() ({
      %run_scoped3A = tpu.sem_alloc : memref<!tpu.dma_semaphore, #tpu.memory_space<semaphore_mem>>
      %dma_start3A = arith.constant 0 : i32
      %dma_start3A_26 = arith.constant 0 : i32
      %dma_start3A_27 = tpu.memref_slice %arg8[%dma_start3A, %dma_start3A_26] : memref<128x128xf32, #tpu.memory_space<vmem>> -> memref<128x128xf32, #tpu.memory_space<vmem>>
      %dma_start3A_28 = arith.constant 0 : i32
      %dma_start3A_29 = tpu.memref_slice %arg9[%add3A_10, %dma_start3A_28] : memref<10240x128xf32, #tpu.memory_space<vmem_shared>> -> memref<128x128xf32, #tpu.memory_space<vmem_shared>>
      %dma_start3A_30 = arith.constant 0 : i32
      %dma_start3A_31 = tpu.memref_slice %arg9[%add3A_10, %dma_start3A_30] : memref<10240x128xf32, #tpu.memory_space<vmem_shared>> -> memref<128x128xf32, #tpu.memory_space<vmem_shared>>
      %dma_start3A_32 = arith.constant 0 : i32
      %dma_start3A_33 = arith.constant 0 : i32
      %dma_start3A_34 = tpu.memref_slice %arg8[%dma_start3A_32, %dma_start3A_33] : memref<128x128xf32, #tpu.memory_space<vmem>> -> memref<128x128xf32, #tpu.memory_space<vmem>>
      tpu.enqueue_dma source(%dma_start3A_34 : memref<128x128xf32, #tpu.memory_space<vmem>>) target(%dma_start3A_31 : memref<128x128xf32, #tpu.memory_space<vmem_shared>>) target_semaphore(%run_scoped3A : memref<!tpu.dma_semaphore, #tpu.memory_space<semaphore_mem>>)
      %dma_wait3A = arith.constant 0 : i32
      %dma_wait3A_35 = arith.constant 0 : i32
      %dma_wait3A_36 = tpu.memref_slice %arg8[%dma_wait3A, %dma_wait3A_35] : memref<128x128xf32, #tpu.memory_space<vmem>> -> memref<128x128xf32, #tpu.memory_space<vmem>>
      %dma_wait3A_37 = arith.constant 0 : i32
      %dma_wait3A_38 = tpu.memref_slice %arg9[%add3A_10, %dma_wait3A_37] : memref<10240x128xf32, #tpu.memory_space<vmem_shared>> -> memref<128x128xf32, #tpu.memory_space<vmem_shared>>
      %dma_wait3A_39 = arith.constant 0 : i32
      %dma_wait3A_40 = tpu.memref_slice %arg9[%add3A_10, %dma_wait3A_39] : memref<10240x128xf32, #tpu.memory_space<vmem_shared>> -> memref<128x128xf32, #tpu.memory_space<vmem_shared>>
      %dma_wait3A_41 = arith.constant 0 : i32
      %dma_wait3A_42 = arith.constant 0 : i32
      %dma_wait3A_43 = tpu.memref_slice %arg8[%dma_wait3A_41, %dma_wait3A_42] : memref<128x128xf32, #tpu.memory_space<vmem>> -> memref<128x128xf32, #tpu.memory_space<vmem>>
      tpu.wait_dma2 semaphore(%run_scoped3A : memref<!tpu.dma_semaphore, #tpu.memory_space<semaphore_mem>>) src(%dma_wait3A_43 : memref<128x128xf32, #tpu.memory_space<vmem>>) dst(%dma_wait3A_40 : memref<128x128xf32, #tpu.memory_space<vmem_shared>>)
      tpu.yield
    }) : () -> ()
    %add3A_11 = arith.constant 128 : i32
    %add3A_12 = arith.addi %mul3A_2, %add3A_11 : i32
    "tpu.region"() ({
      %run_scoped3A = tpu.sem_alloc : memref<!tpu.dma_semaphore, #tpu.memory_space<semaphore_mem>>
      %dma_start3A = arith.constant 0 : i32
      %dma_start3A_26 = arith.constant 0 : i32
      %dma_start3A_27 = tpu.memref_slice %arg8[%dma_start3A, %dma_start3A_26] : memref<128x128xf32, #tpu.memory_space<vmem>> -> memref<128x128xf32, #tpu.memory_space<vmem>>
      %dma_start3A_28 = arith.constant 0 : i32
      %dma_start3A_29 = tpu.memref_slice %arg9[%add3A_12, %dma_start3A_28] : memref<10240x128xf32, #tpu.memory_space<vmem_shared>> -> memref<128x128xf32, #tpu.memory_space<vmem_shared>>
      %dma_start3A_30 = arith.constant 0 : i32
      %dma_start3A_31 = tpu.memref_slice %arg9[%add3A_12, %dma_start3A_30] : memref<10240x128xf32, #tpu.memory_space<vmem_shared>> -> memref<128x128xf32, #tpu.memory_space<vmem_shared>>
      %dma_start3A_32 = arith.constant 0 : i32
      %dma_start3A_33 = arith.constant 0 : i32
      %dma_start3A_34 = tpu.memref_slice %arg8[%dma_start3A_32, %dma_start3A_33] : memref<128x128xf32, #tpu.memory_space<vmem>> -> memref<128x128xf32, #tpu.memory_space<vmem>>
      tpu.enqueue_dma source(%dma_start3A_34 : memref<128x128xf32, #tpu.memory_space<vmem>>) target(%dma_start3A_31 : memref<128x128xf32, #tpu.memory_space<vmem_shared>>) target_semaphore(%run_scoped3A : memref<!tpu.dma_semaphore, #tpu.memory_space<semaphore_mem>>)
      %dma_wait3A = arith.constant 0 : i32
      %dma_wait3A_35 = arith.constant 0 : i32
      %dma_wait3A_36 = tpu.memref_slice %arg8[%dma_wait3A, %dma_wait3A_35] : memref<128x128xf32, #tpu.memory_space<vmem>> -> memref<128x128xf32, #tpu.memory_space<vmem>>
      %dma_wait3A_37 = arith.constant 0 : i32
      %dma_wait3A_38 = tpu.memref_slice %arg9[%add3A_12, %dma_wait3A_37] : memref<10240x128xf32, #tpu.memory_space<vmem_shared>> -> memref<128x128xf32, #tpu.memory_space<vmem_shared>>
      %dma_wait3A_39 = arith.constant 0 : i32
      %dma_wait3A_40 = tpu.memref_slice %arg9[%add3A_12, %dma_wait3A_39] : memref<10240x128xf32, #tpu.memory_space<vmem_shared>> -> memref<128x128xf32, #tpu.memory_space<vmem_shared>>
      %dma_wait3A_41 = arith.constant 0 : i32
      %dma_wait3A_42 = arith.constant 0 : i32
      %dma_wait3A_43 = tpu.memref_slice %arg8[%dma_wait3A_41, %dma_wait3A_42] : memref<128x128xf32, #tpu.memory_space<vmem>> -> memref<128x128xf32, #tpu.memory_space<vmem>>
      tpu.wait_dma2 semaphore(%run_scoped3A : memref<!tpu.dma_semaphore, #tpu.memory_space<semaphore_mem>>) src(%dma_wait3A_43 : memref<128x128xf32, #tpu.memory_space<vmem>>) dst(%dma_wait3A_40 : memref<128x128xf32, #tpu.memory_space<vmem_shared>>)
      tpu.yield
    }) : () -> ()
    %add3A_13 = arith.constant 256 : i32
    %add3A_14 = arith.addi %mul3A_2, %add3A_13 : i32
    "tpu.region"() ({
      %run_scoped3A = tpu.sem_alloc : memref<!tpu.dma_semaphore, #tpu.memory_space<semaphore_mem>>
      %dma_start3A = arith.constant 0 : i32
      %dma_start3A_26 = arith.constant 0 : i32
      %dma_start3A_27 = tpu.memref_slice %arg8[%dma_start3A, %dma_start3A_26] : memref<128x128xf32, #tpu.memory_space<vmem>> -> memref<128x128xf32, #tpu.memory_space<vmem>>
      %dma_start3A_28 = arith.constant 0 : i32
      %dma_start3A_29 = tpu.memref_slice %arg9[%add3A_14, %dma_start3A_28] : memref<10240x128xf32, #tpu.memory_space<vmem_shared>> -> memref<128x128xf32, #tpu.memory_space<vmem_shared>>
      %dma_start3A_30 = arith.constant 0 : i32
      %dma_start3A_31 = tpu.memref_slice %arg9[%add3A_14, %dma_start3A_30] : memref<10240x128xf32, #tpu.memory_space<vmem_shared>> -> memref<128x128xf32, #tpu.memory_space<vmem_shared>>
      %dma_start3A_32 = arith.constant 0 : i32
      %dma_start3A_33 = arith.constant 0 : i32
      %dma_start3A_34 = tpu.memref_slice %arg8[%dma_start3A_32, %dma_start3A_33] : memref<128x128xf32, #tpu.memory_space<vmem>> -> memref<128x128xf32, #tpu.memory_space<vmem>>
      tpu.enqueue_dma source(%dma_start3A_34 : memref<128x128xf32, #tpu.memory_space<vmem>>) target(%dma_start3A_31 : memref<128x128xf32, #tpu.memory_space<vmem_shared>>) target_semaphore(%run_scoped3A : memref<!tpu.dma_semaphore, #tpu.memory_space<semaphore_mem>>)
      %dma_wait3A = arith.constant 0 : i32
      %dma_wait3A_35 = arith.constant 0 : i32
      %dma_wait3A_36 = tpu.memref_slice %arg8[%dma_wait3A, %dma_wait3A_35] : memref<128x128xf32, #tpu.memory_space<vmem>> -> memref<128x128xf32, #tpu.memory_space<vmem>>
      %dma_wait3A_37 = arith.constant 0 : i32
      %dma_wait3A_38 = tpu.memref_slice %arg9[%add3A_14, %dma_wait3A_37] : memref<10240x128xf32, #tpu.memory_space<vmem_shared>> -> memref<128x128xf32, #tpu.memory_space<vmem_shared>>
      %dma_wait3A_39 = arith.constant 0 : i32
      %dma_wait3A_40 = tpu.memref_slice %arg9[%add3A_14, %dma_wait3A_39] : memref<10240x128xf32, #tpu.memory_space<vmem_shared>> -> memref<128x128xf32, #tpu.memory_space<vmem_shared>>
      %dma_wait3A_41 = arith.constant 0 : i32
      %dma_wait3A_42 = arith.constant 0 : i32
      %dma_wait3A_43 = tpu.memref_slice %arg8[%dma_wait3A_41, %dma_wait3A_42] : memref<128x128xf32, #tpu.memory_space<vmem>> -> memref<128x128xf32, #tpu.memory_space<vmem>>
      tpu.wait_dma2 semaphore(%run_scoped3A : memref<!tpu.dma_semaphore, #tpu.memory_space<semaphore_mem>>) src(%dma_wait3A_43 : memref<128x128xf32, #tpu.memory_space<vmem>>) dst(%dma_wait3A_40 : memref<128x128xf32, #tpu.memory_space<vmem_shared>>)
      tpu.yield
    }) : () -> ()
    %add3A_15 = arith.constant 384 : i32
    %add3A_16 = arith.addi %mul3A_2, %add3A_15 : i32
    "tpu.region"() ({
      %run_scoped3A = tpu.sem_alloc : memref<!tpu.dma_semaphore, #tpu.memory_space<semaphore_mem>>
      %dma_start3A = arith.constant 0 : i32
      %dma_start3A_26 = arith.constant 0 : i32
      %dma_start3A_27 = tpu.memref_slice %arg8[%dma_start3A, %dma_start3A_26] : memref<128x128xf32, #tpu.memory_space<vmem>> -> memref<128x128xf32, #tpu.memory_space<vmem>>
      %dma_start3A_28 = arith.constant 0 : i32
      %dma_start3A_29 = tpu.memref_slice %arg9[%add3A_16, %dma_start3A_28] : memref<10240x128xf32, #tpu.memory_space<vmem_shared>> -> memref<128x128xf32, #tpu.memory_space<vmem_shared>>
      %dma_start3A_30 = arith.constant 0 : i32
      %dma_start3A_31 = tpu.memref_slice %arg9[%add3A_16, %dma_start3A_30] : memref<10240x128xf32, #tpu.memory_space<vmem_shared>> -> memref<128x128xf32, #tpu.memory_space<vmem_shared>>
      %dma_start3A_32 = arith.constant 0 : i32
      %dma_start3A_33 = arith.constant 0 : i32
      %dma_start3A_34 = tpu.memref_slice %arg8[%dma_start3A_32, %dma_start3A_33] : memref<128x128xf32, #tpu.memory_space<vmem>> -> memref<128x128xf32, #tpu.memory_space<vmem>>
      tpu.enqueue_dma source(%dma_start3A_34 : memref<128x128xf32, #tpu.memory_space<vmem>>) target(%dma_start3A_31 : memref<128x128xf32, #tpu.memory_space<vmem_shared>>) target_semaphore(%run_scoped3A : memref<!tpu.dma_semaphore, #tpu.memory_space<semaphore_mem>>)
      %dma_wait3A = arith.constant 0 : i32
      %dma_wait3A_35 = arith.constant 0 : i32
      %dma_wait3A_36 = tpu.memref_slice %arg8[%dma_wait3A, %dma_wait3A_35] : memref<128x128xf32, #tpu.memory_space<vmem>> -> memref<128x128xf32, #tpu.memory_space<vmem>>
      %dma_wait3A_37 = arith.constant 0 : i32
      %dma_wait3A_38 = tpu.memref_slice %arg9[%add3A_16, %dma_wait3A_37] : memref<10240x128xf32, #tpu.memory_space<vmem_shared>> -> memref<128x128xf32, #tpu.memory_space<vmem_shared>>
      %dma_wait3A_39 = arith.constant 0 : i32
      %dma_wait3A_40 = tpu.memref_slice %arg9[%add3A_16, %dma_wait3A_39] : memref<10240x128xf32, #tpu.memory_space<vmem_shared>> -> memref<128x128xf32, #tpu.memory_space<vmem_shared>>
      %dma_wait3A_41 = arith.constant 0 : i32
      %dma_wait3A_42 = arith.constant 0 : i32
      %dma_wait3A_43 = tpu.memref_slice %arg8[%dma_wait3A_41, %dma_wait3A_42] : memref<128x128xf32, #tpu.memory_space<vmem>> -> memref<128x128xf32, #tpu.memory_space<vmem>>
      tpu.wait_dma2 semaphore(%run_scoped3A : memref<!tpu.dma_semaphore, #tpu.memory_space<semaphore_mem>>) src(%dma_wait3A_43 : memref<128x128xf32, #tpu.memory_space<vmem>>) dst(%dma_wait3A_40 : memref<128x128xf32, #tpu.memory_space<vmem_shared>>)
      tpu.yield
    }) : () -> ()
    %add3A_17 = arith.constant 512 : i32
    %add3A_18 = arith.addi %mul3A_2, %add3A_17 : i32
    "tpu.region"() ({
      %run_scoped3A = tpu.sem_alloc : memref<!tpu.dma_semaphore, #tpu.memory_space<semaphore_mem>>
      %dma_start3A = arith.constant 0 : i32
      %dma_start3A_26 = arith.constant 0 : i32
      %dma_start3A_27 = tpu.memref_slice %arg8[%dma_start3A, %dma_start3A_26] : memref<128x128xf32, #tpu.memory_space<vmem>> -> memref<128x128xf32, #tpu.memory_space<vmem>>
      %dma_start3A_28 = arith.constant 0 : i32
      %dma_start3A_29 = tpu.memref_slice %arg9[%add3A_18, %dma_start3A_28] : memref<10240x128xf32, #tpu.memory_space<vmem_shared>> -> memref<128x128xf32, #tpu.memory_space<vmem_shared>>
      %dma_start3A_30 = arith.constant 0 : i32
      %dma_start3A_31 = tpu.memref_slice %arg9[%add3A_18, %dma_start3A_30] : memref<10240x128xf32, #tpu.memory_space<vmem_shared>> -> memref<128x128xf32, #tpu.memory_space<vmem_shared>>
      %dma_start3A_32 = arith.constant 0 : i32
      %dma_start3A_33 = arith.constant 0 : i32
      %dma_start3A_34 = tpu.memref_slice %arg8[%dma_start3A_32, %dma_start3A_33] : memref<128x128xf32, #tpu.memory_space<vmem>> -> memref<128x128xf32, #tpu.memory_space<vmem>>
      tpu.enqueue_dma source(%dma_start3A_34 : memref<128x128xf32, #tpu.memory_space<vmem>>) target(%dma_start3A_31 : memref<128x128xf32, #tpu.memory_space<vmem_shared>>) target_semaphore(%run_scoped3A : memref<!tpu.dma_semaphore, #tpu.memory_space<semaphore_mem>>)
      %dma_wait3A = arith.constant 0 : i32
      %dma_wait3A_35 = arith.constant 0 : i32
      %dma_wait3A_36 = tpu.memref_slice %arg8[%dma_wait3A, %dma_wait3A_35] : memref<128x128xf32, #tpu.memory_space<vmem>> -> memref<128x128xf32, #tpu.memory_space<vmem>>
      %dma_wait3A_37 = arith.constant 0 : i32
      %dma_wait3A_38 = tpu.memref_slice %arg9[%add3A_18, %dma_wait3A_37] : memref<10240x128xf32, #tpu.memory_space<vmem_shared>> -> memref<128x128xf32, #tpu.memory_space<vmem_shared>>
      %dma_wait3A_39 = arith.constant 0 : i32
      %dma_wait3A_40 = tpu.memref_slice %arg9[%add3A_18, %dma_wait3A_39] : memref<10240x128xf32, #tpu.memory_space<vmem_shared>> -> memref<128x128xf32, #tpu.memory_space<vmem_shared>>
      %dma_wait3A_41 = arith.constant 0 : i32
      %dma_wait3A_42 = arith.constant 0 : i32
      %dma_wait3A_43 = tpu.memref_slice %arg8[%dma_wait3A_41, %dma_wait3A_42] : memref<128x128xf32, #tpu.memory_space<vmem>> -> memref<128x128xf32, #tpu.memory_space<vmem>>
      tpu.wait_dma2 semaphore(%run_scoped3A : memref<!tpu.dma_semaphore, #tpu.memory_space<semaphore_mem>>) src(%dma_wait3A_43 : memref<128x128xf32, #tpu.memory_space<vmem>>) dst(%dma_wait3A_40 : memref<128x128xf32, #tpu.memory_space<vmem_shared>>)
      tpu.yield
    }) : () -> ()
    "tpu.region"() ({
      %run_scoped3A = tpu.sem_alloc : memref<!tpu.dma_semaphore, #tpu.memory_space<semaphore_mem>>
      %dma_start3A = arith.constant 0 : i32
      %dma_start3A_26 = arith.constant 0 : i32
      %dma_start3A_27 = tpu.memref_slice %arg3[%add3A, %dma_start3A, %dma_start3A_26] : memref<32x79x128xi32, #tpu.memory_space<hbm>> -> memref<1x79x128xi32, #tpu.memory_space<hbm>>
      %dma_start3A_28 = tpu.memref_squeeze %dma_start3A_27 : memref<1x79x128xi32, #tpu.memory_space<hbm>> -> memref<79x128xi32, #tpu.memory_space<hbm>>
      %dma_start3A_29 = arith.constant 0 : i32
      %dma_start3A_30 = arith.constant 0 : i32
      %dma_start3A_31 = tpu.memref_slice %arg3[%add3A, %dma_start3A_29, %dma_start3A_30] : memref<32x79x128xi32, #tpu.memory_space<hbm>> -> memref<1x79x128xi32, #tpu.memory_space<hbm>>
      %dma_start3A_32 = tpu.memref_squeeze %dma_start3A_31 : memref<1x79x128xi32, #tpu.memory_space<hbm>> -> memref<79x128xi32, #tpu.memory_space<hbm>>
      tpu.enqueue_dma source(%dma_start3A_32 : memref<79x128xi32, #tpu.memory_space<hbm>>) target(%arg6 : memref<79x128xi32, #tpu.memory_space<vmem>>) target_semaphore(%run_scoped3A : memref<!tpu.dma_semaphore, #tpu.memory_space<semaphore_mem>>)
      %dma_wait3A = arith.constant 0 : i32
      %dma_wait3A_33 = arith.constant 0 : i32
      %dma_wait3A_34 = tpu.memref_slice %arg3[%add3A, %dma_wait3A, %dma_wait3A_33] : memref<32x79x128xi32, #tpu.memory_space<hbm>> -> memref<1x79x128xi32, #tpu.memory_space<hbm>>
      %dma_wait3A_35 = tpu.memref_squeeze %dma_wait3A_34 : memref<1x79x128xi32, #tpu.memory_space<hbm>> -> memref<79x128xi32, #tpu.memory_space<hbm>>
      %dma_wait3A_36 = arith.constant 0 : i32
      %dma_wait3A_37 = arith.constant 0 : i32
      %dma_wait3A_38 = tpu.memref_slice %arg3[%add3A, %dma_wait3A_36, %dma_wait3A_37] : memref<32x79x128xi32, #tpu.memory_space<hbm>> -> memref<1x79x128xi32, #tpu.memory_space<hbm>>
      %dma_wait3A_39 = tpu.memref_squeeze %dma_wait3A_38 : memref<1x79x128xi32, #tpu.memory_space<hbm>> -> memref<79x128xi32, #tpu.memory_space<hbm>>
      tpu.wait_dma2 semaphore(%run_scoped3A : memref<!tpu.dma_semaphore, #tpu.memory_space<semaphore_mem>>) src(%dma_wait3A_39 : memref<79x128xi32, #tpu.memory_space<hbm>>) dst(%arg6 : memref<79x128xi32, #tpu.memory_space<vmem>>)
      tpu.yield
    }) : () -> ()
    "tpu.region"() ({
      %run_scoped3A = tpu.sem_alloc : memref<!tpu.dma_semaphore, #tpu.memory_space<semaphore_mem>>
      %dma_start3A = arith.constant 0 : i32
      %dma_start3A_26 = arith.constant 0 : i32
      %dma_start3A_27 = tpu.memref_slice %arg4[%add3A, %dma_start3A, %dma_start3A_26] : memref<32x79x128xi32, #tpu.memory_space<hbm>> -> memref<1x79x128xi32, #tpu.memory_space<hbm>>
      %dma_start3A_28 = tpu.memref_squeeze %dma_start3A_27 : memref<1x79x128xi32, #tpu.memory_space<hbm>> -> memref<79x128xi32, #tpu.memory_space<hbm>>
      %dma_start3A_29 = arith.constant 0 : i32
      %dma_start3A_30 = arith.constant 0 : i32
      %dma_start3A_31 = tpu.memref_slice %arg4[%add3A, %dma_start3A_29, %dma_start3A_30] : memref<32x79x128xi32, #tpu.memory_space<hbm>> -> memref<1x79x128xi32, #tpu.memory_space<hbm>>
      %dma_start3A_32 = tpu.memref_squeeze %dma_start3A_31 : memref<1x79x128xi32, #tpu.memory_space<hbm>> -> memref<79x128xi32, #tpu.memory_space<hbm>>
      tpu.enqueue_dma source(%dma_start3A_32 : memref<79x128xi32, #tpu.memory_space<hbm>>) target(%arg7 : memref<79x128xi32, #tpu.memory_space<vmem>>) target_semaphore(%run_scoped3A : memref<!tpu.dma_semaphore, #tpu.memory_space<semaphore_mem>>)
      %dma_wait3A = arith.constant 0 : i32
      %dma_wait3A_33 = arith.constant 0 : i32
      %dma_wait3A_34 = tpu.memref_slice %arg4[%add3A, %dma_wait3A, %dma_wait3A_33] : memref<32x79x128xi32, #tpu.memory_space<hbm>> -> memref<1x79x128xi32, #tpu.memory_space<hbm>>
      %dma_wait3A_35 = tpu.memref_squeeze %dma_wait3A_34 : memref<1x79x128xi32, #tpu.memory_space<hbm>> -> memref<79x128xi32, #tpu.memory_space<hbm>>
      %dma_wait3A_36 = arith.constant 0 : i32
      %dma_wait3A_37 = arith.constant 0 : i32
      %dma_wait3A_38 = tpu.memref_slice %arg4[%add3A, %dma_wait3A_36, %dma_wait3A_37] : memref<32x79x128xi32, #tpu.memory_space<hbm>> -> memref<1x79x128xi32, #tpu.memory_space<hbm>>
      %dma_wait3A_39 = tpu.memref_squeeze %dma_wait3A_38 : memref<1x79x128xi32, #tpu.memory_space<hbm>> -> memref<79x128xi32, #tpu.memory_space<hbm>>
      tpu.wait_dma2 semaphore(%run_scoped3A : memref<!tpu.dma_semaphore, #tpu.memory_space<semaphore_mem>>) src(%dma_wait3A_39 : memref<79x128xi32, #tpu.memory_space<hbm>>) dst(%arg7 : memref<79x128xi32, #tpu.memory_space<vmem>>)
      tpu.yield
    }) : () -> ()
    %barrier3A = arith.constant 0 : index
    tpu.barrier barrier_id(%barrier3A)
    %scan3A_19 = arith.constant 0 : i32
    %scan3A_20 = arith.constant 0 : i32
    %scan3A_21 = arith.constant 79 : i32
    %scan3A_22 = arith.addi %scan3A_20, %scan3A_21 : i32
    %scan3A_23 = arith.constant 1 : i32
    scf.for %scan3A_26 = %scan3A_20 to %scan3A_22 step %scan3A_23  : i32 {
      "tpu.region"() ({
        %run_scoped3A = tpu.sem_alloc : memref<!tpu.dma_semaphore, #tpu.memory_space<semaphore_mem>>
        %dma_start3A = arith.constant 0 : i32
        %dma_start3A_27 = tpu.memref_slice %arg6[%scan3A_26, %dma_start3A] : memref<79x128xi32, #tpu.memory_space<vmem>> -> memref<1x128xi32, #tpu.memory_space<vmem>>
        %dma_start3A_28 = tpu.memref_squeeze %dma_start3A_27 : memref<1x128xi32, #tpu.memory_space<vmem>> -> memref<128xi32, #tpu.memory_space<vmem>>
        %dma_start3A_29 = arith.constant 0 : i32
        %dma_start3A_30 = arith.constant 0 : i32
        %dma_start3A_31 = tpu.memref_slice %arg2[%dma_start3A_29, %dma_start3A_30] : memref<10240x128xf32, #tpu.memory_space<hbm>> -> memref<10240x128xf32, #tpu.memory_space<hbm>>
        tpu.enqueue_indirect_dma source(%dma_start3A_31 : memref<10240x128xf32, #tpu.memory_space<hbm>>) target(%arg8 : memref<128x128xf32, #tpu.memory_space<vmem>>) offsets(%dma_start3A_28 : memref<128xi32, #tpu.memory_space<vmem>>) semaphore(%run_scoped3A : memref<!tpu.dma_semaphore, #tpu.memory_space<semaphore_mem>>)
        %dma_wait3A = arith.constant 0 : i32
        %dma_wait3A_32 = tpu.memref_slice %arg6[%scan3A_26, %dma_wait3A] : memref<79x128xi32, #tpu.memory_space<vmem>> -> memref<1x128xi32, #tpu.memory_space<vmem>>
        %dma_wait3A_33 = tpu.memref_squeeze %dma_wait3A_32 : memref<1x128xi32, #tpu.memory_space<vmem>> -> memref<128xi32, #tpu.memory_space<vmem>>
        %dma_wait3A_34 = arith.constant 0 : i32
        %dma_wait3A_35 = arith.constant 0 : i32
        %dma_wait3A_36 = tpu.memref_slice %arg2[%dma_wait3A_34, %dma_wait3A_35] : memref<10240x128xf32, #tpu.memory_space<hbm>> -> memref<10240x128xf32, #tpu.memory_space<hbm>>
        tpu.wait_indirect_dma semaphore(%run_scoped3A : memref<!tpu.dma_semaphore, #tpu.memory_space<semaphore_mem>>) src(%dma_wait3A_36 : memref<10240x128xf32, #tpu.memory_space<hbm>>) dst(%arg8 : memref<128x128xf32, #tpu.memory_space<vmem>>)
        tpu.yield
      }) : () -> ()
      "tpu.region"() ({
        %run_scoped3A = tpu.sem_alloc : memref<!tpu.dma_semaphore, #tpu.memory_space<semaphore_mem>>
        %dma_start3A = arith.constant 0 : i32
        %dma_start3A_27 = tpu.memref_slice %arg7[%scan3A_26, %dma_start3A] : memref<79x128xi32, #tpu.memory_space<vmem>> -> memref<1x128xi32, #tpu.memory_space<vmem>>
        %dma_start3A_28 = tpu.memref_squeeze %dma_start3A_27 : memref<1x128xi32, #tpu.memory_space<vmem>> -> memref<128xi32, #tpu.memory_space<vmem>>
        %dma_start3A_29 = arith.constant 0 : i32
        %dma_start3A_30 = arith.constant 0 : i32
        %dma_start3A_31 = tpu.memref_slice %arg9[%dma_start3A_29, %dma_start3A_30] : memref<10240x128xf32, #tpu.memory_space<vmem_shared>> -> memref<10240x128xf32, #tpu.memory_space<vmem_shared>>
        tpu.enqueue_indirect_dma source(%arg8 : memref<128x128xf32, #tpu.memory_space<vmem>>) target(%dma_start3A_31 : memref<10240x128xf32, #tpu.memory_space<vmem_shared>>) offsets(%dma_start3A_28 : memref<128xi32, #tpu.memory_space<vmem>>) semaphore(%run_scoped3A : memref<!tpu.dma_semaphore, #tpu.memory_space<semaphore_mem>>) {add = true}
        %dma_wait3A = arith.constant 0 : i32
        %dma_wait3A_32 = tpu.memref_slice %arg7[%scan3A_26, %dma_wait3A] : memref<79x128xi32, #tpu.memory_space<vmem>> -> memref<1x128xi32, #tpu.memory_space<vmem>>
        %dma_wait3A_33 = tpu.memref_squeeze %dma_wait3A_32 : memref<1x128xi32, #tpu.memory_space<vmem>> -> memref<128xi32, #tpu.memory_space<vmem>>
        %dma_wait3A_34 = arith.constant 0 : i32
        %dma_wait3A_35 = arith.constant 0 : i32
        %dma_wait3A_36 = tpu.memref_slice %arg9[%dma_wait3A_34, %dma_wait3A_35] : memref<10240x128xf32, #tpu.memory_space<vmem_shared>> -> memref<10240x128xf32, #tpu.memory_space<vmem_shared>>
        tpu.wait_indirect_dma semaphore(%run_scoped3A : memref<!tpu.dma_semaphore, #tpu.memory_space<semaphore_mem>>) src(%arg8 : memref<128x128xf32, #tpu.memory_space<vmem>>) dst(%dma_wait3A_36 : memref<10240x128xf32, #tpu.memory_space<vmem_shared>>)
        tpu.yield
      }) : () -> ()
    }
    %scan3A_24 = arith.constant 79 : i32
    %barrier3A_25 = arith.constant 0 : index
    tpu.barrier barrier_id(%barrier3A_25)
    "tpu.region"() ({
      %run_scoped3A = tpu.sem_alloc : memref<!tpu.dma_semaphore, #tpu.memory_space<semaphore_mem>>
      %dma_start3A = arith.constant 0 : i32
      %dma_start3A_26 = tpu.memref_slice %arg5[%arg0, %mul3A_2, %dma_start3A] : memref<2x10240x128xf32, #tpu.memory_space<hbm>> -> memref<1x640x128xf32, #tpu.memory_space<hbm>>
      %dma_start3A_27 = tpu.memref_squeeze %dma_start3A_26 : memref<1x640x128xf32, #tpu.memory_space<hbm>> -> memref<640x128xf32, #tpu.memory_space<hbm>>
      %dma_start3A_28 = arith.constant 0 : i32
      %dma_start3A_29 = tpu.memref_slice %arg9[%mul3A_2, %dma_start3A_28] : memref<10240x128xf32, #tpu.memory_space<vmem_shared>> -> memref<640x128xf32, #tpu.memory_space<vmem_shared>>
      tpu.enqueue_dma source(%dma_start3A_29 : memref<640x128xf32, #tpu.memory_space<vmem_shared>>) target(%dma_start3A_27 : memref<640x128xf32, #tpu.memory_space<hbm>>) target_semaphore(%run_scoped3A : memref<!tpu.dma_semaphore, #tpu.memory_space<semaphore_mem>>)
      %dma_wait3A = arith.constant 0 : i32
      %dma_wait3A_30 = tpu.memref_slice %arg5[%arg0, %mul3A_2, %dma_wait3A] : memref<2x10240x128xf32, #tpu.memory_space<hbm>> -> memref<1x640x128xf32, #tpu.memory_space<hbm>>
      %dma_wait3A_31 = tpu.memref_squeeze %dma_wait3A_30 : memref<1x640x128xf32, #tpu.memory_space<hbm>> -> memref<640x128xf32, #tpu.memory_space<hbm>>
      %dma_wait3A_32 = arith.constant 0 : i32
      %dma_wait3A_33 = tpu.memref_slice %arg9[%mul3A_2, %dma_wait3A_32] : memref<10240x128xf32, #tpu.memory_space<vmem_shared>> -> memref<640x128xf32, #tpu.memory_space<vmem_shared>>
      tpu.wait_dma2 semaphore(%run_scoped3A : memref<!tpu.dma_semaphore, #tpu.memory_space<semaphore_mem>>) src(%dma_wait3A_33 : memref<640x128xf32, #tpu.memory_space<vmem_shared>>) dst(%dma_wait3A_31 : memref<640x128xf32, #tpu.memory_space<hbm>>)
      tpu.yield
    }) : () -> ()
    return
  }
}

#map = affine_map<(d0, d1) -> (0, 0, 0)>
module attributes {stable_mosaic.version = 14 : i64} {
  func.func @body(%arg0: i32, %arg1: i32, %arg2: memref<32x79x128xi32, #tpu.memory_space<hbm>>, %arg3: memref<2x10240x128xf32, #tpu.memory_space<hbm>>, %arg4: memref<79x128xi32, #tpu.memory_space<vmem>>, %arg5: memref<128x128xf32, #tpu.memory_space<vmem>>, %arg6: memref<10240x128xf32, #tpu.memory_space<vmem_shared>>) attributes {dimension_semantics = [#tpu.dimension_semantics<core_parallel>, #tpu.dimension_semantics<subcore_parallel>], iteration_bounds = array<i64: 2, 16>, scalar_prefetch = 0 : i64, scratch_operands = 3 : i64, tpu.core_type = #tpu.core_type<sc_vector_subcore>, window_params = [{transform_indices = #map}, {transform_indices = #map}]} {
    %mul3A = arith.constant 2 : i32
    %mul3A_0 = arith.muli %arg1, %mul3A : i32
    %add3A = arith.addi %mul3A_0, %arg0 : i32
    %mul3A_1 = arith.constant 640 : i32
    %mul3A_2 = arith.muli %arg1, %mul3A_1 : i32
    %broadcast_in_dim3A = arith.constant 0.000000e+00 : f32
    %broadcast_in_dim3A_3 = vector.broadcast %broadcast_in_dim3A : f32 to vector<16xf32>
    %scan3A = arith.constant 0 : i32
    %scan3A_4 = arith.constant 0 : i32
    %scan3A_5 = arith.constant 128 : i32
    %scan3A_6 = arith.addi %scan3A_4, %scan3A_5 : i32
    %scan3A_7 = arith.constant 1 : i32
    scf.for %scan3A_34 = %scan3A_4 to %scan3A_6 step %scan3A_7  : i32 {
      %swap3A = arith.index_cast %scan3A_34 : i32 to index
      %swap3A_35 = arith.constant 0 : index
      %swap3A_36 = tpu.vector_load %arg5[%swap3A, %swap3A_35] {strides = array<i32>} : memref<128x128xf32, #tpu.memory_space<vmem>>, vector<1x16xf32>,
      %swap3A_37 = vector.shape_cast %swap3A_36 : vector<1x16xf32> to vector<16xf32>
      %swap3A_38 = vector.shape_cast %broadcast_in_dim3A_3 : vector<16xf32> to vector<1x16xf32>
      tpu.vector_store %arg5[%swap3A, %swap3A_35], %swap3A_38 {strides = array<i32>} : memref<128x128xf32, #tpu.memory_space<vmem>>, vector<1x16xf32>,
      %swap3A_39 = arith.index_cast %scan3A_34 : i32 to index
      %swap3A_40 = arith.constant 16 : index
      %swap3A_41 = tpu.vector_load %arg5[%swap3A_39, %swap3A_40] {strides = array<i32>} : memref<128x128xf32, #tpu.memory_space<vmem>>, vector<1x16xf32>,
      %swap3A_42 = vector.shape_cast %swap3A_41 : vector<1x16xf32> to vector<16xf32>
      %swap3A_43 = vector.shape_cast %broadcast_in_dim3A_3 : vector<16xf32> to vector<1x16xf32>
      tpu.vector_store %arg5[%swap3A_39, %swap3A_40], %swap3A_43 {strides = array<i32>} : memref<128x128xf32, #tpu.memory_space<vmem>>, vector<1x16xf32>,
      %swap3A_44 = arith.index_cast %scan3A_34 : i32 to index
      %swap3A_45 = arith.constant 32 : index
      %swap3A_46 = tpu.vector_load %arg5[%swap3A_44, %swap3A_45] {strides = array<i32>} : memref<128x128xf32, #tpu.memory_space<vmem>>, vector<1x16xf32>,
      %swap3A_47 = vector.shape_cast %swap3A_46 : vector<1x16xf32> to vector<16xf32>
      %swap3A_48 = vector.shape_cast %broadcast_in_dim3A_3 : vector<16xf32> to vector<1x16xf32>
      tpu.vector_store %arg5[%swap3A_44, %swap3A_45], %swap3A_48 {strides = array<i32>} : memref<128x128xf32, #tpu.memory_space<vmem>>, vector<1x16xf32>,
      %swap3A_49 = arith.index_cast %scan3A_34 : i32 to index
      %swap3A_50 = arith.constant 48 : index
      %swap3A_51 = tpu.vector_load %arg5[%swap3A_49, %swap3A_50] {strides = array<i32>} : memref<128x128xf32, #tpu.memory_space<vmem>>, vector<1x16xf32>,
      %swap3A_52 = vector.shape_cast %swap3A_51 : vector<1x16xf32> to vector<16xf32>
      %swap3A_53 = vector.shape_cast %broadcast_in_dim3A_3 : vector<16xf32> to vector<1x16xf32>
      tpu.vector_store %arg5[%swap3A_49, %swap3A_50], %swap3A_53 {strides = array<i32>} : memref<128x128xf32, #tpu.memory_space<vmem>>, vector<1x16xf32>,
      %swap3A_54 = arith.index_cast %scan3A_34 : i32 to index
      %swap3A_55 = arith.constant 64 : index
      %swap3A_56 = tpu.vector_load %arg5[%swap3A_54, %swap3A_55] {strides = array<i32>} : memref<128x128xf32, #tpu.memory_space<vmem>>, vector<1x16xf32>,
      %swap3A_57 = vector.shape_cast %swap3A_56 : vector<1x16xf32> to vector<16xf32>
      %swap3A_58 = vector.shape_cast %broadcast_in_dim3A_3 : vector<16xf32> to vector<1x16xf32>
      tpu.vector_store %arg5[%swap3A_54, %swap3A_55], %swap3A_58 {strides = array<i32>} : memref<128x128xf32, #tpu.memory_space<vmem>>, vector<1x16xf32>,
      %swap3A_59 = arith.index_cast %scan3A_34 : i32 to index
      %swap3A_60 = arith.constant 80 : index
      %swap3A_61 = tpu.vector_load %arg5[%swap3A_59, %swap3A_60] {strides = array<i32>} : memref<128x128xf32, #tpu.memory_space<vmem>>, vector<1x16xf32>,
      %swap3A_62 = vector.shape_cast %swap3A_61 : vector<1x16xf32> to vector<16xf32>
      %swap3A_63 = vector.shape_cast %broadcast_in_dim3A_3 : vector<16xf32> to vector<1x16xf32>
      tpu.vector_store %arg5[%swap3A_59, %swap3A_60], %swap3A_63 {strides = array<i32>} : memref<128x128xf32, #tpu.memory_space<vmem>>, vector<1x16xf32>,
      %swap3A_64 = arith.index_cast %scan3A_34 : i32 to index
      %swap3A_65 = arith.constant 96 : index
      %swap3A_66 = tpu.vector_load %arg5[%swap3A_64, %swap3A_65] {strides = array<i32>} : memref<128x128xf32, #tpu.memory_space<vmem>>, vector<1x16xf32>,
      %swap3A_67 = vector.shape_cast %swap3A_66 : vector<1x16xf32> to vector<16xf32>
      %swap3A_68 = vector.shape_cast %broadcast_in_dim3A_3 : vector<16xf32> to vector<1x16xf32>
      tpu.vector_store %arg5[%swap3A_64, %swap3A_65], %swap3A_68 {strides = array<i32>} : memref<128x128xf32, #tpu.memory_space<vmem>>, vector<1x16xf32>,
      %swap3A_69 = arith.index_cast %scan3A_34 : i32 to index
      %swap3A_70 = arith.constant 112 : index
      %swap3A_71 = tpu.vector_load %arg5[%swap3A_69, %swap3A_70] {strides = array<i32>} : memref<128x128xf32, #tpu.memory_space<vmem>>, vector<1x16xf32>,
      %swap3A_72 = vector.shape_cast %swap3A_71 : vector<1x16xf32> to vector<16xf32>
      %swap3A_73 = vector.shape_cast %broadcast_in_dim3A_3 : vector<16xf32> to vector<1x16xf32>
      tpu.vector_store %arg5[%swap3A_69, %swap3A_70], %swap3A_73 {strides = array<i32>} : memref<128x128xf32, #tpu.memory_space<vmem>>, vector<1x16xf32>,
    }
    %scan3A_8 = arith.constant 128 : i32
    %add3A_9 = arith.constant 0 : i32
    %add3A_10 = arith.addi %mul3A_2, %add3A_9 : i32
    "tpu.region"() ({
      %run_scoped3A = tpu.sem_alloc : memref<!tpu.dma_semaphore, #tpu.memory_space<semaphore_mem>>
      %dma_start3A = arith.constant 0 : i32
      %dma_start3A_34 = arith.constant 0 : i32
      %dma_start3A_35 = tpu.memref_slice %arg5[%dma_start3A, %dma_start3A_34] : memref<128x128xf32, #tpu.memory_space<vmem>> -> memref<128x128xf32, #tpu.memory_space<vmem>>
      %dma_start3A_36 = arith.constant 0 : i32
      %dma_start3A_37 = tpu.memref_slice %arg6[%add3A_10, %dma_start3A_36] : memref<10240x128xf32, #tpu.memory_space<vmem_shared>> -> memref<128x128xf32, #tpu.memory_space<vmem_shared>>
      %dma_start3A_38 = arith.constant 0 : i32
      %dma_start3A_39 = tpu.memref_slice %arg6[%add3A_10, %dma_start3A_38] : memref<10240x128xf32, #tpu.memory_space<vmem_shared>> -> memref<128x128xf32, #tpu.memory_space<vmem_shared>>
      %dma_start3A_40 = arith.constant 0 : i32
      %dma_start3A_41 = arith.constant 0 : i32
      %dma_start3A_42 = tpu.memref_slice %arg5[%dma_start3A_40, %dma_start3A_41] : memref<128x128xf32, #tpu.memory_space<vmem>> -> memref<128x128xf32, #tpu.memory_space<vmem>>
      tpu.enqueue_dma source(%dma_start3A_42 : memref<128x128xf32, #tpu.memory_space<vmem>>) target(%dma_start3A_39 : memref<128x128xf32, #tpu.memory_space<vmem_shared>>) target_semaphore(%run_scoped3A : memref<!tpu.dma_semaphore, #tpu.memory_space<semaphore_mem>>)
      %dma_wait3A = arith.constant 0 : i32
      %dma_wait3A_43 = arith.constant 0 : i32
      %dma_wait3A_44 = tpu.memref_slice %arg5[%dma_wait3A, %dma_wait3A_43] : memref<128x128xf32, #tpu.memory_space<vmem>> -> memref<128x128xf32, #tpu.memory_space<vmem>>
      %dma_wait3A_45 = arith.constant 0 : i32
      %dma_wait3A_46 = tpu.memref_slice %arg6[%add3A_10, %dma_wait3A_45] : memref<10240x128xf32, #tpu.memory_space<vmem_shared>> -> memref<128x128xf32, #tpu.memory_space<vmem_shared>>
      %dma_wait3A_47 = arith.constant 0 : i32
      %dma_wait3A_48 = tpu.memref_slice %arg6[%add3A_10, %dma_wait3A_47] : memref<10240x128xf32, #tpu.memory_space<vmem_shared>> -> memref<128x128xf32, #tpu.memory_space<vmem_shared>>
      %dma_wait3A_49 = arith.constant 0 : i32
      %dma_wait3A_50 = arith.constant 0 : i32
      %dma_wait3A_51 = tpu.memref_slice %arg5[%dma_wait3A_49, %dma_wait3A_50] : memref<128x128xf32, #tpu.memory_space<vmem>> -> memref<128x128xf32, #tpu.memory_space<vmem>>
      tpu.wait_dma2 semaphore(%run_scoped3A : memref<!tpu.dma_semaphore, #tpu.memory_space<semaphore_mem>>) src(%dma_wait3A_51 : memref<128x128xf32, #tpu.memory_space<vmem>>) dst(%dma_wait3A_48 : memref<128x128xf32, #tpu.memory_space<vmem_shared>>)
      tpu.yield
    }) : () -> ()
    %add3A_11 = arith.constant 128 : i32
    %add3A_12 = arith.addi %mul3A_2, %add3A_11 : i32
    "tpu.region"() ({
      %run_scoped3A = tpu.sem_alloc : memref<!tpu.dma_semaphore, #tpu.memory_space<semaphore_mem>>
      %dma_start3A = arith.constant 0 : i32
      %dma_start3A_34 = arith.constant 0 : i32
      %dma_start3A_35 = tpu.memref_slice %arg5[%dma_start3A, %dma_start3A_34] : memref<128x128xf32, #tpu.memory_space<vmem>> -> memref<128x128xf32, #tpu.memory_space<vmem>>
      %dma_start3A_36 = arith.constant 0 : i32
      %dma_start3A_37 = tpu.memref_slice %arg6[%add3A_12, %dma_start3A_36] : memref<10240x128xf32, #tpu.memory_space<vmem_shared>> -> memref<128x128xf32, #tpu.memory_space<vmem_shared>>
      %dma_start3A_38 = arith.constant 0 : i32
      %dma_start3A_39 = tpu.memref_slice %arg6[%add3A_12, %dma_start3A_38] : memref<10240x128xf32, #tpu.memory_space<vmem_shared>> -> memref<128x128xf32, #tpu.memory_space<vmem_shared>>
      %dma_start3A_40 = arith.constant 0 : i32
      %dma_start3A_41 = arith.constant 0 : i32
      %dma_start3A_42 = tpu.memref_slice %arg5[%dma_start3A_40, %dma_start3A_41] : memref<128x128xf32, #tpu.memory_space<vmem>> -> memref<128x128xf32, #tpu.memory_space<vmem>>
      tpu.enqueue_dma source(%dma_start3A_42 : memref<128x128xf32, #tpu.memory_space<vmem>>) target(%dma_start3A_39 : memref<128x128xf32, #tpu.memory_space<vmem_shared>>) target_semaphore(%run_scoped3A : memref<!tpu.dma_semaphore, #tpu.memory_space<semaphore_mem>>)
      %dma_wait3A = arith.constant 0 : i32
      %dma_wait3A_43 = arith.constant 0 : i32
      %dma_wait3A_44 = tpu.memref_slice %arg5[%dma_wait3A, %dma_wait3A_43] : memref<128x128xf32, #tpu.memory_space<vmem>> -> memref<128x128xf32, #tpu.memory_space<vmem>>
      %dma_wait3A_45 = arith.constant 0 : i32
      %dma_wait3A_46 = tpu.memref_slice %arg6[%add3A_12, %dma_wait3A_45] : memref<10240x128xf32, #tpu.memory_space<vmem_shared>> -> memref<128x128xf32, #tpu.memory_space<vmem_shared>>
      %dma_wait3A_47 = arith.constant 0 : i32
      %dma_wait3A_48 = tpu.memref_slice %arg6[%add3A_12, %dma_wait3A_47] : memref<10240x128xf32, #tpu.memory_space<vmem_shared>> -> memref<128x128xf32, #tpu.memory_space<vmem_shared>>
      %dma_wait3A_49 = arith.constant 0 : i32
      %dma_wait3A_50 = arith.constant 0 : i32
      %dma_wait3A_51 = tpu.memref_slice %arg5[%dma_wait3A_49, %dma_wait3A_50] : memref<128x128xf32, #tpu.memory_space<vmem>> -> memref<128x128xf32, #tpu.memory_space<vmem>>
      tpu.wait_dma2 semaphore(%run_scoped3A : memref<!tpu.dma_semaphore, #tpu.memory_space<semaphore_mem>>) src(%dma_wait3A_51 : memref<128x128xf32, #tpu.memory_space<vmem>>) dst(%dma_wait3A_48 : memref<128x128xf32, #tpu.memory_space<vmem_shared>>)
      tpu.yield
    }) : () -> ()
    %add3A_13 = arith.constant 256 : i32
    %add3A_14 = arith.addi %mul3A_2, %add3A_13 : i32
    "tpu.region"() ({
      %run_scoped3A = tpu.sem_alloc : memref<!tpu.dma_semaphore, #tpu.memory_space<semaphore_mem>>
      %dma_start3A = arith.constant 0 : i32
      %dma_start3A_34 = arith.constant 0 : i32
      %dma_start3A_35 = tpu.memref_slice %arg5[%dma_start3A, %dma_start3A_34] : memref<128x128xf32, #tpu.memory_space<vmem>> -> memref<128x128xf32, #tpu.memory_space<vmem>>
      %dma_start3A_36 = arith.constant 0 : i32
      %dma_start3A_37 = tpu.memref_slice %arg6[%add3A_14, %dma_start3A_36] : memref<10240x128xf32, #tpu.memory_space<vmem_shared>> -> memref<128x128xf32, #tpu.memory_space<vmem_shared>>
      %dma_start3A_38 = arith.constant 0 : i32
      %dma_start3A_39 = tpu.memref_slice %arg6[%add3A_14, %dma_start3A_38] : memref<10240x128xf32, #tpu.memory_space<vmem_shared>> -> memref<128x128xf32, #tpu.memory_space<vmem_shared>>
      %dma_start3A_40 = arith.constant 0 : i32
      %dma_start3A_41 = arith.constant 0 : i32
      %dma_start3A_42 = tpu.memref_slice %arg5[%dma_start3A_40, %dma_start3A_41] : memref<128x128xf32, #tpu.memory_space<vmem>> -> memref<128x128xf32, #tpu.memory_space<vmem>>
      tpu.enqueue_dma source(%dma_start3A_42 : memref<128x128xf32, #tpu.memory_space<vmem>>) target(%dma_start3A_39 : memref<128x128xf32, #tpu.memory_space<vmem_shared>>) target_semaphore(%run_scoped3A : memref<!tpu.dma_semaphore, #tpu.memory_space<semaphore_mem>>)
      %dma_wait3A = arith.constant 0 : i32
      %dma_wait3A_43 = arith.constant 0 : i32
      %dma_wait3A_44 = tpu.memref_slice %arg5[%dma_wait3A, %dma_wait3A_43] : memref<128x128xf32, #tpu.memory_space<vmem>> -> memref<128x128xf32, #tpu.memory_space<vmem>>
      %dma_wait3A_45 = arith.constant 0 : i32
      %dma_wait3A_46 = tpu.memref_slice %arg6[%add3A_14, %dma_wait3A_45] : memref<10240x128xf32, #tpu.memory_space<vmem_shared>> -> memref<128x128xf32, #tpu.memory_space<vmem_shared>>
      %dma_wait3A_47 = arith.constant 0 : i32
      %dma_wait3A_48 = tpu.memref_slice %arg6[%add3A_14, %dma_wait3A_47] : memref<10240x128xf32, #tpu.memory_space<vmem_shared>> -> memref<128x128xf32, #tpu.memory_space<vmem_shared>>
      %dma_wait3A_49 = arith.constant 0 : i32
      %dma_wait3A_50 = arith.constant 0 : i32
      %dma_wait3A_51 = tpu.memref_slice %arg5[%dma_wait3A_49, %dma_wait3A_50] : memref<128x128xf32, #tpu.memory_space<vmem>> -> memref<128x128xf32, #tpu.memory_space<vmem>>
      tpu.wait_dma2 semaphore(%run_scoped3A : memref<!tpu.dma_semaphore, #tpu.memory_space<semaphore_mem>>) src(%dma_wait3A_51 : memref<128x128xf32, #tpu.memory_space<vmem>>) dst(%dma_wait3A_48 : memref<128x128xf32, #tpu.memory_space<vmem_shared>>)
      tpu.yield
    }) : () -> ()
    %add3A_15 = arith.constant 384 : i32
    %add3A_16 = arith.addi %mul3A_2, %add3A_15 : i32
    "tpu.region"() ({
      %run_scoped3A = tpu.sem_alloc : memref<!tpu.dma_semaphore, #tpu.memory_space<semaphore_mem>>
      %dma_start3A = arith.constant 0 : i32
      %dma_start3A_34 = arith.constant 0 : i32
      %dma_start3A_35 = tpu.memref_slice %arg5[%dma_start3A, %dma_start3A_34] : memref<128x128xf32, #tpu.memory_space<vmem>> -> memref<128x128xf32, #tpu.memory_space<vmem>>
      %dma_start3A_36 = arith.constant 0 : i32
      %dma_start3A_37 = tpu.memref_slice %arg6[%add3A_16, %dma_start3A_36] : memref<10240x128xf32, #tpu.memory_space<vmem_shared>> -> memref<128x128xf32, #tpu.memory_space<vmem_shared>>
      %dma_start3A_38 = arith.constant 0 : i32
      %dma_start3A_39 = tpu.memref_slice %arg6[%add3A_16, %dma_start3A_38] : memref<10240x128xf32, #tpu.memory_space<vmem_shared>> -> memref<128x128xf32, #tpu.memory_space<vmem_shared>>
      %dma_start3A_40 = arith.constant 0 : i32
      %dma_start3A_41 = arith.constant 0 : i32
      %dma_start3A_42 = tpu.memref_slice %arg5[%dma_start3A_40, %dma_start3A_41] : memref<128x128xf32, #tpu.memory_space<vmem>> -> memref<128x128xf32, #tpu.memory_space<vmem>>
      tpu.enqueue_dma source(%dma_start3A_42 : memref<128x128xf32, #tpu.memory_space<vmem>>) target(%dma_start3A_39 : memref<128x128xf32, #tpu.memory_space<vmem_shared>>) target_semaphore(%run_scoped3A : memref<!tpu.dma_semaphore, #tpu.memory_space<semaphore_mem>>)
      %dma_wait3A = arith.constant 0 : i32
      %dma_wait3A_43 = arith.constant 0 : i32
      %dma_wait3A_44 = tpu.memref_slice %arg5[%dma_wait3A, %dma_wait3A_43] : memref<128x128xf32, #tpu.memory_space<vmem>> -> memref<128x128xf32, #tpu.memory_space<vmem>>
      %dma_wait3A_45 = arith.constant 0 : i32
      %dma_wait3A_46 = tpu.memref_slice %arg6[%add3A_16, %dma_wait3A_45] : memref<10240x128xf32, #tpu.memory_space<vmem_shared>> -> memref<128x128xf32, #tpu.memory_space<vmem_shared>>
      %dma_wait3A_47 = arith.constant 0 : i32
      %dma_wait3A_48 = tpu.memref_slice %arg6[%add3A_16, %dma_wait3A_47] : memref<10240x128xf32, #tpu.memory_space<vmem_shared>> -> memref<128x128xf32, #tpu.memory_space<vmem_shared>>
      %dma_wait3A_49 = arith.constant 0 : i32
      %dma_wait3A_50 = arith.constant 0 : i32
      %dma_wait3A_51 = tpu.memref_slice %arg5[%dma_wait3A_49, %dma_wait3A_50] : memref<128x128xf32, #tpu.memory_space<vmem>> -> memref<128x128xf32, #tpu.memory_space<vmem>>
      tpu.wait_dma2 semaphore(%run_scoped3A : memref<!tpu.dma_semaphore, #tpu.memory_space<semaphore_mem>>) src(%dma_wait3A_51 : memref<128x128xf32, #tpu.memory_space<vmem>>) dst(%dma_wait3A_48 : memref<128x128xf32, #tpu.memory_space<vmem_shared>>)
      tpu.yield
    }) : () -> ()
    %add3A_17 = arith.constant 512 : i32
    %add3A_18 = arith.addi %mul3A_2, %add3A_17 : i32
    "tpu.region"() ({
      %run_scoped3A = tpu.sem_alloc : memref<!tpu.dma_semaphore, #tpu.memory_space<semaphore_mem>>
      %dma_start3A = arith.constant 0 : i32
      %dma_start3A_34 = arith.constant 0 : i32
      %dma_start3A_35 = tpu.memref_slice %arg5[%dma_start3A, %dma_start3A_34] : memref<128x128xf32, #tpu.memory_space<vmem>> -> memref<128x128xf32, #tpu.memory_space<vmem>>
      %dma_start3A_36 = arith.constant 0 : i32
      %dma_start3A_37 = tpu.memref_slice %arg6[%add3A_18, %dma_start3A_36] : memref<10240x128xf32, #tpu.memory_space<vmem_shared>> -> memref<128x128xf32, #tpu.memory_space<vmem_shared>>
      %dma_start3A_38 = arith.constant 0 : i32
      %dma_start3A_39 = tpu.memref_slice %arg6[%add3A_18, %dma_start3A_38] : memref<10240x128xf32, #tpu.memory_space<vmem_shared>> -> memref<128x128xf32, #tpu.memory_space<vmem_shared>>
      %dma_start3A_40 = arith.constant 0 : i32
      %dma_start3A_41 = arith.constant 0 : i32
      %dma_start3A_42 = tpu.memref_slice %arg5[%dma_start3A_40, %dma_start3A_41] : memref<128x128xf32, #tpu.memory_space<vmem>> -> memref<128x128xf32, #tpu.memory_space<vmem>>
      tpu.enqueue_dma source(%dma_start3A_42 : memref<128x128xf32, #tpu.memory_space<vmem>>) target(%dma_start3A_39 : memref<128x128xf32, #tpu.memory_space<vmem_shared>>) target_semaphore(%run_scoped3A : memref<!tpu.dma_semaphore, #tpu.memory_space<semaphore_mem>>)
      %dma_wait3A = arith.constant 0 : i32
      %dma_wait3A_43 = arith.constant 0 : i32
      %dma_wait3A_44 = tpu.memref_slice %arg5[%dma_wait3A, %dma_wait3A_43] : memref<128x128xf32, #tpu.memory_space<vmem>> -> memref<128x128xf32, #tpu.memory_space<vmem>>
      %dma_wait3A_45 = arith.constant 0 : i32
      %dma_wait3A_46 = tpu.memref_slice %arg6[%add3A_18, %dma_wait3A_45] : memref<10240x128xf32, #tpu.memory_space<vmem_shared>> -> memref<128x128xf32, #tpu.memory_space<vmem_shared>>
      %dma_wait3A_47 = arith.constant 0 : i32
      %dma_wait3A_48 = tpu.memref_slice %arg6[%add3A_18, %dma_wait3A_47] : memref<10240x128xf32, #tpu.memory_space<vmem_shared>> -> memref<128x128xf32, #tpu.memory_space<vmem_shared>>
      %dma_wait3A_49 = arith.constant 0 : i32
      %dma_wait3A_50 = arith.constant 0 : i32
      %dma_wait3A_51 = tpu.memref_slice %arg5[%dma_wait3A_49, %dma_wait3A_50] : memref<128x128xf32, #tpu.memory_space<vmem>> -> memref<128x128xf32, #tpu.memory_space<vmem>>
      tpu.wait_dma2 semaphore(%run_scoped3A : memref<!tpu.dma_semaphore, #tpu.memory_space<semaphore_mem>>) src(%dma_wait3A_51 : memref<128x128xf32, #tpu.memory_space<vmem>>) dst(%dma_wait3A_48 : memref<128x128xf32, #tpu.memory_space<vmem_shared>>)
      tpu.yield
    }) : () -> ()
    %broadcast_in_dim3A_19 = arith.constant 1.000000e+00 : f32
    %broadcast_in_dim3A_20 = vector.broadcast %broadcast_in_dim3A_19 : f32 to vector<16xf32>
    %scan3A_21 = arith.constant 0 : i32
    %scan3A_22 = arith.constant 0 : i32
    %scan3A_23 = arith.constant 128 : i32
    %scan3A_24 = arith.addi %scan3A_22, %scan3A_23 : i32
    %scan3A_25 = arith.constant 1 : i32
    scf.for %scan3A_34 = %scan3A_22 to %scan3A_24 step %scan3A_25  : i32 {
      %swap3A = arith.index_cast %scan3A_34 : i32 to index
      %swap3A_35 = arith.constant 0 : index
      %swap3A_36 = tpu.vector_load %arg5[%swap3A, %swap3A_35] {strides = array<i32>} : memref<128x128xf32, #tpu.memory_space<vmem>>, vector<1x16xf32>,
      %swap3A_37 = vector.shape_cast %swap3A_36 : vector<1x16xf32> to vector<16xf32>
      %swap3A_38 = vector.shape_cast %broadcast_in_dim3A_20 : vector<16xf32> to vector<1x16xf32>
      tpu.vector_store %arg5[%swap3A, %swap3A_35], %swap3A_38 {strides = array<i32>} : memref<128x128xf32, #tpu.memory_space<vmem>>, vector<1x16xf32>,
      %swap3A_39 = arith.index_cast %scan3A_34 : i32 to index
      %swap3A_40 = arith.constant 16 : index
      %swap3A_41 = tpu.vector_load %arg5[%swap3A_39, %swap3A_40] {strides = array<i32>} : memref<128x128xf32, #tpu.memory_space<vmem>>, vector<1x16xf32>,
      %swap3A_42 = vector.shape_cast %swap3A_41 : vector<1x16xf32> to vector<16xf32>
      %swap3A_43 = vector.shape_cast %broadcast_in_dim3A_20 : vector<16xf32> to vector<1x16xf32>
      tpu.vector_store %arg5[%swap3A_39, %swap3A_40], %swap3A_43 {strides = array<i32>} : memref<128x128xf32, #tpu.memory_space<vmem>>, vector<1x16xf32>,
      %swap3A_44 = arith.index_cast %scan3A_34 : i32 to index
      %swap3A_45 = arith.constant 32 : index
      %swap3A_46 = tpu.vector_load %arg5[%swap3A_44, %swap3A_45] {strides = array<i32>} : memref<128x128xf32, #tpu.memory_space<vmem>>, vector<1x16xf32>,
      %swap3A_47 = vector.shape_cast %swap3A_46 : vector<1x16xf32> to vector<16xf32>
      %swap3A_48 = vector.shape_cast %broadcast_in_dim3A_20 : vector<16xf32> to vector<1x16xf32>
      tpu.vector_store %arg5[%swap3A_44, %swap3A_45], %swap3A_48 {strides = array<i32>} : memref<128x128xf32, #tpu.memory_space<vmem>>, vector<1x16xf32>,
      %swap3A_49 = arith.index_cast %scan3A_34 : i32 to index
      %swap3A_50 = arith.constant 48 : index
      %swap3A_51 = tpu.vector_load %arg5[%swap3A_49, %swap3A_50] {strides = array<i32>} : memref<128x128xf32, #tpu.memory_space<vmem>>, vector<1x16xf32>,
      %swap3A_52 = vector.shape_cast %swap3A_51 : vector<1x16xf32> to vector<16xf32>
      %swap3A_53 = vector.shape_cast %broadcast_in_dim3A_20 : vector<16xf32> to vector<1x16xf32>
      tpu.vector_store %arg5[%swap3A_49, %swap3A_50], %swap3A_53 {strides = array<i32>} : memref<128x128xf32, #tpu.memory_space<vmem>>, vector<1x16xf32>,
      %swap3A_54 = arith.index_cast %scan3A_34 : i32 to index
      %swap3A_55 = arith.constant 64 : index
      %swap3A_56 = tpu.vector_load %arg5[%swap3A_54, %swap3A_55] {strides = array<i32>} : memref<128x128xf32, #tpu.memory_space<vmem>>, vector<1x16xf32>,
      %swap3A_57 = vector.shape_cast %swap3A_56 : vector<1x16xf32> to vector<16xf32>
      %swap3A_58 = vector.shape_cast %broadcast_in_dim3A_20 : vector<16xf32> to vector<1x16xf32>
      tpu.vector_store %arg5[%swap3A_54, %swap3A_55], %swap3A_58 {strides = array<i32>} : memref<128x128xf32, #tpu.memory_space<vmem>>, vector<1x16xf32>,
      %swap3A_59 = arith.index_cast %scan3A_34 : i32 to index
      %swap3A_60 = arith.constant 80 : index
      %swap3A_61 = tpu.vector_load %arg5[%swap3A_59, %swap3A_60] {strides = array<i32>} : memref<128x128xf32, #tpu.memory_space<vmem>>, vector<1x16xf32>,
      %swap3A_62 = vector.shape_cast %swap3A_61 : vector<1x16xf32> to vector<16xf32>
      %swap3A_63 = vector.shape_cast %broadcast_in_dim3A_20 : vector<16xf32> to vector<1x16xf32>
      tpu.vector_store %arg5[%swap3A_59, %swap3A_60], %swap3A_63 {strides = array<i32>} : memref<128x128xf32, #tpu.memory_space<vmem>>, vector<1x16xf32>,
      %swap3A_64 = arith.index_cast %scan3A_34 : i32 to index
      %swap3A_65 = arith.constant 96 : index
      %swap3A_66 = tpu.vector_load %arg5[%swap3A_64, %swap3A_65] {strides = array<i32>} : memref<128x128xf32, #tpu.memory_space<vmem>>, vector<1x16xf32>,
      %swap3A_67 = vector.shape_cast %swap3A_66 : vector<1x16xf32> to vector<16xf32>
      %swap3A_68 = vector.shape_cast %broadcast_in_dim3A_20 : vector<16xf32> to vector<1x16xf32>
      tpu.vector_store %arg5[%swap3A_64, %swap3A_65], %swap3A_68 {strides = array<i32>} : memref<128x128xf32, #tpu.memory_space<vmem>>, vector<1x16xf32>,
      %swap3A_69 = arith.index_cast %scan3A_34 : i32 to index
      %swap3A_70 = arith.constant 112 : index
      %swap3A_71 = tpu.vector_load %arg5[%swap3A_69, %swap3A_70] {strides = array<i32>} : memref<128x128xf32, #tpu.memory_space<vmem>>, vector<1x16xf32>,
      %swap3A_72 = vector.shape_cast %swap3A_71 : vector<1x16xf32> to vector<16xf32>
      %swap3A_73 = vector.shape_cast %broadcast_in_dim3A_20 : vector<16xf32> to vector<1x16xf32>
      tpu.vector_store %arg5[%swap3A_69, %swap3A_70], %swap3A_73 {strides = array<i32>} : memref<128x128xf32, #tpu.memory_space<vmem>>, vector<1x16xf32>,
    }
    %scan3A_26 = arith.constant 128 : i32
    "tpu.region"() ({
      %run_scoped3A = tpu.sem_alloc : memref<!tpu.dma_semaphore, #tpu.memory_space<semaphore_mem>>
      %dma_start3A = arith.constant 0 : i32
      %dma_start3A_34 = arith.constant 0 : i32
      %dma_start3A_35 = tpu.memref_slice %arg2[%add3A, %dma_start3A, %dma_start3A_34] : memref<32x79x128xi32, #tpu.memory_space<hbm>> -> memref<1x79x128xi32, #tpu.memory_space<hbm>>
      %dma_start3A_36 = tpu.memref_squeeze %dma_start3A_35 : memref<1x79x128xi32, #tpu.memory_space<hbm>> -> memref<79x128xi32, #tpu.memory_space<hbm>>
      %dma_start3A_37 = arith.constant 0 : i32
      %dma_start3A_38 = arith.constant 0 : i32
      %dma_start3A_39 = tpu.memref_slice %arg2[%add3A, %dma_start3A_37, %dma_start3A_38] : memref<32x79x128xi32, #tpu.memory_space<hbm>> -> memref<1x79x128xi32, #tpu.memory_space<hbm>>
      %dma_start3A_40 = tpu.memref_squeeze %dma_start3A_39 : memref<1x79x128xi32, #tpu.memory_space<hbm>> -> memref<79x128xi32, #tpu.memory_space<hbm>>
      tpu.enqueue_dma source(%dma_start3A_40 : memref<79x128xi32, #tpu.memory_space<hbm>>) target(%arg4 : memref<79x128xi32, #tpu.memory_space<vmem>>) target_semaphore(%run_scoped3A : memref<!tpu.dma_semaphore, #tpu.memory_space<semaphore_mem>>)
      %dma_wait3A = arith.constant 0 : i32
      %dma_wait3A_41 = arith.constant 0 : i32
      %dma_wait3A_42 = tpu.memref_slice %arg2[%add3A, %dma_wait3A, %dma_wait3A_41] : memref<32x79x128xi32, #tpu.memory_space<hbm>> -> memref<1x79x128xi32, #tpu.memory_space<hbm>>
      %dma_wait3A_43 = tpu.memref_squeeze %dma_wait3A_42 : memref<1x79x128xi32, #tpu.memory_space<hbm>> -> memref<79x128xi32, #tpu.memory_space<hbm>>
      %dma_wait3A_44 = arith.constant 0 : i32
      %dma_wait3A_45 = arith.constant 0 : i32
      %dma_wait3A_46 = tpu.memref_slice %arg2[%add3A, %dma_wait3A_44, %dma_wait3A_45] : memref<32x79x128xi32, #tpu.memory_space<hbm>> -> memref<1x79x128xi32, #tpu.memory_space<hbm>>
      %dma_wait3A_47 = tpu.memref_squeeze %dma_wait3A_46 : memref<1x79x128xi32, #tpu.memory_space<hbm>> -> memref<79x128xi32, #tpu.memory_space<hbm>>
      tpu.wait_dma2 semaphore(%run_scoped3A : memref<!tpu.dma_semaphore, #tpu.memory_space<semaphore_mem>>) src(%dma_wait3A_47 : memref<79x128xi32, #tpu.memory_space<hbm>>) dst(%arg4 : memref<79x128xi32, #tpu.memory_space<vmem>>)
      tpu.yield
    }) : () -> ()
    %barrier3A = arith.constant 0 : index
    tpu.barrier barrier_id(%barrier3A)
    %scan3A_27 = arith.constant 0 : i32
    %scan3A_28 = arith.constant 0 : i32
    %scan3A_29 = arith.constant 79 : i32
    %scan3A_30 = arith.addi %scan3A_28, %scan3A_29 : i32
    %scan3A_31 = arith.constant 1 : i32
    scf.for %scan3A_34 = %scan3A_28 to %scan3A_30 step %scan3A_31  : i32 {
      "tpu.region"() ({
        %run_scoped3A = tpu.sem_alloc : memref<!tpu.dma_semaphore, #tpu.memory_space<semaphore_mem>>
        %dma_start3A = arith.constant 0 : i32
        %dma_start3A_35 = tpu.memref_slice %arg4[%scan3A_34, %dma_start3A] : memref<79x128xi32, #tpu.memory_space<vmem>> -> memref<1x128xi32, #tpu.memory_space<vmem>>
        %dma_start3A_36 = tpu.memref_squeeze %dma_start3A_35 : memref<1x128xi32, #tpu.memory_space<vmem>> -> memref<128xi32, #tpu.memory_space<vmem>>
        %dma_start3A_37 = arith.constant 0 : i32
        %dma_start3A_38 = arith.constant 0 : i32
        %dma_start3A_39 = tpu.memref_slice %arg6[%dma_start3A_37, %dma_start3A_38] : memref<10240x128xf32, #tpu.memory_space<vmem_shared>> -> memref<10240x128xf32, #tpu.memory_space<vmem_shared>>
        tpu.enqueue_indirect_dma source(%arg5 : memref<128x128xf32, #tpu.memory_space<vmem>>) target(%dma_start3A_39 : memref<10240x128xf32, #tpu.memory_space<vmem_shared>>) offsets(%dma_start3A_36 : memref<128xi32, #tpu.memory_space<vmem>>) semaphore(%run_scoped3A : memref<!tpu.dma_semaphore, #tpu.memory_space<semaphore_mem>>) {add = true}
        %dma_wait3A = arith.constant 0 : i32
        %dma_wait3A_40 = tpu.memref_slice %arg4[%scan3A_34, %dma_wait3A] : memref<79x128xi32, #tpu.memory_space<vmem>> -> memref<1x128xi32, #tpu.memory_space<vmem>>
        %dma_wait3A_41 = tpu.memref_squeeze %dma_wait3A_40 : memref<1x128xi32, #tpu.memory_space<vmem>> -> memref<128xi32, #tpu.memory_space<vmem>>
        %dma_wait3A_42 = arith.constant 0 : i32
        %dma_wait3A_43 = arith.constant 0 : i32
        %dma_wait3A_44 = tpu.memref_slice %arg6[%dma_wait3A_42, %dma_wait3A_43] : memref<10240x128xf32, #tpu.memory_space<vmem_shared>> -> memref<10240x128xf32, #tpu.memory_space<vmem_shared>>
        tpu.wait_indirect_dma semaphore(%run_scoped3A : memref<!tpu.dma_semaphore, #tpu.memory_space<semaphore_mem>>) src(%arg5 : memref<128x128xf32, #tpu.memory_space<vmem>>) dst(%dma_wait3A_44 : memref<10240x128xf32, #tpu.memory_space<vmem_shared>>)
        tpu.yield
      }) : () -> ()
    }
    %scan3A_32 = arith.constant 79 : i32
    %barrier3A_33 = arith.constant 0 : index
    tpu.barrier barrier_id(%barrier3A_33)
    "tpu.region"() ({
      %run_scoped3A = tpu.sem_alloc : memref<!tpu.dma_semaphore, #tpu.memory_space<semaphore_mem>>
      %dma_start3A = arith.constant 0 : i32
      %dma_start3A_34 = tpu.memref_slice %arg3[%arg0, %mul3A_2, %dma_start3A] : memref<2x10240x128xf32, #tpu.memory_space<hbm>> -> memref<1x640x128xf32, #tpu.memory_space<hbm>>
      %dma_start3A_35 = tpu.memref_squeeze %dma_start3A_34 : memref<1x640x128xf32, #tpu.memory_space<hbm>> -> memref<640x128xf32, #tpu.memory_space<hbm>>
      %dma_start3A_36 = arith.constant 0 : i32
      %dma_start3A_37 = tpu.memref_slice %arg6[%mul3A_2, %dma_start3A_36] : memref<10240x128xf32, #tpu.memory_space<vmem_shared>> -> memref<640x128xf32, #tpu.memory_space<vmem_shared>>
      tpu.enqueue_dma source(%dma_start3A_37 : memref<640x128xf32, #tpu.memory_space<vmem_shared>>) target(%dma_start3A_35 : memref<640x128xf32, #tpu.memory_space<hbm>>) target_semaphore(%run_scoped3A : memref<!tpu.dma_semaphore, #tpu.memory_space<semaphore_mem>>)
      %dma_wait3A = arith.constant 0 : i32
      %dma_wait3A_38 = tpu.memref_slice %arg3[%arg0, %mul3A_2, %dma_wait3A] : memref<2x10240x128xf32, #tpu.memory_space<hbm>> -> memref<1x640x128xf32, #tpu.memory_space<hbm>>
      %dma_wait3A_39 = tpu.memref_squeeze %dma_wait3A_38 : memref<1x640x128xf32, #tpu.memory_space<hbm>> -> memref<640x128xf32, #tpu.memory_space<hbm>>
      %dma_wait3A_40 = arith.constant 0 : i32
      %dma_wait3A_41 = tpu.memref_slice %arg6[%mul3A_2, %dma_wait3A_40] : memref<10240x128xf32, #tpu.memory_space<vmem_shared>> -> memref<640x128xf32, #tpu.memory_space<vmem_shared>>
      tpu.wait_dma2 semaphore(%run_scoped3A : memref<!tpu.dma_semaphore, #tpu.memory_space<semaphore_mem>>) src(%dma_wait3A_41 : memref<640x128xf32, #tpu.memory_space<vmem_shared>>) dst(%dma_wait3A_39 : memref<640x128xf32, #tpu.memory_space<hbm>>)
      tpu.yield
    }) : () -> ()
    return
  }
}

#map = affine_map<(d0, d1) -> (0, 0)>
#map1 = affine_map<(d0, d1) -> (0, 0, 0)>
module attributes {stable_mosaic.version = 14 : i64} {
  func.func @body(%arg0: i32, %arg1: i32, %arg2: memref<10240x128xf32, #tpu.memory_space<hbm>>, %arg3: memref<32x79x128xi32, #tpu.memory_space<hbm>>, %arg4: memref<32x79x128xi32, #tpu.memory_space<hbm>>, %arg5: memref<2x10240x128xf32, #tpu.memory_space<hbm>>, %arg6: memref<79x128xi32, #tpu.memory_space<vmem>>, %arg7: memref<79x128xi32, #tpu.memory_space<vmem>>, %arg8: memref<128x128xf32, #tpu.memory_space<vmem>>, %arg9: memref<10240x128xf32, #tpu.memory_space<vmem_shared>>) attributes {dimension_semantics = [#tpu.dimension_semantics<core_parallel>, #tpu.dimension_semantics<subcore_parallel>], iteration_bounds = array<i64: 2, 16>, scalar_prefetch = 0 : i64, scratch_operands = 4 : i64, tpu.core_type = #tpu.core_type<sc_vector_subcore>, window_params = [{transform_indices = #map}, {transform_indices = #map1}, {transform_indices = #map1}, {transform_indices = #map1}]} {
    %mul3A = arith.constant 2 : i32
    %mul3A_0 = arith.muli %arg1, %mul3A : i32
    %add3A = arith.addi %mul3A_0, %arg0 : i32
    %mul3A_1 = arith.constant 640 : i32
    %mul3A_2 = arith.muli %arg1, %mul3A_1 : i32
    %broadcast_in_dim3A = arith.constant 0.000000e+00 : f32
    %broadcast_in_dim3A_3 = vector.broadcast %broadcast_in_dim3A : f32 to vector<16xf32>
    %scan3A = arith.constant 0 : i32
    %scan3A_4 = arith.constant 0 : i32
    %scan3A_5 = arith.constant 128 : i32
    %scan3A_6 = arith.addi %scan3A_4, %scan3A_5 : i32
    %scan3A_7 = arith.constant 1 : i32
    scf.for %scan3A_26 = %scan3A_4 to %scan3A_6 step %scan3A_7  : i32 {
      %swap3A = arith.index_cast %scan3A_26 : i32 to index
      %swap3A_27 = arith.constant 0 : index
      %swap3A_28 = tpu.vector_load %arg8[%swap3A, %swap3A_27] {strides = array<i32>} : memref<128x128xf32, #tpu.memory_space<vmem>>, vector<1x16xf32>,
      %swap3A_29 = vector.shape_cast %swap3A_28 : vector<1x16xf32> to vector<16xf32>
      %swap3A_30 = vector.shape_cast %broadcast_in_dim3A_3 : vector<16xf32> to vector<1x16xf32>
      tpu.vector_store %arg8[%swap3A, %swap3A_27], %swap3A_30 {strides = array<i32>} : memref<128x128xf32, #tpu.memory_space<vmem>>, vector<1x16xf32>,
      %swap3A_31 = arith.index_cast %scan3A_26 : i32 to index
      %swap3A_32 = arith.constant 16 : index
      %swap3A_33 = tpu.vector_load %arg8[%swap3A_31, %swap3A_32] {strides = array<i32>} : memref<128x128xf32, #tpu.memory_space<vmem>>, vector<1x16xf32>,
      %swap3A_34 = vector.shape_cast %swap3A_33 : vector<1x16xf32> to vector<16xf32>
      %swap3A_35 = vector.shape_cast %broadcast_in_dim3A_3 : vector<16xf32> to vector<1x16xf32>
      tpu.vector_store %arg8[%swap3A_31, %swap3A_32], %swap3A_35 {strides = array<i32>} : memref<128x128xf32, #tpu.memory_space<vmem>>, vector<1x16xf32>,
      %swap3A_36 = arith.index_cast %scan3A_26 : i32 to index
      %swap3A_37 = arith.constant 32 : index
      %swap3A_38 = tpu.vector_load %arg8[%swap3A_36, %swap3A_37] {strides = array<i32>} : memref<128x128xf32, #tpu.memory_space<vmem>>, vector<1x16xf32>,
      %swap3A_39 = vector.shape_cast %swap3A_38 : vector<1x16xf32> to vector<16xf32>
      %swap3A_40 = vector.shape_cast %broadcast_in_dim3A_3 : vector<16xf32> to vector<1x16xf32>
      tpu.vector_store %arg8[%swap3A_36, %swap3A_37], %swap3A_40 {strides = array<i32>} : memref<128x128xf32, #tpu.memory_space<vmem>>, vector<1x16xf32>,
      %swap3A_41 = arith.index_cast %scan3A_26 : i32 to index
      %swap3A_42 = arith.constant 48 : index
      %swap3A_43 = tpu.vector_load %arg8[%swap3A_41, %swap3A_42] {strides = array<i32>} : memref<128x128xf32, #tpu.memory_space<vmem>>, vector<1x16xf32>,
      %swap3A_44 = vector.shape_cast %swap3A_43 : vector<1x16xf32> to vector<16xf32>
      %swap3A_45 = vector.shape_cast %broadcast_in_dim3A_3 : vector<16xf32> to vector<1x16xf32>
      tpu.vector_store %arg8[%swap3A_41, %swap3A_42], %swap3A_45 {strides = array<i32>} : memref<128x128xf32, #tpu.memory_space<vmem>>, vector<1x16xf32>,
      %swap3A_46 = arith.index_cast %scan3A_26 : i32 to index
      %swap3A_47 = arith.constant 64 : index
      %swap3A_48 = tpu.vector_load %arg8[%swap3A_46, %swap3A_47] {strides = array<i32>} : memref<128x128xf32, #tpu.memory_space<vmem>>, vector<1x16xf32>,
      %swap3A_49 = vector.shape_cast %swap3A_48 : vector<1x16xf32> to vector<16xf32>
      %swap3A_50 = vector.shape_cast %broadcast_in_dim3A_3 : vector<16xf32> to vector<1x16xf32>
      tpu.vector_store %arg8[%swap3A_46, %swap3A_47], %swap3A_50 {strides = array<i32>} : memref<128x128xf32, #tpu.memory_space<vmem>>, vector<1x16xf32>,
      %swap3A_51 = arith.index_cast %scan3A_26 : i32 to index
      %swap3A_52 = arith.constant 80 : index
      %swap3A_53 = tpu.vector_load %arg8[%swap3A_51, %swap3A_52] {strides = array<i32>} : memref<128x128xf32, #tpu.memory_space<vmem>>, vector<1x16xf32>,
      %swap3A_54 = vector.shape_cast %swap3A_53 : vector<1x16xf32> to vector<16xf32>
      %swap3A_55 = vector.shape_cast %broadcast_in_dim3A_3 : vector<16xf32> to vector<1x16xf32>
      tpu.vector_store %arg8[%swap3A_51, %swap3A_52], %swap3A_55 {strides = array<i32>} : memref<128x128xf32, #tpu.memory_space<vmem>>, vector<1x16xf32>,
      %swap3A_56 = arith.index_cast %scan3A_26 : i32 to index
      %swap3A_57 = arith.constant 96 : index
      %swap3A_58 = tpu.vector_load %arg8[%swap3A_56, %swap3A_57] {strides = array<i32>} : memref<128x128xf32, #tpu.memory_space<vmem>>, vector<1x16xf32>,
      %swap3A_59 = vector.shape_cast %swap3A_58 : vector<1x16xf32> to vector<16xf32>
      %swap3A_60 = vector.shape_cast %broadcast_in_dim3A_3 : vector<16xf32> to vector<1x16xf32>
      tpu.vector_store %arg8[%swap3A_56, %swap3A_57], %swap3A_60 {strides = array<i32>} : memref<128x128xf32, #tpu.memory_space<vmem>>, vector<1x16xf32>,
      %swap3A_61 = arith.index_cast %scan3A_26 : i32 to index
      %swap3A_62 = arith.constant 112 : index
      %swap3A_63 = tpu.vector_load %arg8[%swap3A_61, %swap3A_62] {strides = array<i32>} : memref<128x128xf32, #tpu.memory_space<vmem>>, vector<1x16xf32>,
      %swap3A_64 = vector.shape_cast %swap3A_63 : vector<1x16xf32> to vector<16xf32>
      %swap3A_65 = vector.shape_cast %broadcast_in_dim3A_3 : vector<16xf32> to vector<1x16xf32>
      tpu.vector_store %arg8[%swap3A_61, %swap3A_62], %swap3A_65 {strides = array<i32>} : memref<128x128xf32, #tpu.memory_space<vmem>>, vector<1x16xf32>,
    }
    %scan3A_8 = arith.constant 128 : i32
    %add3A_9 = arith.constant 0 : i32
    %add3A_10 = arith.addi %mul3A_2, %add3A_9 : i32
    "tpu.region"() ({
      %run_scoped3A = tpu.sem_alloc : memref<!tpu.dma_semaphore, #tpu.memory_space<semaphore_mem>>
      %dma_start3A = arith.constant 0 : i32
      %dma_start3A_26 = arith.constant 0 : i32
      %dma_start3A_27 = tpu.memref_slice %arg8[%dma_start3A, %dma_start3A_26] : memref<128x128xf32, #tpu.memory_space<vmem>> -> memref<128x128xf32, #tpu.memory_space<vmem>>
      %dma_start3A_28 = arith.constant 0 : i32
      %dma_start3A_29 = tpu.memref_slice %arg9[%add3A_10, %dma_start3A_28] : memref<10240x128xf32, #tpu.memory_space<vmem_shared>> -> memref<128x128xf32, #tpu.memory_space<vmem_shared>>
      %dma_start3A_30 = arith.constant 0 : i32
      %dma_start3A_31 = tpu.memref_slice %arg9[%add3A_10, %dma_start3A_30] : memref<10240x128xf32, #tpu.memory_space<vmem_shared>> -> memref<128x128xf32, #tpu.memory_space<vmem_shared>>
      %dma_start3A_32 = arith.constant 0 : i32
      %dma_start3A_33 = arith.constant 0 : i32
      %dma_start3A_34 = tpu.memref_slice %arg8[%dma_start3A_32, %dma_start3A_33] : memref<128x128xf32, #tpu.memory_space<vmem>> -> memref<128x128xf32, #tpu.memory_space<vmem>>
      tpu.enqueue_dma source(%dma_start3A_34 : memref<128x128xf32, #tpu.memory_space<vmem>>) target(%dma_start3A_31 : memref<128x128xf32, #tpu.memory_space<vmem_shared>>) target_semaphore(%run_scoped3A : memref<!tpu.dma_semaphore, #tpu.memory_space<semaphore_mem>>)
      %dma_wait3A = arith.constant 0 : i32
      %dma_wait3A_35 = arith.constant 0 : i32
      %dma_wait3A_36 = tpu.memref_slice %arg8[%dma_wait3A, %dma_wait3A_35] : memref<128x128xf32, #tpu.memory_space<vmem>> -> memref<128x128xf32, #tpu.memory_space<vmem>>
      %dma_wait3A_37 = arith.constant 0 : i32
      %dma_wait3A_38 = tpu.memref_slice %arg9[%add3A_10, %dma_wait3A_37] : memref<10240x128xf32, #tpu.memory_space<vmem_shared>> -> memref<128x128xf32, #tpu.memory_space<vmem_shared>>
      %dma_wait3A_39 = arith.constant 0 : i32
      %dma_wait3A_40 = tpu.memref_slice %arg9[%add3A_10, %dma_wait3A_39] : memref<10240x128xf32, #tpu.memory_space<vmem_shared>> -> memref<128x128xf32, #tpu.memory_space<vmem_shared>>
      %dma_wait3A_41 = arith.constant 0 : i32
      %dma_wait3A_42 = arith.constant 0 : i32
      %dma_wait3A_43 = tpu.memref_slice %arg8[%dma_wait3A_41, %dma_wait3A_42] : memref<128x128xf32, #tpu.memory_space<vmem>> -> memref<128x128xf32, #tpu.memory_space<vmem>>
      tpu.wait_dma2 semaphore(%run_scoped3A : memref<!tpu.dma_semaphore, #tpu.memory_space<semaphore_mem>>) src(%dma_wait3A_43 : memref<128x128xf32, #tpu.memory_space<vmem>>) dst(%dma_wait3A_40 : memref<128x128xf32, #tpu.memory_space<vmem_shared>>)
      tpu.yield
    }) : () -> ()
    %add3A_11 = arith.constant 128 : i32
    %add3A_12 = arith.addi %mul3A_2, %add3A_11 : i32
    "tpu.region"() ({
      %run_scoped3A = tpu.sem_alloc : memref<!tpu.dma_semaphore, #tpu.memory_space<semaphore_mem>>
      %dma_start3A = arith.constant 0 : i32
      %dma_start3A_26 = arith.constant 0 : i32
      %dma_start3A_27 = tpu.memref_slice %arg8[%dma_start3A, %dma_start3A_26] : memref<128x128xf32, #tpu.memory_space<vmem>> -> memref<128x128xf32, #tpu.memory_space<vmem>>
      %dma_start3A_28 = arith.constant 0 : i32
      %dma_start3A_29 = tpu.memref_slice %arg9[%add3A_12, %dma_start3A_28] : memref<10240x128xf32, #tpu.memory_space<vmem_shared>> -> memref<128x128xf32, #tpu.memory_space<vmem_shared>>
      %dma_start3A_30 = arith.constant 0 : i32
      %dma_start3A_31 = tpu.memref_slice %arg9[%add3A_12, %dma_start3A_30] : memref<10240x128xf32, #tpu.memory_space<vmem_shared>> -> memref<128x128xf32, #tpu.memory_space<vmem_shared>>
      %dma_start3A_32 = arith.constant 0 : i32
      %dma_start3A_33 = arith.constant 0 : i32
      %dma_start3A_34 = tpu.memref_slice %arg8[%dma_start3A_32, %dma_start3A_33] : memref<128x128xf32, #tpu.memory_space<vmem>> -> memref<128x128xf32, #tpu.memory_space<vmem>>
      tpu.enqueue_dma source(%dma_start3A_34 : memref<128x128xf32, #tpu.memory_space<vmem>>) target(%dma_start3A_31 : memref<128x128xf32, #tpu.memory_space<vmem_shared>>) target_semaphore(%run_scoped3A : memref<!tpu.dma_semaphore, #tpu.memory_space<semaphore_mem>>)
      %dma_wait3A = arith.constant 0 : i32
      %dma_wait3A_35 = arith.constant 0 : i32
      %dma_wait3A_36 = tpu.memref_slice %arg8[%dma_wait3A, %dma_wait3A_35] : memref<128x128xf32, #tpu.memory_space<vmem>> -> memref<128x128xf32, #tpu.memory_space<vmem>>
      %dma_wait3A_37 = arith.constant 0 : i32
      %dma_wait3A_38 = tpu.memref_slice %arg9[%add3A_12, %dma_wait3A_37] : memref<10240x128xf32, #tpu.memory_space<vmem_shared>> -> memref<128x128xf32, #tpu.memory_space<vmem_shared>>
      %dma_wait3A_39 = arith.constant 0 : i32
      %dma_wait3A_40 = tpu.memref_slice %arg9[%add3A_12, %dma_wait3A_39] : memref<10240x128xf32, #tpu.memory_space<vmem_shared>> -> memref<128x128xf32, #tpu.memory_space<vmem_shared>>
      %dma_wait3A_41 = arith.constant 0 : i32
      %dma_wait3A_42 = arith.constant 0 : i32
      %dma_wait3A_43 = tpu.memref_slice %arg8[%dma_wait3A_41, %dma_wait3A_42] : memref<128x128xf32, #tpu.memory_space<vmem>> -> memref<128x128xf32, #tpu.memory_space<vmem>>
      tpu.wait_dma2 semaphore(%run_scoped3A : memref<!tpu.dma_semaphore, #tpu.memory_space<semaphore_mem>>) src(%dma_wait3A_43 : memref<128x128xf32, #tpu.memory_space<vmem>>) dst(%dma_wait3A_40 : memref<128x128xf32, #tpu.memory_space<vmem_shared>>)
      tpu.yield
    }) : () -> ()
    %add3A_13 = arith.constant 256 : i32
    %add3A_14 = arith.addi %mul3A_2, %add3A_13 : i32
    "tpu.region"() ({
      %run_scoped3A = tpu.sem_alloc : memref<!tpu.dma_semaphore, #tpu.memory_space<semaphore_mem>>
      %dma_start3A = arith.constant 0 : i32
      %dma_start3A_26 = arith.constant 0 : i32
      %dma_start3A_27 = tpu.memref_slice %arg8[%dma_start3A, %dma_start3A_26] : memref<128x128xf32, #tpu.memory_space<vmem>> -> memref<128x128xf32, #tpu.memory_space<vmem>>
      %dma_start3A_28 = arith.constant 0 : i32
      %dma_start3A_29 = tpu.memref_slice %arg9[%add3A_14, %dma_start3A_28] : memref<10240x128xf32, #tpu.memory_space<vmem_shared>> -> memref<128x128xf32, #tpu.memory_space<vmem_shared>>
      %dma_start3A_30 = arith.constant 0 : i32
      %dma_start3A_31 = tpu.memref_slice %arg9[%add3A_14, %dma_start3A_30] : memref<10240x128xf32, #tpu.memory_space<vmem_shared>> -> memref<128x128xf32, #tpu.memory_space<vmem_shared>>
      %dma_start3A_32 = arith.constant 0 : i32
      %dma_start3A_33 = arith.constant 0 : i32
      %dma_start3A_34 = tpu.memref_slice %arg8[%dma_start3A_32, %dma_start3A_33] : memref<128x128xf32, #tpu.memory_space<vmem>> -> memref<128x128xf32, #tpu.memory_space<vmem>>
      tpu.enqueue_dma source(%dma_start3A_34 : memref<128x128xf32, #tpu.memory_space<vmem>>) target(%dma_start3A_31 : memref<128x128xf32, #tpu.memory_space<vmem_shared>>) target_semaphore(%run_scoped3A : memref<!tpu.dma_semaphore, #tpu.memory_space<semaphore_mem>>)
      %dma_wait3A = arith.constant 0 : i32
      %dma_wait3A_35 = arith.constant 0 : i32
      %dma_wait3A_36 = tpu.memref_slice %arg8[%dma_wait3A, %dma_wait3A_35] : memref<128x128xf32, #tpu.memory_space<vmem>> -> memref<128x128xf32, #tpu.memory_space<vmem>>
      %dma_wait3A_37 = arith.constant 0 : i32
      %dma_wait3A_38 = tpu.memref_slice %arg9[%add3A_14, %dma_wait3A_37] : memref<10240x128xf32, #tpu.memory_space<vmem_shared>> -> memref<128x128xf32, #tpu.memory_space<vmem_shared>>
      %dma_wait3A_39 = arith.constant 0 : i32
      %dma_wait3A_40 = tpu.memref_slice %arg9[%add3A_14, %dma_wait3A_39] : memref<10240x128xf32, #tpu.memory_space<vmem_shared>> -> memref<128x128xf32, #tpu.memory_space<vmem_shared>>
      %dma_wait3A_41 = arith.constant 0 : i32
      %dma_wait3A_42 = arith.constant 0 : i32
      %dma_wait3A_43 = tpu.memref_slice %arg8[%dma_wait3A_41, %dma_wait3A_42] : memref<128x128xf32, #tpu.memory_space<vmem>> -> memref<128x128xf32, #tpu.memory_space<vmem>>
      tpu.wait_dma2 semaphore(%run_scoped3A : memref<!tpu.dma_semaphore, #tpu.memory_space<semaphore_mem>>) src(%dma_wait3A_43 : memref<128x128xf32, #tpu.memory_space<vmem>>) dst(%dma_wait3A_40 : memref<128x128xf32, #tpu.memory_space<vmem_shared>>)
      tpu.yield
    }) : () -> ()
    %add3A_15 = arith.constant 384 : i32
    %add3A_16 = arith.addi %mul3A_2, %add3A_15 : i32
    "tpu.region"() ({
      %run_scoped3A = tpu.sem_alloc : memref<!tpu.dma_semaphore, #tpu.memory_space<semaphore_mem>>
      %dma_start3A = arith.constant 0 : i32
      %dma_start3A_26 = arith.constant 0 : i32
      %dma_start3A_27 = tpu.memref_slice %arg8[%dma_start3A, %dma_start3A_26] : memref<128x128xf32, #tpu.memory_space<vmem>> -> memref<128x128xf32, #tpu.memory_space<vmem>>
      %dma_start3A_28 = arith.constant 0 : i32
      %dma_start3A_29 = tpu.memref_slice %arg9[%add3A_16, %dma_start3A_28] : memref<10240x128xf32, #tpu.memory_space<vmem_shared>> -> memref<128x128xf32, #tpu.memory_space<vmem_shared>>
      %dma_start3A_30 = arith.constant 0 : i32
      %dma_start3A_31 = tpu.memref_slice %arg9[%add3A_16, %dma_start3A_30] : memref<10240x128xf32, #tpu.memory_space<vmem_shared>> -> memref<128x128xf32, #tpu.memory_space<vmem_shared>>
      %dma_start3A_32 = arith.constant 0 : i32
      %dma_start3A_33 = arith.constant 0 : i32
      %dma_start3A_34 = tpu.memref_slice %arg8[%dma_start3A_32, %dma_start3A_33] : memref<128x128xf32, #tpu.memory_space<vmem>> -> memref<128x128xf32, #tpu.memory_space<vmem>>
      tpu.enqueue_dma source(%dma_start3A_34 : memref<128x128xf32, #tpu.memory_space<vmem>>) target(%dma_start3A_31 : memref<128x128xf32, #tpu.memory_space<vmem_shared>>) target_semaphore(%run_scoped3A : memref<!tpu.dma_semaphore, #tpu.memory_space<semaphore_mem>>)
      %dma_wait3A = arith.constant 0 : i32
      %dma_wait3A_35 = arith.constant 0 : i32
      %dma_wait3A_36 = tpu.memref_slice %arg8[%dma_wait3A, %dma_wait3A_35] : memref<128x128xf32, #tpu.memory_space<vmem>> -> memref<128x128xf32, #tpu.memory_space<vmem>>
      %dma_wait3A_37 = arith.constant 0 : i32
      %dma_wait3A_38 = tpu.memref_slice %arg9[%add3A_16, %dma_wait3A_37] : memref<10240x128xf32, #tpu.memory_space<vmem_shared>> -> memref<128x128xf32, #tpu.memory_space<vmem_shared>>
      %dma_wait3A_39 = arith.constant 0 : i32
      %dma_wait3A_40 = tpu.memref_slice %arg9[%add3A_16, %dma_wait3A_39] : memref<10240x128xf32, #tpu.memory_space<vmem_shared>> -> memref<128x128xf32, #tpu.memory_space<vmem_shared>>
      %dma_wait3A_41 = arith.constant 0 : i32
      %dma_wait3A_42 = arith.constant 0 : i32
      %dma_wait3A_43 = tpu.memref_slice %arg8[%dma_wait3A_41, %dma_wait3A_42] : memref<128x128xf32, #tpu.memory_space<vmem>> -> memref<128x128xf32, #tpu.memory_space<vmem>>
      tpu.wait_dma2 semaphore(%run_scoped3A : memref<!tpu.dma_semaphore, #tpu.memory_space<semaphore_mem>>) src(%dma_wait3A_43 : memref<128x128xf32, #tpu.memory_space<vmem>>) dst(%dma_wait3A_40 : memref<128x128xf32, #tpu.memory_space<vmem_shared>>)
      tpu.yield
    }) : () -> ()
    %add3A_17 = arith.constant 512 : i32
    %add3A_18 = arith.addi %mul3A_2, %add3A_17 : i32
    "tpu.region"() ({
      %run_scoped3A = tpu.sem_alloc : memref<!tpu.dma_semaphore, #tpu.memory_space<semaphore_mem>>
      %dma_start3A = arith.constant 0 : i32
      %dma_start3A_26 = arith.constant 0 : i32
      %dma_start3A_27 = tpu.memref_slice %arg8[%dma_start3A, %dma_start3A_26] : memref<128x128xf32, #tpu.memory_space<vmem>> -> memref<128x128xf32, #tpu.memory_space<vmem>>
      %dma_start3A_28 = arith.constant 0 : i32
      %dma_start3A_29 = tpu.memref_slice %arg9[%add3A_18, %dma_start3A_28] : memref<10240x128xf32, #tpu.memory_space<vmem_shared>> -> memref<128x128xf32, #tpu.memory_space<vmem_shared>>
      %dma_start3A_30 = arith.constant 0 : i32
      %dma_start3A_31 = tpu.memref_slice %arg9[%add3A_18, %dma_start3A_30] : memref<10240x128xf32, #tpu.memory_space<vmem_shared>> -> memref<128x128xf32, #tpu.memory_space<vmem_shared>>
      %dma_start3A_32 = arith.constant 0 : i32
      %dma_start3A_33 = arith.constant 0 : i32
      %dma_start3A_34 = tpu.memref_slice %arg8[%dma_start3A_32, %dma_start3A_33] : memref<128x128xf32, #tpu.memory_space<vmem>> -> memref<128x128xf32, #tpu.memory_space<vmem>>
      tpu.enqueue_dma source(%dma_start3A_34 : memref<128x128xf32, #tpu.memory_space<vmem>>) target(%dma_start3A_31 : memref<128x128xf32, #tpu.memory_space<vmem_shared>>) target_semaphore(%run_scoped3A : memref<!tpu.dma_semaphore, #tpu.memory_space<semaphore_mem>>)
      %dma_wait3A = arith.constant 0 : i32
      %dma_wait3A_35 = arith.constant 0 : i32
      %dma_wait3A_36 = tpu.memref_slice %arg8[%dma_wait3A, %dma_wait3A_35] : memref<128x128xf32, #tpu.memory_space<vmem>> -> memref<128x128xf32, #tpu.memory_space<vmem>>
      %dma_wait3A_37 = arith.constant 0 : i32
      %dma_wait3A_38 = tpu.memref_slice %arg9[%add3A_18, %dma_wait3A_37] : memref<10240x128xf32, #tpu.memory_space<vmem_shared>> -> memref<128x128xf32, #tpu.memory_space<vmem_shared>>
      %dma_wait3A_39 = arith.constant 0 : i32
      %dma_wait3A_40 = tpu.memref_slice %arg9[%add3A_18, %dma_wait3A_39] : memref<10240x128xf32, #tpu.memory_space<vmem_shared>> -> memref<128x128xf32, #tpu.memory_space<vmem_shared>>
      %dma_wait3A_41 = arith.constant 0 : i32
      %dma_wait3A_42 = arith.constant 0 : i32
      %dma_wait3A_43 = tpu.memref_slice %arg8[%dma_wait3A_41, %dma_wait3A_42] : memref<128x128xf32, #tpu.memory_space<vmem>> -> memref<128x128xf32, #tpu.memory_space<vmem>>
      tpu.wait_dma2 semaphore(%run_scoped3A : memref<!tpu.dma_semaphore, #tpu.memory_space<semaphore_mem>>) src(%dma_wait3A_43 : memref<128x128xf32, #tpu.memory_space<vmem>>) dst(%dma_wait3A_40 : memref<128x128xf32, #tpu.memory_space<vmem_shared>>)
      tpu.yield
    }) : () -> ()
    "tpu.region"() ({
      %run_scoped3A = tpu.sem_alloc : memref<!tpu.dma_semaphore, #tpu.memory_space<semaphore_mem>>
      %dma_start3A = arith.constant 0 : i32
      %dma_start3A_26 = arith.constant 0 : i32
      %dma_start3A_27 = tpu.memref_slice %arg3[%add3A, %dma_start3A, %dma_start3A_26] : memref<32x79x128xi32, #tpu.memory_space<hbm>> -> memref<1x79x128xi32, #tpu.memory_space<hbm>>
      %dma_start3A_28 = tpu.memref_squeeze %dma_start3A_27 : memref<1x79x128xi32, #tpu.memory_space<hbm>> -> memref<79x128xi32, #tpu.memory_space<hbm>>
      %dma_start3A_29 = arith.constant 0 : i32
      %dma_start3A_30 = arith.constant 0 : i32
      %dma_start3A_31 = tpu.memref_slice %arg3[%add3A, %dma_start3A_29, %dma_start3A_30] : memref<32x79x128xi32, #tpu.memory_space<hbm>> -> memref<1x79x128xi32, #tpu.memory_space<hbm>>
      %dma_start3A_32 = tpu.memref_squeeze %dma_start3A_31 : memref<1x79x128xi32, #tpu.memory_space<hbm>> -> memref<79x128xi32, #tpu.memory_space<hbm>>
      tpu.enqueue_dma source(%dma_start3A_32 : memref<79x128xi32, #tpu.memory_space<hbm>>) target(%arg6 : memref<79x128xi32, #tpu.memory_space<vmem>>) target_semaphore(%run_scoped3A : memref<!tpu.dma_semaphore, #tpu.memory_space<semaphore_mem>>)
      %dma_wait3A = arith.constant 0 : i32
      %dma_wait3A_33 = arith.constant 0 : i32
      %dma_wait3A_34 = tpu.memref_slice %arg3[%add3A, %dma_wait3A, %dma_wait3A_33] : memref<32x79x128xi32, #tpu.memory_space<hbm>> -> memref<1x79x128xi32, #tpu.memory_space<hbm>>
      %dma_wait3A_35 = tpu.memref_squeeze %dma_wait3A_34 : memref<1x79x128xi32, #tpu.memory_space<hbm>> -> memref<79x128xi32, #tpu.memory_space<hbm>>
      %dma_wait3A_36 = arith.constant 0 : i32
      %dma_wait3A_37 = arith.constant 0 : i32
      %dma_wait3A_38 = tpu.memref_slice %arg3[%add3A, %dma_wait3A_36, %dma_wait3A_37] : memref<32x79x128xi32, #tpu.memory_space<hbm>> -> memref<1x79x128xi32, #tpu.memory_space<hbm>>
      %dma_wait3A_39 = tpu.memref_squeeze %dma_wait3A_38 : memref<1x79x128xi32, #tpu.memory_space<hbm>> -> memref<79x128xi32, #tpu.memory_space<hbm>>
      tpu.wait_dma2 semaphore(%run_scoped3A : memref<!tpu.dma_semaphore, #tpu.memory_space<semaphore_mem>>) src(%dma_wait3A_39 : memref<79x128xi32, #tpu.memory_space<hbm>>) dst(%arg6 : memref<79x128xi32, #tpu.memory_space<vmem>>)
      tpu.yield
    }) : () -> ()
    "tpu.region"() ({
      %run_scoped3A = tpu.sem_alloc : memref<!tpu.dma_semaphore, #tpu.memory_space<semaphore_mem>>
      %dma_start3A = arith.constant 0 : i32
      %dma_start3A_26 = arith.constant 0 : i32
      %dma_start3A_27 = tpu.memref_slice %arg4[%add3A, %dma_start3A, %dma_start3A_26] : memref<32x79x128xi32, #tpu.memory_space<hbm>> -> memref<1x79x128xi32, #tpu.memory_space<hbm>>
      %dma_start3A_28 = tpu.memref_squeeze %dma_start3A_27 : memref<1x79x128xi32, #tpu.memory_space<hbm>> -> memref<79x128xi32, #tpu.memory_space<hbm>>
      %dma_start3A_29 = arith.constant 0 : i32
      %dma_start3A_30 = arith.constant 0 : i32
      %dma_start3A_31 = tpu.memref_slice %arg4[%add3A, %dma_start3A_29, %dma_start3A_30] : memref<32x79x128xi32, #tpu.memory_space<hbm>> -> memref<1x79x128xi32, #tpu.memory_space<hbm>>
      %dma_start3A_32 = tpu.memref_squeeze %dma_start3A_31 : memref<1x79x128xi32, #tpu.memory_space<hbm>> -> memref<79x128xi32, #tpu.memory_space<hbm>>
      tpu.enqueue_dma source(%dma_start3A_32 : memref<79x128xi32, #tpu.memory_space<hbm>>) target(%arg7 : memref<79x128xi32, #tpu.memory_space<vmem>>) target_semaphore(%run_scoped3A : memref<!tpu.dma_semaphore, #tpu.memory_space<semaphore_mem>>)
      %dma_wait3A = arith.constant 0 : i32
      %dma_wait3A_33 = arith.constant 0 : i32
      %dma_wait3A_34 = tpu.memref_slice %arg4[%add3A, %dma_wait3A, %dma_wait3A_33] : memref<32x79x128xi32, #tpu.memory_space<hbm>> -> memref<1x79x128xi32, #tpu.memory_space<hbm>>
      %dma_wait3A_35 = tpu.memref_squeeze %dma_wait3A_34 : memref<1x79x128xi32, #tpu.memory_space<hbm>> -> memref<79x128xi32, #tpu.memory_space<hbm>>
      %dma_wait3A_36 = arith.constant 0 : i32
      %dma_wait3A_37 = arith.constant 0 : i32
      %dma_wait3A_38 = tpu.memref_slice %arg4[%add3A, %dma_wait3A_36, %dma_wait3A_37] : memref<32x79x128xi32, #tpu.memory_space<hbm>> -> memref<1x79x128xi32, #tpu.memory_space<hbm>>
      %dma_wait3A_39 = tpu.memref_squeeze %dma_wait3A_38 : memref<1x79x128xi32, #tpu.memory_space<hbm>> -> memref<79x128xi32, #tpu.memory_space<hbm>>
      tpu.wait_dma2 semaphore(%run_scoped3A : memref<!tpu.dma_semaphore, #tpu.memory_space<semaphore_mem>>) src(%dma_wait3A_39 : memref<79x128xi32, #tpu.memory_space<hbm>>) dst(%arg7 : memref<79x128xi32, #tpu.memory_space<vmem>>)
      tpu.yield
    }) : () -> ()
    %barrier3A = arith.constant 0 : index
    tpu.barrier barrier_id(%barrier3A)
    %scan3A_19 = arith.constant 0 : i32
    %scan3A_20 = arith.constant 0 : i32
    %scan3A_21 = arith.constant 79 : i32
    %scan3A_22 = arith.addi %scan3A_20, %scan3A_21 : i32
    %scan3A_23 = arith.constant 1 : i32
    scf.for %scan3A_26 = %scan3A_20 to %scan3A_22 step %scan3A_23  : i32 {
      "tpu.region"() ({
        %run_scoped3A = tpu.sem_alloc : memref<!tpu.dma_semaphore, #tpu.memory_space<semaphore_mem>>
        %dma_start3A = arith.constant 0 : i32
        %dma_start3A_27 = tpu.memref_slice %arg6[%scan3A_26, %dma_start3A] : memref<79x128xi32, #tpu.memory_space<vmem>> -> memref<1x128xi32, #tpu.memory_space<vmem>>
        %dma_start3A_28 = tpu.memref_squeeze %dma_start3A_27 : memref<1x128xi32, #tpu.memory_space<vmem>> -> memref<128xi32, #tpu.memory_space<vmem>>
        %dma_start3A_29 = arith.constant 0 : i32
        %dma_start3A_30 = arith.constant 0 : i32
        %dma_start3A_31 = tpu.memref_slice %arg2[%dma_start3A_29, %dma_start3A_30] : memref<10240x128xf32, #tpu.memory_space<hbm>> -> memref<10240x128xf32, #tpu.memory_space<hbm>>
        tpu.enqueue_indirect_dma source(%dma_start3A_31 : memref<10240x128xf32, #tpu.memory_space<hbm>>) target(%arg8 : memref<128x128xf32, #tpu.memory_space<vmem>>) offsets(%dma_start3A_28 : memref<128xi32, #tpu.memory_space<vmem>>) semaphore(%run_scoped3A : memref<!tpu.dma_semaphore, #tpu.memory_space<semaphore_mem>>)
        %dma_wait3A = arith.constant 0 : i32
        %dma_wait3A_32 = tpu.memref_slice %arg6[%scan3A_26, %dma_wait3A] : memref<79x128xi32, #tpu.memory_space<vmem>> -> memref<1x128xi32, #tpu.memory_space<vmem>>
        %dma_wait3A_33 = tpu.memref_squeeze %dma_wait3A_32 : memref<1x128xi32, #tpu.memory_space<vmem>> -> memref<128xi32, #tpu.memory_space<vmem>>
        %dma_wait3A_34 = arith.constant 0 : i32
        %dma_wait3A_35 = arith.constant 0 : i32
        %dma_wait3A_36 = tpu.memref_slice %arg2[%dma_wait3A_34, %dma_wait3A_35] : memref<10240x128xf32, #tpu.memory_space<hbm>> -> memref<10240x128xf32, #tpu.memory_space<hbm>>
        tpu.wait_indirect_dma semaphore(%run_scoped3A : memref<!tpu.dma_semaphore, #tpu.memory_space<semaphore_mem>>) src(%dma_wait3A_36 : memref<10240x128xf32, #tpu.memory_space<hbm>>) dst(%arg8 : memref<128x128xf32, #tpu.memory_space<vmem>>)
        tpu.yield
      }) : () -> ()
      "tpu.region"() ({
        %run_scoped3A = tpu.sem_alloc : memref<!tpu.dma_semaphore, #tpu.memory_space<semaphore_mem>>
        %dma_start3A = arith.constant 0 : i32
        %dma_start3A_27 = tpu.memref_slice %arg7[%scan3A_26, %dma_start3A] : memref<79x128xi32, #tpu.memory_space<vmem>> -> memref<1x128xi32, #tpu.memory_space<vmem>>
        %dma_start3A_28 = tpu.memref_squeeze %dma_start3A_27 : memref<1x128xi32, #tpu.memory_space<vmem>> -> memref<128xi32, #tpu.memory_space<vmem>>
        %dma_start3A_29 = arith.constant 0 : i32
        %dma_start3A_30 = arith.constant 0 : i32
        %dma_start3A_31 = tpu.memref_slice %arg9[%dma_start3A_29, %dma_start3A_30] : memref<10240x128xf32, #tpu.memory_space<vmem_shared>> -> memref<10240x128xf32, #tpu.memory_space<vmem_shared>>
        tpu.enqueue_indirect_dma source(%arg8 : memref<128x128xf32, #tpu.memory_space<vmem>>) target(%dma_start3A_31 : memref<10240x128xf32, #tpu.memory_space<vmem_shared>>) offsets(%dma_start3A_28 : memref<128xi32, #tpu.memory_space<vmem>>) semaphore(%run_scoped3A : memref<!tpu.dma_semaphore, #tpu.memory_space<semaphore_mem>>) {add = true}
        %dma_wait3A = arith.constant 0 : i32
        %dma_wait3A_32 = tpu.memref_slice %arg7[%scan3A_26, %dma_wait3A] : memref<79x128xi32, #tpu.memory_space<vmem>> -> memref<1x128xi32, #tpu.memory_space<vmem>>
        %dma_wait3A_33 = tpu.memref_squeeze %dma_wait3A_32 : memref<1x128xi32, #tpu.memory_space<vmem>> -> memref<128xi32, #tpu.memory_space<vmem>>
        %dma_wait3A_34 = arith.constant 0 : i32
        %dma_wait3A_35 = arith.constant 0 : i32
        %dma_wait3A_36 = tpu.memref_slice %arg9[%dma_wait3A_34, %dma_wait3A_35] : memref<10240x128xf32, #tpu.memory_space<vmem_shared>> -> memref<10240x128xf32, #tpu.memory_space<vmem_shared>>
        tpu.wait_indirect_dma semaphore(%run_scoped3A : memref<!tpu.dma_semaphore, #tpu.memory_space<semaphore_mem>>) src(%arg8 : memref<128x128xf32, #tpu.memory_space<vmem>>) dst(%dma_wait3A_36 : memref<10240x128xf32, #tpu.memory_space<vmem_shared>>)
        tpu.yield
      }) : () -> ()
    }
    %scan3A_24 = arith.constant 79 : i32
    %barrier3A_25 = arith.constant 0 : index
    tpu.barrier barrier_id(%barrier3A_25)
    "tpu.region"() ({
      %run_scoped3A = tpu.sem_alloc : memref<!tpu.dma_semaphore, #tpu.memory_space<semaphore_mem>>
      %dma_start3A = arith.constant 0 : i32
      %dma_start3A_26 = tpu.memref_slice %arg5[%arg0, %mul3A_2, %dma_start3A] : memref<2x10240x128xf32, #tpu.memory_space<hbm>> -> memref<1x640x128xf32, #tpu.memory_space<hbm>>
      %dma_start3A_27 = tpu.memref_squeeze %dma_start3A_26 : memref<1x640x128xf32, #tpu.memory_space<hbm>> -> memref<640x128xf32, #tpu.memory_space<hbm>>
      %dma_start3A_28 = arith.constant 0 : i32
      %dma_start3A_29 = tpu.memref_slice %arg9[%mul3A_2, %dma_start3A_28] : memref<10240x128xf32, #tpu.memory_space<vmem_shared>> -> memref<640x128xf32, #tpu.memory_space<vmem_shared>>
      tpu.enqueue_dma source(%dma_start3A_29 : memref<640x128xf32, #tpu.memory_space<vmem_shared>>) target(%dma_start3A_27 : memref<640x128xf32, #tpu.memory_space<hbm>>) target_semaphore(%run_scoped3A : memref<!tpu.dma_semaphore, #tpu.memory_space<semaphore_mem>>)
      %dma_wait3A = arith.constant 0 : i32
      %dma_wait3A_30 = tpu.memref_slice %arg5[%arg0, %mul3A_2, %dma_wait3A] : memref<2x10240x128xf32, #tpu.memory_space<hbm>> -> memref<1x640x128xf32, #tpu.memory_space<hbm>>
      %dma_wait3A_31 = tpu.memref_squeeze %dma_wait3A_30 : memref<1x640x128xf32, #tpu.memory_space<hbm>> -> memref<640x128xf32, #tpu.memory_space<hbm>>
      %dma_wait3A_32 = arith.constant 0 : i32
      %dma_wait3A_33 = tpu.memref_slice %arg9[%mul3A_2, %dma_wait3A_32] : memref<10240x128xf32, #tpu.memory_space<vmem_shared>> -> memref<640x128xf32, #tpu.memory_space<vmem_shared>>
      tpu.wait_dma2 semaphore(%run_scoped3A : memref<!tpu.dma_semaphore, #tpu.memory_space<semaphore_mem>>) src(%dma_wait3A_33 : memref<640x128xf32, #tpu.memory_space<vmem_shared>>) dst(%dma_wait3A_31 : memref<640x128xf32, #tpu.memory_space<hbm>>)
      tpu.yield
    }) : () -> ()
    return
  }
}

module attributes {stable_mosaic.version = 14 : i64} {
  func.func @body(%arg0: i32, %arg1: memref<512x128xf32, #tpu.memory_space<vmem>>, %arg2: memref<512x128xf32, #tpu.memory_space<vmem>>, %arg3: memref<512x128xf32, #tpu.memory_space<vmem>>, %arg4: memref<512x128xf32, #tpu.memory_space<vmem>>, %arg5: memref<512x128xf32, #tpu.memory_space<vmem>>, %arg6: memref<128x128xf32, #tpu.memory_space<vmem>>, %arg7: memref<128x128xf32, #tpu.memory_space<vmem>>, %arg8: memref<1x128xf32, #tpu.memory_space<vmem>>, %arg9: memref<512x128xf32, #tpu.memory_space<vmem>>) attributes {dimension_semantics = [#tpu.dimension_semantics<arbitrary>], iteration_bounds = array<i64: 20>, scalar_prefetch = 0 : i64, scratch_operands = 0 : i64, tpu.core_type = #tpu.core_type<tc>, window_params = [{transform_indices = @transform_0, window_bounds = array<i64: 512, 128>}, {transform_indices = @transform_1, window_bounds = array<i64: 512, 128>}, {transform_indices = @transform_2, window_bounds = array<i64: 512, 128>}, {transform_indices = @transform_3, window_bounds = array<i64: 512, 128>}, {transform_indices = @transform_4, window_bounds = array<i64: 512, 128>}, {pipeline_mode = #tpu.pipeline_mode<synchronous>, transform_indices = @transform_5, window_bounds = array<i64: 128, 128>}, {pipeline_mode = #tpu.pipeline_mode<synchronous>, transform_indices = @transform_6, window_bounds = array<i64: 128, 128>}, {pipeline_mode = #tpu.pipeline_mode<synchronous>, transform_indices = @transform_7, window_bounds = array<i64: 1, 128>}, {transform_indices = @transform_8, window_bounds = array<i64: 512, 128>}]} {
    %get3A = arith.constant 0 : index
    %get3A_0 = arith.constant 0 : index
    %get3A_1 = vector.load %arg3[%get3A, %get3A_0] : memref<512x128xf32, #tpu.memory_space<vmem>>, vector<512x128xf32>
    %slice3A = vector.extract_strided_slice %get3A_1 {offsets = [0, 0], sizes = [512, 1], strides = [1, 1]} : vector<512x128xf32> to vector<512x1xf32>
    %get3A_2 = arith.constant 0 : index
    %get3A_3 = arith.constant 0 : index
    %get3A_4 = vector.load %arg4[%get3A_2, %get3A_3] : memref<512x128xf32, #tpu.memory_space<vmem>>, vector<512x128xf32>
    %slice3A_5 = vector.extract_strided_slice %get3A_4 {offsets = [0, 0], sizes = [512, 1], strides = [1, 1]} : vector<512x128xf32> to vector<512x1xf32>
    %add3A = arith.addf %slice3A, %slice3A_5 : vector<512x1xf32>
    %max3A = arith.constant 1.000000e+00 : f32
    %max3A_6 = vector.broadcast %max3A : f32 to vector<512x1xf32>
    %max3A_7 = arith.maximumf %add3A, %max3A_6 : vector<512x1xf32>
    %get3A_8 = arith.constant 0 : index
    %get3A_9 = arith.constant 0 : index
    %get3A_10 = vector.load %arg1[%get3A_8, %get3A_9] : memref<512x128xf32, #tpu.memory_space<vmem>>, vector<512x128xf32>
    %get3A_11 = arith.constant 0 : index
    %get3A_12 = arith.constant 0 : index
    %get3A_13 = vector.load %arg2[%get3A_11, %get3A_12] : memref<512x128xf32, #tpu.memory_space<vmem>>, vector<512x128xf32>
    %add3A_14 = arith.addf %get3A_10, %get3A_13 : vector<512x128xf32>
    %div3A = vector.broadcast %max3A_7 : vector<512x1xf32> to vector<512x128xf32>
    %div3A_15 = arith.divf %add3A_14, %div3A : vector<512x128xf32>
    %get3A_16 = arith.constant 0 : index
    %get3A_17 = arith.constant 0 : index
    %get3A_18 = vector.load %arg6[%get3A_16, %get3A_17] : memref<128x128xf32, #tpu.memory_space<vmem>>, vector<128x128xf32>
    %dot_general3A = arith.constant dense<0.000000e+00> : vector<512x128xf32>
    %dot_general3A_19 = tpu.matmul %div3A_15, %get3A_18, %dot_general3A {dimension_numbers = #tpu.dot_dimension_numbers<[1], [0], [0], [1], [0, 0, 1, 1], [], []>, transpose_lhs_hint = false} : vector<512x128xf32>, vector<128x128xf32>, vector<512x128xf32> -> vector<512x128xf32>
    %get3A_20 = arith.constant 0 : index
    %get3A_21 = arith.constant 0 : index
    %get3A_22 = vector.load %arg5[%get3A_20, %get3A_21] : memref<512x128xf32, #tpu.memory_space<vmem>>, vector<512x128xf32>
    %get3A_23 = arith.constant 0 : index
    %get3A_24 = arith.constant 0 : index
    %get3A_25 = vector.load %arg7[%get3A_23, %get3A_24] : memref<128x128xf32, #tpu.memory_space<vmem>>, vector<128x128xf32>
    %dot_general3A_26 = arith.constant dense<0.000000e+00> : vector<512x128xf32>
    %dot_general3A_27 = tpu.matmul %get3A_22, %get3A_25, %dot_general3A_26 {dimension_numbers = #tpu.dot_dimension_numbers<[1], [0], [0], [1], [0, 0, 1, 1], [], []>, transpose_lhs_hint = false} : vector<512x128xf32>, vector<128x128xf32>, vector<512x128xf32> -> vector<512x128xf32>
    %add3A_28 = arith.addf %dot_general3A_19, %dot_general3A_27 : vector<512x128xf32>
    %get3A_29 = arith.constant 0 : index
    %get3A_30 = arith.constant 0 : index
    %get3A_31 = vector.load %arg8[%get3A_29, %get3A_30] : memref<1x128xf32, #tpu.memory_space<vmem>>, vector<1x128xf32>
    %add3A_32 = vector.broadcast %get3A_31 : vector<1x128xf32> to vector<512x128xf32>
    %add3A_33 = arith.addf %add3A_28, %add3A_32 : vector<512x128xf32>
    %max3A_34 = arith.constant 0.000000e+00 : f32
    %max3A_35 = vector.broadcast %max3A_34 : f32 to vector<512x128xf32>
    %max3A_36 = arith.maximumf %add3A_33, %max3A_35 : vector<512x128xf32>
    %swap3A = arith.constant 0 : index
    %swap3A_37 = arith.constant 0 : index
    %swap3A_38 = vector.load %arg9[%swap3A, %swap3A_37] : memref<512x128xf32, #tpu.memory_space<vmem>>, vector<512x128xf32>
    tpu.vector_store %arg9[%swap3A, %swap3A_37], %max3A_36 {strides = array<i32>} : memref<512x128xf32, #tpu.memory_space<vmem>>, vector<512x128xf32>,
    return
  }
  func.func @transform_0(%arg0: i32) -> (i32, i32) {
    %c0_i32 = arith.constant 0 : i32
    %c0_i32_0 = arith.constant 0 : i32
    return %arg0, %c0_i32 : i32, i32
  }
  func.func @transform_1(%arg0: i32) -> (i32, i32) {
    %c0_i32 = arith.constant 0 : i32
    %c0_i32_0 = arith.constant 0 : i32
    return %arg0, %c0_i32 : i32, i32
  }
  func.func @transform_2(%arg0: i32) -> (i32, i32) {
    %c0_i32 = arith.constant 0 : i32
    %c0_i32_0 = arith.constant 0 : i32
    return %arg0, %c0_i32 : i32, i32
  }
  func.func @transform_3(%arg0: i32) -> (i32, i32) {
    %c0_i32 = arith.constant 0 : i32
    %c0_i32_0 = arith.constant 0 : i32
    return %arg0, %c0_i32 : i32, i32
  }
  func.func @transform_4(%arg0: i32) -> (i32, i32) {
    %c0_i32 = arith.constant 0 : i32
    %c0_i32_0 = arith.constant 0 : i32
    return %arg0, %c0_i32 : i32, i32
  }
  func.func @transform_5(%arg0: i32) -> (i32, i32) {
    %c0_i32 = arith.constant 0 : i32
    %c0_i32_0 = arith.constant 0 : i32
    %c0_i32_1 = arith.constant 0 : i32
    return %c0_i32, %c0_i32_0 : i32, i32
  }
  func.func @transform_6(%arg0: i32) -> (i32, i32) {
    %c0_i32 = arith.constant 0 : i32
    %c0_i32_0 = arith.constant 0 : i32
    %c0_i32_1 = arith.constant 0 : i32
    return %c0_i32, %c0_i32_0 : i32, i32
  }
  func.func @transform_7(%arg0: i32) -> (i32, i32) {
    %c0_i32 = arith.constant 0 : i32
    %c0_i32_0 = arith.constant 0 : i32
    %c0_i32_1 = arith.constant 0 : i32
    return %c0_i32, %c0_i32_0 : i32, i32
  }
  func.func @transform_8(%arg0: i32) -> (i32, i32) {
    %c0_i32 = arith.constant 0 : i32
    %c0_i32_0 = arith.constant 0 : i32
    return %arg0, %c0_i32 : i32, i32
  }
}

module attributes {stable_mosaic.version = 14 : i64} {
  func.func @body(%arg0: i32, %arg1: memref<512x128xf32, #tpu.memory_space<vmem>>, %arg2: memref<512x128xf32, #tpu.memory_space<vmem>>, %arg3: memref<512x128xf32, #tpu.memory_space<vmem>>, %arg4: memref<512x128xf32, #tpu.memory_space<vmem>>, %arg5: memref<512x128xf32, #tpu.memory_space<vmem>>, %arg6: memref<128x128xf32, #tpu.memory_space<vmem>>, %arg7: memref<128x128xf32, #tpu.memory_space<vmem>>, %arg8: memref<1x128xf32, #tpu.memory_space<vmem>>, %arg9: memref<512x128xf32, #tpu.memory_space<vmem>>) attributes {dimension_semantics = [#tpu.dimension_semantics<arbitrary>], iteration_bounds = array<i64: 20>, scalar_prefetch = 0 : i64, scratch_operands = 0 : i64, tpu.core_type = #tpu.core_type<tc>, window_params = [{transform_indices = @transform_0, window_bounds = array<i64: 512, 128>}, {transform_indices = @transform_1, window_bounds = array<i64: 512, 128>}, {transform_indices = @transform_2, window_bounds = array<i64: 512, 128>}, {transform_indices = @transform_3, window_bounds = array<i64: 512, 128>}, {transform_indices = @transform_4, window_bounds = array<i64: 512, 128>}, {pipeline_mode = #tpu.pipeline_mode<synchronous>, transform_indices = @transform_5, window_bounds = array<i64: 128, 128>}, {pipeline_mode = #tpu.pipeline_mode<synchronous>, transform_indices = @transform_6, window_bounds = array<i64: 128, 128>}, {pipeline_mode = #tpu.pipeline_mode<synchronous>, transform_indices = @transform_7, window_bounds = array<i64: 1, 128>}, {transform_indices = @transform_8, window_bounds = array<i64: 512, 128>}]} {
    %get3A = arith.constant 0 : index
    %get3A_0 = arith.constant 0 : index
    %get3A_1 = vector.load %arg3[%get3A, %get3A_0] : memref<512x128xf32, #tpu.memory_space<vmem>>, vector<512x128xf32>
    %slice3A = vector.extract_strided_slice %get3A_1 {offsets = [0, 0], sizes = [512, 1], strides = [1, 1]} : vector<512x128xf32> to vector<512x1xf32>
    %get3A_2 = arith.constant 0 : index
    %get3A_3 = arith.constant 0 : index
    %get3A_4 = vector.load %arg4[%get3A_2, %get3A_3] : memref<512x128xf32, #tpu.memory_space<vmem>>, vector<512x128xf32>
    %slice3A_5 = vector.extract_strided_slice %get3A_4 {offsets = [0, 0], sizes = [512, 1], strides = [1, 1]} : vector<512x128xf32> to vector<512x1xf32>
    %add3A = arith.addf %slice3A, %slice3A_5 : vector<512x1xf32>
    %max3A = arith.constant 1.000000e+00 : f32
    %max3A_6 = vector.broadcast %max3A : f32 to vector<512x1xf32>
    %max3A_7 = arith.maximumf %add3A, %max3A_6 : vector<512x1xf32>
    %get3A_8 = arith.constant 0 : index
    %get3A_9 = arith.constant 0 : index
    %get3A_10 = vector.load %arg1[%get3A_8, %get3A_9] : memref<512x128xf32, #tpu.memory_space<vmem>>, vector<512x128xf32>
    %get3A_11 = arith.constant 0 : index
    %get3A_12 = arith.constant 0 : index
    %get3A_13 = vector.load %arg2[%get3A_11, %get3A_12] : memref<512x128xf32, #tpu.memory_space<vmem>>, vector<512x128xf32>
    %add3A_14 = arith.addf %get3A_10, %get3A_13 : vector<512x128xf32>
    %div3A = vector.broadcast %max3A_7 : vector<512x1xf32> to vector<512x128xf32>
    %div3A_15 = arith.divf %add3A_14, %div3A : vector<512x128xf32>
    %get3A_16 = arith.constant 0 : index
    %get3A_17 = arith.constant 0 : index
    %get3A_18 = vector.load %arg6[%get3A_16, %get3A_17] : memref<128x128xf32, #tpu.memory_space<vmem>>, vector<128x128xf32>
    %dot_general3A = arith.constant dense<0.000000e+00> : vector<512x128xf32>
    %dot_general3A_19 = tpu.matmul %div3A_15, %get3A_18, %dot_general3A {dimension_numbers = #tpu.dot_dimension_numbers<[1], [0], [0], [1], [0, 0, 1, 1], [], []>, transpose_lhs_hint = false} : vector<512x128xf32>, vector<128x128xf32>, vector<512x128xf32> -> vector<512x128xf32>
    %get3A_20 = arith.constant 0 : index
    %get3A_21 = arith.constant 0 : index
    %get3A_22 = vector.load %arg5[%get3A_20, %get3A_21] : memref<512x128xf32, #tpu.memory_space<vmem>>, vector<512x128xf32>
    %get3A_23 = arith.constant 0 : index
    %get3A_24 = arith.constant 0 : index
    %get3A_25 = vector.load %arg7[%get3A_23, %get3A_24] : memref<128x128xf32, #tpu.memory_space<vmem>>, vector<128x128xf32>
    %dot_general3A_26 = arith.constant dense<0.000000e+00> : vector<512x128xf32>
    %dot_general3A_27 = tpu.matmul %get3A_22, %get3A_25, %dot_general3A_26 {dimension_numbers = #tpu.dot_dimension_numbers<[1], [0], [0], [1], [0, 0, 1, 1], [], []>, transpose_lhs_hint = false} : vector<512x128xf32>, vector<128x128xf32>, vector<512x128xf32> -> vector<512x128xf32>
    %add3A_28 = arith.addf %dot_general3A_19, %dot_general3A_27 : vector<512x128xf32>
    %get3A_29 = arith.constant 0 : index
    %get3A_30 = arith.constant 0 : index
    %get3A_31 = vector.load %arg8[%get3A_29, %get3A_30] : memref<1x128xf32, #tpu.memory_space<vmem>>, vector<1x128xf32>
    %add3A_32 = vector.broadcast %get3A_31 : vector<1x128xf32> to vector<512x128xf32>
    %add3A_33 = arith.addf %add3A_28, %add3A_32 : vector<512x128xf32>
    %swap3A = arith.constant 0 : index
    %swap3A_34 = arith.constant 0 : index
    %swap3A_35 = vector.load %arg9[%swap3A, %swap3A_34] : memref<512x128xf32, #tpu.memory_space<vmem>>, vector<512x128xf32>
    tpu.vector_store %arg9[%swap3A, %swap3A_34], %add3A_33 {strides = array<i32>} : memref<512x128xf32, #tpu.memory_space<vmem>>, vector<512x128xf32>,
    return
  }
  func.func @transform_0(%arg0: i32) -> (i32, i32) {
    %c0_i32 = arith.constant 0 : i32
    %c0_i32_0 = arith.constant 0 : i32
    return %arg0, %c0_i32 : i32, i32
  }
  func.func @transform_1(%arg0: i32) -> (i32, i32) {
    %c0_i32 = arith.constant 0 : i32
    %c0_i32_0 = arith.constant 0 : i32
    return %arg0, %c0_i32 : i32, i32
  }
  func.func @transform_2(%arg0: i32) -> (i32, i32) {
    %c0_i32 = arith.constant 0 : i32
    %c0_i32_0 = arith.constant 0 : i32
    return %arg0, %c0_i32 : i32, i32
  }
  func.func @transform_3(%arg0: i32) -> (i32, i32) {
    %c0_i32 = arith.constant 0 : i32
    %c0_i32_0 = arith.constant 0 : i32
    return %arg0, %c0_i32 : i32, i32
  }
  func.func @transform_4(%arg0: i32) -> (i32, i32) {
    %c0_i32 = arith.constant 0 : i32
    %c0_i32_0 = arith.constant 0 : i32
    return %arg0, %c0_i32 : i32, i32
  }
  func.func @transform_5(%arg0: i32) -> (i32, i32) {
    %c0_i32 = arith.constant 0 : i32
    %c0_i32_0 = arith.constant 0 : i32
    %c0_i32_1 = arith.constant 0 : i32
    return %c0_i32, %c0_i32_0 : i32, i32
  }
  func.func @transform_6(%arg0: i32) -> (i32, i32) {
    %c0_i32 = arith.constant 0 : i32
    %c0_i32_0 = arith.constant 0 : i32
    %c0_i32_1 = arith.constant 0 : i32
    return %c0_i32, %c0_i32_0 : i32, i32
  }
  func.func @transform_7(%arg0: i32) -> (i32, i32) {
    %c0_i32 = arith.constant 0 : i32
    %c0_i32_0 = arith.constant 0 : i32
    %c0_i32_1 = arith.constant 0 : i32
    return %c0_i32, %c0_i32_0 : i32, i32
  }
  func.func @transform_8(%arg0: i32) -> (i32, i32) {
    %c0_i32 = arith.constant 0 : i32
    %c0_i32_0 = arith.constant 0 : i32
    return %arg0, %c0_i32 : i32, i32
  }
}

</mosaic_0001>

<sc_bundles>
// kernel: kernel.12.cloned.1.call-start
scs
__scs_entry_jumppad:
0x0: {  	(pc) =	sbr.rel $0x88, $3  }
0x1: {  	(tag) =	ssettag $0x0;
	lr =	simm.s32 $0x1  }
0x2: {  	[smem:$0x3F96] =	sst lr;
	_ =	strace $0xD0000000  }
0x3: {  	_ = 	snop  }
0x4: {  	_ = 	snop  }
0x5: {  	_ = 	snop  }
0x6: {  	_ = 	snop  }
0x7: {  	_ = 	snop  }
__scs_overlays_trampoline_lowered:
0x8: {  	[smem:$0x3FA5] =	sst s0  }
0x9: {  	[smem:$0x3FA6] =	sst s1  }
0xa: {  	[smem:$0x3FA7] =	sst s2  }
0xb: {  	[smem:$0x3FA8] =	sst s3  }
0xc: {  	[smem:$0x3FA9] =	sst s4  }
0xd: {  	[smem:$0x3FAA] =	sst s5  }
0xe: {  	[smem:$0x3FAB] =	sst s6  }
0xf: {  	[smem:$0x3FAC] =	sst s7  }
0x10: {  	[smem:$0x3FAD] =	sst s8  }
0x11: {  	[smem:$0x3FAE] =	sst s9;
	s0 =	simm.s32 @!p0 $0x0  }
0x12: {  	s1 =	sld [smem:$0x3F94];
	s0 =	simm.s32 @p0 $0x1  }
0x13: {  	[smem:$0x3FAF] =	sst s0;
	s0 =	simm.s32 @!p1 $0x0  }
0x14: {  	s2 =	sld [smem:$0x3F93];
	s0 =	simm.s32 @p1 $0x1  }
0x15: {  	[smem:$0x3FB0] =	sst s0;
	s0 =	simm.s32 @!p2 $0x0  }
0x16: {  	s3 =	sld [smem:$0x3FDB];
	s0 =	simm.s32 @p2 $0x1  }
0x17: {  	s4 =	simm.s32 $0x1BF5;
	[smem:$0x3FB2] =	sst s0  }
0x18: {  	s0 =	sld [smem:$0x3F95];
	_ =	swait.ge [sflag:s4], $0x0  }
0x19: {  	s7 =	sld [smem:$0x3F96]  }
0x1a: {  	s8 =	sadd.s32 $0xFFFFE003, lr  }
0x1b: {  	s9 =	sadd.s32 $0xFFFFFEF7, lr;
	s5 =	simm.s32 $0xFFFFFFFF;
	p2 =	slt.u32 s8, $0xFFFFF086  }
0x1c: {  	p1 =	slt.u32 s9, $0xF7A;
	s5 =	simm.s32 @!p2 $0x0  }
0x1d: {  	s5 =	simm.s32 @p1 $0x1;
	p0 =	seq.s32 s7, s2  }
0x1e: {  	s7 =	smul.u32 @!p0 $0xF7A, s2;
	p2 =	seq.s32 @!p0 s5, $0x0  }
0x1f: {  	s9 =	smul.u32 $0xF7A, s1;
	s8 =	simm.s32 @!p0 $0x1BF5;
	p2 =	por !p2, p0  }
0x20: {  	[sflag:s8] =	ssyncset.s32 @!p0 $0xFFFFF086;
	s6 =	sadd.s32 @!p0 s3, s7;
	s7 =	simm.s32 @!p0 $0x108  }
0x21: {  	s3 =	sadd.s32 s3, s9;
	s6 =	sadd.s32 @!p0 $0x88, s6;
	s7 =	simm.s32 @p2 $0x1082  }
0x22: {  	[simem:s7], [sflag:s8] =	dma.local @!p0 [hbm:s6], $0xF7A  }
0x23: {  	s9 =	sor.u32 $0xD0000000, s2;
	s6 =	simm.s32 $0x108;
	_ =	swait.ge @!p0 [sflag:s8], $0x0  }
0x24: {  	s3 =	sadd.s32 $0x88, s3;
	s6 =	simm.s32 @!p1 $0x1082;
	[sflag:s4] =	ssyncset.s32 $0xFFFFF086  }
0x25: {  	[simem:s6], [sflag:s4] =	dma.local [hbm:s3], $0xF7A  }
0x26: {  	[smem:$0x3F96] =	sst s1;
	(tag) =	ssettag s2;
	_ =	strace s9  }
0x27: {  	s1 =	sld [smem:$0x3FA6]  }
0x28: {  	s2 =	sld [smem:$0x3FA7]  }
0x29: {  	s4 =	sld [smem:$0x3FA9]  }
0x2a: {  	p0 =	seq.s32 s5, $0x0;
	s5 =	sld [smem:$0x3FAA]  }
0x2b: {  	s6 =	sld [smem:$0x3FAB]  }
0x2c: {  	s7 =	sld [smem:$0x3FAC]  }
0x2d: {  	s3 =	simm.s32 $0x108;
	s8 =	sld [smem:$0x3FAD]  }
0x2e: {  	s3 =	simm.s32 @!p0 $0x1082;
	s9 =	sld [smem:$0x3FAE]  }
0x2f: {  	lr =	sadd.s32 s0, s3;
	s0 =	sld [smem:$0x3FA5]  }
0x30: {  	s3 =	sld [smem:$0x3FA8]  }
0x31: {  	[smem:$0x3FB1] =	sst s10  }
0x32: {  	s10 =	sld [smem:$0x3FAF];
	_ =	sdelay $0x3  }
0x33: {  	p0 =	seq.s32 s10, $0x1;
	s10 =	sld [smem:$0x3FB1];
	_ =	sdelay $0x3  }
0x34: {  	[smem:$0x3FB1] =	sst s10  }
0x35: {  	s10 =	sld [smem:$0x3FB0];
	_ =	sdelay $0x3  }
0x36: {  	p1 =	seq.s32 s10, $0x1;
	s10 =	sld [smem:$0x3FB1];
	_ =	sdelay $0x3  }
0x37: {  	[smem:$0x3FB1] =	sst s10  }
0x38: {  	s10 =	sld [smem:$0x3FB2]  }
0x39: {  	_ = 	snop;
	(pc) =	sbr.ind lr, $3  }
0x3a: {  	_ = 	snop  }
0x3b: {  	_ = 	snop  }
0x3c: {  	p2 =	seq.s32 s10, $0x1;
	s10 =	sld [smem:$0x3FB1]  }
0x3d: {  	_ =	shalt  }
0x3e: {  	_ =	shalt  }
0x3f: {  	_ =	shalt  }
0x40: {  	_ =	shalt  }
0x41: {  	_ =	shalt  }
0x42: {  	_ =	shalt  }
0x43: {  	_ =	shalt  }
0x44: {  	_ =	shalt  }
0x45: {  	_ =	shalt  }
0x46: {  	_ =	shalt  }
0x47: {  	_ =	shalt  }
0x48: {  	_ =	shalt  }
0x49: {  	_ =	shalt  }
0x4a: {  	_ =	shalt  }
0x4b: {  	_ =	shalt  }
0x4c: {  	_ =	shalt  }
0x4d: {  	_ =	shalt  }
0x4e: {  	_ =	shalt  }
0x4f: {  	_ =	shalt  }
0x50: {  	_ =	shalt  }
0x51: {  	_ =	shalt  }
0x52: {  	_ =	shalt  }
0x53: {  	_ =	shalt  }
0x54: {  	_ =	shalt  }
0x55: {  	_ =	shalt  }
0x56: {  	_ =	shalt  }
0x57: {  	_ =	shalt  }
0x58: {  	_ =	shalt  }
0x59: {  	_ =	shalt  }
0x5a: {  	_ =	shalt  }
0x5b: {  	_ =	shalt  }
0x5c: {  	_ =	shalt  }
0x5d: {  	_ =	shalt  }
0x5e: {  	_ =	shalt  }
0x5f: {  	_ =	shalt  }
0x60: {  	_ =	shalt  }
0x61: {  	_ =	shalt  }
0x62: {  	_ =	shalt  }
0x63: {  	_ =	shalt  }
0x64: {  	_ =	shalt  }
0x65: {  	_ =	shalt  }
0x66: {  	_ =	shalt  }
0x67: {  	_ =	shalt  }
0x68: {  	_ =	shalt  }
0x69: {  	_ =	shalt  }
0x6a: {  	_ =	shalt  }
0x6b: {  	_ =	shalt  }
0x6c: {  	_ =	shalt  }
0x6d: {  	_ =	shalt  }
0x6e: {  	_ =	shalt  }
0x6f: {  	_ =	shalt  }
0x70: {  	_ =	shalt  }
0x71: {  	_ =	shalt  }
0x72: {  	_ =	shalt  }
0x73: {  	_ =	shalt  }
0x74: {  	_ =	shalt  }
0x75: {  	_ =	shalt  }
0x76: {  	_ =	shalt  }
0x77: {  	_ =	shalt  }
0x78: {  	_ =	shalt  }
0x79: {  	_ =	shalt  }
0x7a: {  	_ =	shalt  }
0x7b: {  	_ =	shalt  }
0x7c: {  	_ =	shalt  }
0x7d: {  	_ =	shalt  }
0x7e: {  	_ =	shalt  }
0x7f: {  	_ =	shalt  }
0x80: {  	_ =	shalt  }
0x81: {  	_ =	shalt  }
0x82: {  	_ =	shalt  }
0x83: {  	_ =	shalt  }
0x84: {  	_ =	shalt  }
0x85: {  	_ =	shalt  }
0x86: {  	_ =	shalt  }
0x87: {  	_ =	shalt  }
.Lfunc_end0:
.L_simem_size_0:
called_computation.1_lowered:
.L_overlay_start_0:
0x88: {  	s2 =	sld [smem:$0x3FD9]  }
0x89: {  	s3 =	sld [smem:$0x3FFE];
	_ =	sdelay $0x1  }
0x8a: {  	s1 =	srdreg.scid  }
0x8b: {  	s0 =	sand.u32 $0x1, s1  }
0x8c: {  	s17 =	sshll.u32 s0, $0xA;
	s2 =	sadd.s32 s3, s2  }
0x8d: {  	s2 =	sadd.s32 s2, s17  }
0x8e: {  	[smem:$0x3FBD] =	sst s2  }
0x8f: {  	_ = 	snop  }
0x90: {  	s2 =	sld [smem:$0x3FD0];
	(tm) =	ssettm $0x1  }
0x91: {  	s18 =	sld [smem:$0x3FFB];
	_ =	sdelay $0x3  }
0x92: {  	_ =	strace s18  }
0x93: {  	s3 =	sld [smem:$0x3FFC];
	_ =	sdelay $0x3  }
0x94: {  	_ =	strace s3  }
0x95: {  	s3 =	sld [smem:$0x3FFD];
	_ =	sdelay $0x3  }
0x96: {  	_ =	strace s3  }
0x97: {  	_ =	strace $0x8FFFFFFF  }
0x98: {  	s19 =	sld [smem:$0x3FDB];
	_ =	sdelay $0x1  }
0x99: {  	s4 =	simm.s32 $_scs_section_size  }
0x9a: {  	s5 =	simm.s32 $_size__tile_overlayer_lowered;
	s6 =	simm.s32 $_tile_overlayer_lowered  }
0x9b: {  	s22 =	simm.s32 $0x1BFF;
	s21 =	sshll.u32 s6, $0x1;
	s3 =	sadd.s32 s4, s19  }
0x9c: {  	s7 =	simm.s32 $0x0;
	s20 =	sshll.u32 s5, $0x1;
	s5 =	sadd.s32 s21, s3  }
0x9d: {  	[timem:s7], [sflag:s22] =	dma.local [hbm:s5], s20  }
0x9e: {  	_ =	swait.ge [sflag:s22], s20  }
0x9f: {  	s4 =	ssub.s32 $0x0, s20;
	[sflag:s22] =	ssyncset.done $0x0  }
0xa0: {  	[sflag:s22] =	ssyncadd.s32 s4;
	_ =	sdelay $0x1  }
0xa1: {  	s23 =	simm.s32 $0x1B8B  }
0xa2: {  	_ =	swait.ge [sflag:s23], $0x1  }
0xa3: {  	[sflag:s23] =	ssyncset.done $0x0  }
0xa4: {  	s25 =	simm.s32 $0x1B8E;
	s24 =	sld [smem:$0x3FFE];
	[sflag:s23] =	ssyncadd.s32 $0xFFFFFFFF  }
0xa5: {  	s26 =	simm.s32 $execute0_lowered;
	[smem:$0x3FD2] =	sst s25  }
0xa6: {  	s5 =	sshll.u32 s26, $0x1;
	_ =	strace $0x80000046;
	[dreg:$0x1] =	wrdreg $0xFFFFFFFF  }
0xa7: {  	s28 =	simm.s32 $_size_execute0_lowered;
	s3 =	sadd.s32 s3, s5;
	[dreg:$0x0] =	wrdreg $0x0  }
0xa8: {  	s5 =	sshll.u32 s28, $0x1;
	[dreg:$0x2] =	wrdreg s3  }
0xa9: {  	[dreg:$0x3] =	wrdreg s5  }
0xaa: {  	[dreg:$0x4] =	wrdreg $0xC0  }
0xab: {  	_ =	task [dreg:s7], $0x5FFFF  }
0xac: {  	[dreg:$0x1] =	wrdreg $0xFFFFFFFF  }
0xad: {  	[dreg:$0x0] =	wrdreg $0x60  }
0xae: {  	[dreg:$0x2] =	wrdreg s24  }
0xaf: {  	[dreg:$0x3] =	wrdreg s2  }
0xb0: {  	[dreg:$0x4] =	wrdreg $0x90000  }
0xb1: {  	[dreg:$0x5] =	wrdreg $0xA  }
0xb2: {  	_ =	task.clear_ibuf [dreg:s7], $0x6FFFF;
	_ =	strace $0x90000046  }
0xb3: {  	s29 =	simm.s32 $0xA;
	_ =	strace $0x80000048  }
0xb4: {  	_ =	swait.ge [sflag:s29], $0x1  }
0xb5: {  	[sflag:s29] =	ssyncadd.s32 $0xFFFFFFFF  }
0xb6: {  	_ =	strace $0x90000048  }
0xb7: {  	_ =	sfence  }
0xb8: {  	s30 =	sld [smem:$0x0];
	_ =	sdelay $0x2  }
0xb9: {  	s31 =	sshll.u32 s1, $0xD;
	s1 =	sshrl.u32 s1, $0x2  }
0xba: {  	s3 =	sand.u32 $0x4000, s31;
	s1 =	sadd.s32 s1, s30  }
0xbb: {  	s0 =	sor.u32 s3, s0;
	s1 =	sshll.u32 s1, $0x11  }
0xbc: {  	s0 =	sor.u32 s1, s0  }
0xbd: {  	s0 =	sadd.s32 $0x8F2B, s0  }
0xbe: {  	[sflag:s0] =	ssyncadd.remote.s32 $0x1  }
0xbf: {  	_ =	sfence.sel $0xFFFF  }
0xc0: {  	[dreg:$0x0] =	wrdreg $0xFFFFFFFF;
	(pc) =	sbr.abs _section_cstart, $3  }
0xc1: {  	[dreg:$0x1] =	wrdreg $0xFFFFFFFF  }
0xc2: {  	_ =	task.clear_ibuf [dreg:s7], $0x2FFFF;
	_ =	strace $0x9FFFFFFF  }
0xc3: {  	(tm) =	ssettm $0x7FFFFFFF  }
tec
execute0_lowered:
.L_overlay_start_1:
0x0: {  	(tag) =	ssettag $0x1  }
0x1: {  	s5 =	rddreg [dreg:$0x0]  }
0x2: {  	s1 =	srdreg.scid;
	s11 =	rddreg [dreg:$0x1]  }
0x3: {  	s0 =	stileid.u32;
	s2 =	rddreg [dreg:$0x2]  }
0x4: {  	s3 =	simm.s32 $0x0;
	s15 =	simm.s32 $0x1;
	s16 =	simm.s32 $0x2800  }
0x5: {  	s17 =	simm.s32 $0x80;
	s6 =	sand.u32 $0x1, s1;
	s30 =	sshll.u32 s0, $0x1  }
0x6: {  	[smem:$0x7FF] =	sst s3;
	s8 =	smul.u32 $0x14000, s0;
	s4 =	sadd.s32 $0xCC00, s5  }
0x7: {  	s9 =	smul.u32 $0x50000, s0;
	s18 =	sshll.u32 s0, $0x6;
	s1 =	sor.u32 s6, s30  }
0x8: {  	s7 =	smul.u32 $0x140000, s6;
	s6 =	ssub.s32 $0x2, s6;
	s18 =	sor.u32 $0x1C01, s18  }
0x9: {  	s12 =	smul.u32 $0x500, s1;
	s1 =	rddreg [dreg:$0x3];
	_ =	strace $0x80000047  }
0xa: {  	s31 =	sshrl.u32 s6, $0x1;
	s9 =	sshrl.u32 s9, $0x2;
	s7 =	sadd.s32 s8, s7  }
0xb: {  	s14 =	ssub.s32 s6, s31;
	s10 =	sadd.s32 s12, s5;
	s7 =	sshrl.u32 s7, $0x3  }
0xc: {  	s11 =	sadd.s32 s11, s12;
	s13 =	sadd.s32 s7, s5;
	s5 =	sadd.s32 s9, s2  }
0xd: {  	s10 =	sadd.s32 $0x2C00, s10;
	s6 =	sadd.s32 $0x4000, s5;
	s7 =	sadd.s32 $0x8000, s5  }
0xe: {  	s8 =	sadd.s32 $0xC000, s5;
	s9 =	sadd.s32 $0x10000, s5;
	s12 =	sadd.s32 $0x34C00, s13  }
0xf: {  	v0 =	vimm.f32 $0.0e+00;
	s13 =	smax.u32 s14, $0x1;
	s14 =	simm.s32 $0x5000;
	s19 =	sshrl.u32 s5, $0x3  }
.LBB2_1:
0x10: {  	s20 =	simm.s32 $0x0;
	s21 =	simm.s32 $0x200  }
.LBB2_2:
0x11: {  	p0 =	sne.s32 s21, $0xFE00;
	[tilespmem:s20+$0x5070] =	vst v0  }
0x12: {  	[tilespmem:s20+$0x5000] =	vst v0  }
0x13: {  	[tilespmem:s20+$0x5010] =	vst v0  }
.Ltmp0:
0x14: {  	[tilespmem:s20+$0x5020] =	vst v0;
	(pc) =	sbr.rel @p0 .LBB2_2-.Ltmp0, $4  }
0x15: {  	[tilespmem:s20+$0x5030] =	vst v0  }
0x16: {  	[tilespmem:s20+$0x5040] =	vst v0  }
0x17: {  	[tilespmem:s20+$0x5050] =	vst v0  }
0x18: {  	[tilespmem:s20+$0x5060] =	vst v0;
	s20 =	sshra.s32 s21, $0x2;
	s21 =	sadd.s32 $0x200, s21  }
0x19: {  	[tilespmem:s20+$0x5070] =	vst v0  }
0x1a: {  	[tilespmem:s20+$0x5000] =	vst v0  }
0x1b: {  	[tilespmem:s20+$0x5010] =	vst v0  }
0x1c: {  	[tilespmem:s20+$0x5020] =	vst v0  }
0x1d: {  	[tilespmem:s20+$0x5030] =	vst v0  }
0x1e: {  	[tilespmem:s20+$0x5040] =	vst v0  }
0x1f: {  	[tilespmem:s20+$0x5050] =	vst v0  }
0x20: {  	[tilespmem:s20+$0x5060] =	vst v0  }
0x21: {  	[spmem:s5] =	stream.linear.scatter [tilespmem:s14], [sflag:$0x1], $0x4000, $0x38;
	[tilespmem:$0x1D000] =	vst v63  }
0x22: {  	_ =	swait.ge [sflag:s15], $0x4000  }
0x23: {  	[sflag:s15] =	ssyncset.done $0x0  }
0x24: {  	[sflag:s15] =	ssyncadd.s32 $0xFFFFC000  }
0x25: {  	[spmem:s6] =	stream.linear.scatter [tilespmem:s14], [sflag:$0x1], $0x4000, $0x38;
	[tilespmem:$0x1D000] =	vst v63  }
0x26: {  	_ =	swait.ge [sflag:s15], $0x4000  }
0x27: {  	[sflag:s15] =	ssyncset.done $0x0  }
0x28: {  	[sflag:s15] =	ssyncadd.s32 $0xFFFFC000  }
0x29: {  	[spmem:s7] =	stream.linear.scatter [tilespmem:s14], [sflag:$0x1], $0x4000, $0x38;
	[tilespmem:$0x1D000] =	vst v63  }
0x2a: {  	_ =	swait.ge [sflag:s15], $0x4000  }
0x2b: {  	[sflag:s15] =	ssyncset.done $0x0  }
0x2c: {  	[sflag:s15] =	ssyncadd.s32 $0xFFFFC000  }
0x2d: {  	[spmem:s8] =	stream.linear.scatter [tilespmem:s14], [sflag:$0x1], $0x4000, $0x38;
	[tilespmem:$0x1D000] =	vst v63  }
0x2e: {  	_ =	swait.ge [sflag:s15], $0x4000  }
0x2f: {  	[sflag:s15] =	ssyncset.done $0x0  }
0x30: {  	[sflag:s15] =	ssyncadd.s32 $0xFFFFC000  }
0x31: {  	[spmem:s9] =	stream.linear.scatter [tilespmem:s14], [sflag:$0x1], $0x4000, $0x38;
	[tilespmem:$0x1D000] =	vst v63  }
0x32: {  	_ =	swait.ge [sflag:s15], $0x4000  }
0x33: {  	[sflag:s15] =	ssyncset.done $0x0  }
0x34: {  	s29 =	simm.s32 $0x0;
	[sflag:s15] =	ssyncadd.s32 $0xFFFFC000  }
0x35: {  	[tilespmem:s29], [sflag:$0x1] =	stream.linear.gather [hbm4b:s10+s29], $0x2780, $0x38;
	[tilespmem:$0x1D000] =	vst v63  }
0x36: {  	_ =	swait.ge [sflag:s15], $0x2780  }
0x37: {  	[sflag:s15] =	ssyncset.done $0x0  }
0x38: {  	[sflag:s15] =	ssyncadd.s32 $0xFFFFD880  }
0x39: {  	[tilespmem:s16], [sflag:$0x1] =	stream.linear.gather [hbm4b:s11+s29], $0x2780, $0x38;
	[tilespmem:$0x1D000] =	vst v63  }
0x3a: {  	_ =	swait.ge [sflag:s15], $0x2780  }
0x3b: {  	[sflag:s15] =	ssyncset.done $0x0  }
0x3c: {  	[sflag:s15] =	ssyncadd.s32 $0xFFFFD880  }
0x3d: {  	s30 =	simm.s32 $0x0;
	[bflag:$0x0] =	sbarrier.arrive $0xFFFF  }
0x3e: {  	[tilespmem:s14], [sflag:$0x1] =	stream.indirect.gather [hbm4b:s4+s17], $0x80, s30, s17, $0xb8;
	[tilespmem:$0x1D000] =	vst v63  }
0x3f: {  	_ =	swait.ge [sflag:s15], $0x4000  }
0x40: {  	[sflag:s15] =	ssyncset.done $0x0  }
0x41: {  	s31 =	simm.s32 $0x2800;
	[sflag:s15] =	ssyncadd.s32 $0xFFFFC000  }
0x42: {  	[spmem:s2] =	stream.indirect.scatter.add.f32 [tilespmem:s14], [sflag:$0x1], $0x80, s31, s17, $0xb8;
	[tilespmem:$0x1D000] =	vst v63  }
0x43: {  	_ =	swait.ge [sflag:s15], $0x4000  }
0x44: {  	s20 =	simm.s32 $0x200;
	s21 =	simm.s32 $0x400;
	[sflag:s15] =	ssyncset.done $0x0  }
.LBB2_4:
0x45: {  	s22 =	sshra.s32 s20, $0x2  }
0x46: {  	[sflag:s15] =	ssyncadd.s32 $0xFFFFC000;
	s20 =	smov.u32 s21;
	s23 =	sadd.s32 $0x200, s21  }
0x47: {  	[tilespmem:s14], [sflag:$0x1] =	stream.indirect.gather [hbm4b:s4+s17], $0x80, s22, s17, $0xb8;
	[tilespmem:$0x1D000] =	vst v63  }
0x48: {  	p0 =	sne.s32 s21, $0x9C00;
	_ =	swait.ge [sflag:s15], $0x4000  }
.Ltmp1:
0x49: {  	[sflag:s15] =	ssyncset.done $0x0;
	(pc) =	sbr.rel @p0 .LBB2_4-.Ltmp1, $4  }
0x4a: {  	s21 =	sadd.s32 $0x2800, s22;
	[sflag:s15] =	ssyncadd.s32 $0xFFFFC000  }
0x4b: {  	[spmem:s2] =	stream.indirect.scatter.add.f32 [tilespmem:s14], [sflag:$0x1], $0x80, s21, s17, $0xb8;
	[tilespmem:$0x1D000] =	vst v63  }
0x4c: {  	_ =	swait.ge [sflag:s15], $0x4000  }
0x4d: {  	s21 =	smov.u32 s23;
	[sflag:s15] =	ssyncset.done $0x0  }
0x4e: {  	s20 =	sshra.s32 s20, $0x2;
	[sflag:s15] =	ssyncadd.s32 $0xFFFFC000  }
0x4f: {  	[tilespmem:s14], [sflag:$0x1] =	stream.indirect.gather [hbm4b:s4+s17], $0x80, s20, s17, $0xb8;
	[tilespmem:$0x1D000] =	vst v63  }
0x50: {  	_ =	swait.ge [sflag:s15], $0x4000  }
0x51: {  	[sflag:s15] =	ssyncset.done $0x0  }
0x52: {  	s20 =	sadd.s32 $0x2800, s20;
	[sflag:s15] =	ssyncadd.s32 $0xFFFFC000  }
0x53: {  	[spmem:s2] =	stream.indirect.scatter.add.f32 [tilespmem:s14], [sflag:$0x1], $0x80, s20, s17, $0xb8;
	[tilespmem:$0x1D000] =	vst v63  }
0x54: {  	_ =	swait.ge [sflag:s15], $0x4000  }
0x55: {  	s3 =	sadd.s32 $0x1, s3;
	[sflag:s15] =	ssyncset.done $0x0  }
0x56: {  	p0 =	sne.s32 s3, s13;
	[sflag:s15] =	ssyncadd.s32 $0xFFFFC000  }
.Ltmp2:
0x57: {  	[bflag:$0x0] =	sbarrier.arrive $0xFFFF;
	(pc) =	sbr.rel @p0 .LBB2_1-.Ltmp2, $4  }
0x58: {  	[hbm:s12], [sflag:s18] =	dma.local [spmem:s19], $0x2800  }
0x59: {  	_ =	swait.ge [sflag:s15], $0x2800  }
0x5a: {  	[sflag:s15] =	ssyncset.done $0x0  }
0x5b: {  	[sflag:s15] =	ssyncadd.s32 $0xFFFFD800  }
0x5c: {  	_ =	sfence.sel $0x180000  }
0x5d: {  	[bflag:$0x0] =	sbarrier.arrive $0xFFFF  }
0x5e: {  	p0 =	sne.s32 s0, $0x0;
	_ =	strace $0x90000047  }
0x5f: {  	s0 =	sadd.s32 @!p0 $0x100000, s1;
	[bflag:$0x2] =	sbarrier.arrive $0xFFFF  }
0x60: {  	[sflag:s0] =	ssyncadd.tile.s32 @!p0 $0x1;
	_ =	shalt  }
.Lfunc_end2:
_tile_overlayer_lowered:
.L_overlay_start_2:
0x61: {  	(tag) =	ssettag $0x2  }
0x62: {  	s0 =	rddreg [dreg:$0x0];
	s2 =	stileid.u32  }
0x63: {  	s1 =	rddreg [dreg:$0x1];
	p0 =	sne.s32 s2, $0x0  }
0x64: {  	s3 =	rddreg [dreg:$0x2];
	[bflag:$0x3] =	sbarrier.arrive $0xFFFF;
	s2 =	simm.s32 @!p0 $0x1C01  }
0x65: {  	[timem:s3], [sflag:s2] =	dma.local @!p0 [hbm:s0], s1  }
0x66: {  	s0 =	simm.s32 @!p0 $0x1  }
0x67: {  	_ =	swait.ge @!p0 [sflag:s0], s1  }
0x68: {  	s1 =	ssub.s32 @!p0 $0x0, s1;
	[sflag:s0] =	ssyncset.done @!p0 $0x0  }
0x69: {  	[sflag:s0] =	ssyncadd.s32 @!p0 s1  }
0x6a: {  	[bflag:$0x3] =	sbarrier.arrive $0xFFFF  }
0x6b: {  	_ =	shalt  }

// kernel: kernel.15.cloned.1.call-start
scs
__scs_entry_jumppad:
0x0: {  	(pc) =	sbr.rel $0x88, $3  }
0x1: {  	(tag) =	ssettag $0x0;
	lr =	simm.s32 $0x1  }
0x2: {  	[smem:$0x3F96] =	sst lr;
	_ =	strace $0xD0000000  }
0x3: {  	_ = 	snop  }
0x4: {  	_ = 	snop  }
0x5: {  	_ = 	snop  }
0x6: {  	_ = 	snop  }
0x7: {  	_ = 	snop  }
__scs_overlays_trampoline_lowered:
0x8: {  	[smem:$0x3FA5] =	sst s0  }
0x9: {  	[smem:$0x3FA6] =	sst s1  }
0xa: {  	[smem:$0x3FA7] =	sst s2  }
0xb: {  	[smem:$0x3FA8] =	sst s3  }
0xc: {  	[smem:$0x3FA9] =	sst s4  }
0xd: {  	[smem:$0x3FAA] =	sst s5  }
0xe: {  	[smem:$0x3FAB] =	sst s6  }
0xf: {  	[smem:$0x3FAC] =	sst s7  }
0x10: {  	[smem:$0x3FAD] =	sst s8  }
0x11: {  	[smem:$0x3FAE] =	sst s9;
	s0 =	simm.s32 @!p0 $0x0  }
0x12: {  	s1 =	sld [smem:$0x3F94];
	s0 =	simm.s32 @p0 $0x1  }
0x13: {  	[smem:$0x3FAF] =	sst s0;
	s0 =	simm.s32 @!p1 $0x0  }
0x14: {  	s2 =	sld [smem:$0x3F93];
	s0 =	simm.s32 @p1 $0x1  }
0x15: {  	[smem:$0x3FB0] =	sst s0;
	s0 =	simm.s32 @!p2 $0x0  }
0x16: {  	s3 =	sld [smem:$0x3FDB];
	s0 =	simm.s32 @p2 $0x1  }
0x17: {  	s4 =	simm.s32 $0x1BF5;
	[smem:$0x3FB2] =	sst s0  }
0x18: {  	s0 =	sld [smem:$0x3F95];
	_ =	swait.ge [sflag:s4], $0x0  }
0x19: {  	s7 =	sld [smem:$0x3F96]  }
0x1a: {  	s8 =	sadd.s32 $0xFFFFE003, lr  }
0x1b: {  	s9 =	sadd.s32 $0xFFFFFEF7, lr;
	s5 =	simm.s32 $0xFFFFFFFF;
	p2 =	slt.u32 s8, $0xFFFFF086  }
0x1c: {  	p1 =	slt.u32 s9, $0xF7A;
	s5 =	simm.s32 @!p2 $0x0  }
0x1d: {  	s5 =	simm.s32 @p1 $0x1;
	p0 =	seq.s32 s7, s2  }
0x1e: {  	s7 =	smul.u32 @!p0 $0xF7A, s2;
	p2 =	seq.s32 @!p0 s5, $0x0  }
0x1f: {  	s9 =	smul.u32 $0xF7A, s1;
	s8 =	simm.s32 @!p0 $0x1BF5;
	p2 =	por !p2, p0  }
0x20: {  	[sflag:s8] =	ssyncset.s32 @!p0 $0xFFFFF086;
	s6 =	sadd.s32 @!p0 s3, s7;
	s7 =	simm.s32 @!p0 $0x108  }
0x21: {  	s3 =	sadd.s32 s3, s9;
	s6 =	sadd.s32 @!p0 $0x88, s6;
	s7 =	simm.s32 @p2 $0x1082  }
0x22: {  	[simem:s7], [sflag:s8] =	dma.local @!p0 [hbm:s6], $0xF7A  }
0x23: {  	s9 =	sor.u32 $0xD0000000, s2;
	s6 =	simm.s32 $0x108;
	_ =	swait.ge @!p0 [sflag:s8], $0x0  }
0x24: {  	s3 =	sadd.s32 $0x88, s3;
	s6 =	simm.s32 @!p1 $0x1082;
	[sflag:s4] =	ssyncset.s32 $0xFFFFF086  }
0x25: {  	[simem:s6], [sflag:s4] =	dma.local [hbm:s3], $0xF7A  }
0x26: {  	[smem:$0x3F96] =	sst s1;
	(tag) =	ssettag s2;
	_ =	strace s9  }
0x27: {  	s1 =	sld [smem:$0x3FA6]  }
0x28: {  	s2 =	sld [smem:$0x3FA7]  }
0x29: {  	s4 =	sld [smem:$0x3FA9]  }
0x2a: {  	p0 =	seq.s32 s5, $0x0;
	s5 =	sld [smem:$0x3FAA]  }
0x2b: {  	s6 =	sld [smem:$0x3FAB]  }
0x2c: {  	s7 =	sld [smem:$0x3FAC]  }
0x2d: {  	s3 =	simm.s32 $0x108;
	s8 =	sld [smem:$0x3FAD]  }
0x2e: {  	s3 =	simm.s32 @!p0 $0x1082;
	s9 =	sld [smem:$0x3FAE]  }
0x2f: {  	lr =	sadd.s32 s0, s3;
	s0 =	sld [smem:$0x3FA5]  }
0x30: {  	s3 =	sld [smem:$0x3FA8]  }
0x31: {  	[smem:$0x3FB1] =	sst s10  }
0x32: {  	s10 =	sld [smem:$0x3FAF];
	_ =	sdelay $0x3  }
0x33: {  	p0 =	seq.s32 s10, $0x1;
	s10 =	sld [smem:$0x3FB1];
	_ =	sdelay $0x3  }
0x34: {  	[smem:$0x3FB1] =	sst s10  }
0x35: {  	s10 =	sld [smem:$0x3FB0];
	_ =	sdelay $0x3  }
0x36: {  	p1 =	seq.s32 s10, $0x1;
	s10 =	sld [smem:$0x3FB1];
	_ =	sdelay $0x3  }
0x37: {  	[smem:$0x3FB1] =	sst s10  }
0x38: {  	s10 =	sld [smem:$0x3FB2]  }
0x39: {  	_ = 	snop;
	(pc) =	sbr.ind lr, $3  }
0x3a: {  	_ = 	snop  }
0x3b: {  	_ = 	snop  }
0x3c: {  	p2 =	seq.s32 s10, $0x1;
	s10 =	sld [smem:$0x3FB1]  }
0x3d: {  	_ =	shalt  }
0x3e: {  	_ =	shalt  }
0x3f: {  	_ =	shalt  }
0x40: {  	_ =	shalt  }
0x41: {  	_ =	shalt  }
0x42: {  	_ =	shalt  }
0x43: {  	_ =	shalt  }
0x44: {  	_ =	shalt  }
0x45: {  	_ =	shalt  }
0x46: {  	_ =	shalt  }
0x47: {  	_ =	shalt  }
0x48: {  	_ =	shalt  }
0x49: {  	_ =	shalt  }
0x4a: {  	_ =	shalt  }
0x4b: {  	_ =	shalt  }
0x4c: {  	_ =	shalt  }
0x4d: {  	_ =	shalt  }
0x4e: {  	_ =	shalt  }
0x4f: {  	_ =	shalt  }
0x50: {  	_ =	shalt  }
0x51: {  	_ =	shalt  }
0x52: {  	_ =	shalt  }
0x53: {  	_ =	shalt  }
0x54: {  	_ =	shalt  }
0x55: {  	_ =	shalt  }
0x56: {  	_ =	shalt  }
0x57: {  	_ =	shalt  }
0x58: {  	_ =	shalt  }
0x59: {  	_ =	shalt  }
0x5a: {  	_ =	shalt  }
0x5b: {  	_ =	shalt  }
0x5c: {  	_ =	shalt  }
0x5d: {  	_ =	shalt  }
0x5e: {  	_ =	shalt  }
0x5f: {  	_ =	shalt  }
0x60: {  	_ =	shalt  }
0x61: {  	_ =	shalt  }
0x62: {  	_ =	shalt  }
0x63: {  	_ =	shalt  }
0x64: {  	_ =	shalt  }
0x65: {  	_ =	shalt  }
0x66: {  	_ =	shalt  }
0x67: {  	_ =	shalt  }
0x68: {  	_ =	shalt  }
0x69: {  	_ =	shalt  }
0x6a: {  	_ =	shalt  }
0x6b: {  	_ =	shalt  }
0x6c: {  	_ =	shalt  }
0x6d: {  	_ =	shalt  }
0x6e: {  	_ =	shalt  }
0x6f: {  	_ =	shalt  }
0x70: {  	_ =	shalt  }
0x71: {  	_ =	shalt  }
0x72: {  	_ =	shalt  }
0x73: {  	_ =	shalt  }
0x74: {  	_ =	shalt  }
0x75: {  	_ =	shalt  }
0x76: {  	_ =	shalt  }
0x77: {  	_ =	shalt  }
0x78: {  	_ =	shalt  }
0x79: {  	_ =	shalt  }
0x7a: {  	_ =	shalt  }
0x7b: {  	_ =	shalt  }
0x7c: {  	_ =	shalt  }
0x7d: {  	_ =	shalt  }
0x7e: {  	_ =	shalt  }
0x7f: {  	_ =	shalt  }
0x80: {  	_ =	shalt  }
0x81: {  	_ =	shalt  }
0x82: {  	_ =	shalt  }
0x83: {  	_ =	shalt  }
0x84: {  	_ =	shalt  }
0x85: {  	_ =	shalt  }
0x86: {  	_ =	shalt  }
0x87: {  	_ =	shalt  }
.Lfunc_end0:
.L_simem_size_0:
called_computation.2_lowered:
.L_overlay_start_0:
0x88: {  	s2 =	sld [smem:$0x3FD9]  }
0x89: {  	s3 =	sld [smem:$0x3FFE];
	_ =	sdelay $0x1  }
0x8a: {  	s1 =	srdreg.scid  }
0x8b: {  	s0 =	sand.u32 $0x1, s1  }
0x8c: {  	s17 =	sshll.u32 s0, $0xA;
	s2 =	sadd.s32 s3, s2  }
0x8d: {  	s2 =	sadd.s32 s2, s17  }
0x8e: {  	[smem:$0x3FBD] =	sst s2  }
0x8f: {  	_ = 	snop  }
0x90: {  	s2 =	sld [smem:$0x3FD0];
	(tm) =	ssettm $0x1  }
0x91: {  	s18 =	sld [smem:$0x3FFB];
	_ =	sdelay $0x3  }
0x92: {  	_ =	strace s18  }
0x93: {  	s3 =	sld [smem:$0x3FFC];
	_ =	sdelay $0x3  }
0x94: {  	_ =	strace s3  }
0x95: {  	s3 =	sld [smem:$0x3FFD];
	_ =	sdelay $0x3  }
0x96: {  	_ =	strace s3  }
0x97: {  	_ =	strace $0x8FFFFFFF  }
0x98: {  	s19 =	sld [smem:$0x3FDB];
	_ =	sdelay $0x1  }
0x99: {  	s4 =	simm.s32 $_scs_section_size  }
0x9a: {  	s5 =	simm.s32 $_size__tile_overlayer_lowered;
	s6 =	simm.s32 $_tile_overlayer_lowered  }
0x9b: {  	s22 =	simm.s32 $0x1BFF;
	s21 =	sshll.u32 s6, $0x1;
	s3 =	sadd.s32 s4, s19  }
0x9c: {  	s7 =	simm.s32 $0x0;
	s20 =	sshll.u32 s5, $0x1;
	s5 =	sadd.s32 s21, s3  }
0x9d: {  	[timem:s7], [sflag:s22] =	dma.local [hbm:s5], s20  }
0x9e: {  	_ =	swait.ge [sflag:s22], s20  }
0x9f: {  	s4 =	ssub.s32 $0x0, s20;
	[sflag:s22] =	ssyncset.done $0x0  }
0xa0: {  	[sflag:s22] =	ssyncadd.s32 s4;
	_ =	sdelay $0x1  }
0xa1: {  	s23 =	simm.s32 $0x1B8B  }
0xa2: {  	_ =	swait.ge [sflag:s23], $0x1  }
0xa3: {  	[sflag:s23] =	ssyncset.done $0x0  }
0xa4: {  	s25 =	simm.s32 $0x1B8E;
	s24 =	sld [smem:$0x3FFE];
	[sflag:s23] =	ssyncadd.s32 $0xFFFFFFFF  }
0xa5: {  	s26 =	simm.s32 $execute0_lowered;
	[smem:$0x3FD2] =	sst s25  }
0xa6: {  	s5 =	sshll.u32 s26, $0x1;
	_ =	strace $0x8000004C;
	[dreg:$0x1] =	wrdreg $0xFFFFFFFF  }
0xa7: {  	s28 =	simm.s32 $_size_execute0_lowered;
	s3 =	sadd.s32 s3, s5;
	[dreg:$0x0] =	wrdreg $0x0  }
0xa8: {  	s5 =	sshll.u32 s28, $0x1;
	[dreg:$0x2] =	wrdreg s3  }
0xa9: {  	[dreg:$0x3] =	wrdreg s5  }
0xaa: {  	[dreg:$0x4] =	wrdreg $0xC0  }
0xab: {  	_ =	task [dreg:s7], $0x5FFFF  }
0xac: {  	[dreg:$0x1] =	wrdreg $0xFFFFFFFF  }
0xad: {  	[dreg:$0x0] =	wrdreg $0x60  }
0xae: {  	[dreg:$0x2] =	wrdreg s24  }
0xaf: {  	[dreg:$0x3] =	wrdreg s2  }
0xb0: {  	[dreg:$0x4] =	wrdreg $0x90000  }
0xb1: {  	[dreg:$0x5] =	wrdreg $0x9  }
0xb2: {  	_ =	task.clear_ibuf [dreg:s7], $0x6FFFF;
	_ =	strace $0x9000004C  }
0xb3: {  	s29 =	simm.s32 $0x9;
	_ =	strace $0x8000004E  }
0xb4: {  	_ =	swait.ge [sflag:s29], $0x1  }
0xb5: {  	[sflag:s29] =	ssyncadd.s32 $0xFFFFFFFF  }
0xb6: {  	_ =	strace $0x9000004E  }
0xb7: {  	_ =	sfence  }
0xb8: {  	s30 =	sld [smem:$0x0];
	_ =	sdelay $0x2  }
0xb9: {  	s31 =	sshll.u32 s1, $0xD;
	s1 =	sshrl.u32 s1, $0x2  }
0xba: {  	s3 =	sand.u32 $0x4000, s31;
	s1 =	sadd.s32 s1, s30  }
0xbb: {  	s0 =	sor.u32 s3, s0;
	s1 =	sshll.u32 s1, $0x11  }
0xbc: {  	s0 =	sor.u32 s1, s0  }
0xbd: {  	s0 =	sadd.s32 $0x8F2B, s0  }
0xbe: {  	[sflag:s0] =	ssyncadd.remote.s32 $0x1  }
0xbf: {  	_ =	sfence.sel $0xFFFF  }
0xc0: {  	[dreg:$0x0] =	wrdreg $0xFFFFFFFF;
	(pc) =	sbr.abs _section_cstart, $3  }
0xc1: {  	[dreg:$0x1] =	wrdreg $0xFFFFFFFF  }
0xc2: {  	_ =	task.clear_ibuf [dreg:s7], $0x2FFFF;
	_ =	strace $0x9FFFFFFF  }
0xc3: {  	(tm) =	ssettm $0x7FFFFFFF  }
tec
execute0_lowered:
.L_overlay_start_1:
0x0: {  	(tag) =	ssettag $0x1  }
0x1: {  	s5 =	rddreg [dreg:$0x0]  }
0x2: {  	s1 =	srdreg.scid;
	s11 =	rddreg [dreg:$0x1]  }
0x3: {  	s0 =	stileid.u32;
	s2 =	rddreg [dreg:$0x2]  }
0x4: {  	s3 =	simm.s32 $0x0;
	s15 =	simm.s32 $0x1;
	s16 =	simm.s32 $0x2800  }
0x5: {  	s17 =	simm.s32 $0x80;
	s6 =	sand.u32 $0x1, s1;
	s30 =	sshll.u32 s0, $0x1  }
0x6: {  	[smem:$0x7FF] =	sst s3;
	s8 =	smul.u32 $0x14000, s0;
	s4 =	sadd.s32 $0xCC00, s5  }
0x7: {  	s9 =	smul.u32 $0x50000, s0;
	s18 =	sshll.u32 s0, $0x6;
	s1 =	sor.u32 s6, s30  }
0x8: {  	s7 =	smul.u32 $0x140000, s6;
	s6 =	ssub.s32 $0x2, s6;
	s18 =	sor.u32 $0x1C01, s18  }
0x9: {  	s12 =	smul.u32 $0x500, s1;
	s1 =	rddreg [dreg:$0x3];
	_ =	strace $0x8000004D  }
0xa: {  	s31 =	sshrl.u32 s6, $0x1;
	s9 =	sshrl.u32 s9, $0x2;
	s7 =	sadd.s32 s8, s7  }
0xb: {  	s14 =	ssub.s32 s6, s31;
	s10 =	sadd.s32 s12, s5;
	s7 =	sshrl.u32 s7, $0x3  }
0xc: {  	s11 =	sadd.s32 s11, s12;
	s13 =	sadd.s32 s7, s5;
	s5 =	sadd.s32 s9, s2  }
0xd: {  	s10 =	sadd.s32 $0x2C00, s10;
	s6 =	sadd.s32 $0x4000, s5;
	s7 =	sadd.s32 $0x8000, s5  }
0xe: {  	s8 =	sadd.s32 $0xC000, s5;
	s9 =	sadd.s32 $0x10000, s5;
	s12 =	sadd.s32 $0x34C00, s13  }
0xf: {  	v0 =	vimm.f32 $0.0e+00;
	s13 =	smax.u32 s14, $0x1;
	s14 =	simm.s32 $0x5000;
	s19 =	sshrl.u32 s5, $0x3  }
.LBB2_1:
0x10: {  	s20 =	simm.s32 $0x0;
	s21 =	simm.s32 $0x200  }
.LBB2_2:
0x11: {  	p0 =	sne.s32 s21, $0xFE00;
	[tilespmem:s20+$0x5070] =	vst v0  }
0x12: {  	[tilespmem:s20+$0x5000] =	vst v0  }
0x13: {  	[tilespmem:s20+$0x5010] =	vst v0  }
.Ltmp0:
0x14: {  	[tilespmem:s20+$0x5020] =	vst v0;
	(pc) =	sbr.rel @p0 .LBB2_2-.Ltmp0, $4  }
0x15: {  	[tilespmem:s20+$0x5030] =	vst v0  }
0x16: {  	[tilespmem:s20+$0x5040] =	vst v0  }
0x17: {  	[tilespmem:s20+$0x5050] =	vst v0  }
0x18: {  	[tilespmem:s20+$0x5060] =	vst v0;
	s20 =	sshra.s32 s21, $0x2;
	s21 =	sadd.s32 $0x200, s21  }
0x19: {  	[tilespmem:s20+$0x5070] =	vst v0  }
0x1a: {  	[tilespmem:s20+$0x5000] =	vst v0  }
0x1b: {  	[tilespmem:s20+$0x5010] =	vst v0  }
0x1c: {  	[tilespmem:s20+$0x5020] =	vst v0  }
0x1d: {  	[tilespmem:s20+$0x5030] =	vst v0  }
0x1e: {  	[tilespmem:s20+$0x5040] =	vst v0  }
0x1f: {  	[tilespmem:s20+$0x5050] =	vst v0  }
0x20: {  	[tilespmem:s20+$0x5060] =	vst v0  }
0x21: {  	[spmem:s5] =	stream.linear.scatter [tilespmem:s14], [sflag:$0x1], $0x4000, $0x38;
	[tilespmem:$0x1D000] =	vst v63  }
0x22: {  	_ =	swait.ge [sflag:s15], $0x4000  }
0x23: {  	[sflag:s15] =	ssyncset.done $0x0  }
0x24: {  	[sflag:s15] =	ssyncadd.s32 $0xFFFFC000  }
0x25: {  	[spmem:s6] =	stream.linear.scatter [tilespmem:s14], [sflag:$0x1], $0x4000, $0x38;
	[tilespmem:$0x1D000] =	vst v63  }
0x26: {  	_ =	swait.ge [sflag:s15], $0x4000  }
0x27: {  	[sflag:s15] =	ssyncset.done $0x0  }
0x28: {  	[sflag:s15] =	ssyncadd.s32 $0xFFFFC000  }
0x29: {  	[spmem:s7] =	stream.linear.scatter [tilespmem:s14], [sflag:$0x1], $0x4000, $0x38;
	[tilespmem:$0x1D000] =	vst v63  }
0x2a: {  	_ =	swait.ge [sflag:s15], $0x4000  }
0x2b: {  	[sflag:s15] =	ssyncset.done $0x0  }
0x2c: {  	[sflag:s15] =	ssyncadd.s32 $0xFFFFC000  }
0x2d: {  	[spmem:s8] =	stream.linear.scatter [tilespmem:s14], [sflag:$0x1], $0x4000, $0x38;
	[tilespmem:$0x1D000] =	vst v63  }
0x2e: {  	_ =	swait.ge [sflag:s15], $0x4000  }
0x2f: {  	[sflag:s15] =	ssyncset.done $0x0  }
0x30: {  	[sflag:s15] =	ssyncadd.s32 $0xFFFFC000  }
0x31: {  	[spmem:s9] =	stream.linear.scatter [tilespmem:s14], [sflag:$0x1], $0x4000, $0x38;
	[tilespmem:$0x1D000] =	vst v63  }
0x32: {  	_ =	swait.ge [sflag:s15], $0x4000  }
0x33: {  	[sflag:s15] =	ssyncset.done $0x0  }
0x34: {  	s29 =	simm.s32 $0x0;
	[sflag:s15] =	ssyncadd.s32 $0xFFFFC000  }
0x35: {  	[tilespmem:s29], [sflag:$0x1] =	stream.linear.gather [hbm4b:s10+s29], $0x2780, $0x38;
	[tilespmem:$0x1D000] =	vst v63  }
0x36: {  	_ =	swait.ge [sflag:s15], $0x2780  }
0x37: {  	[sflag:s15] =	ssyncset.done $0x0  }
0x38: {  	[sflag:s15] =	ssyncadd.s32 $0xFFFFD880  }
0x39: {  	[tilespmem:s16], [sflag:$0x1] =	stream.linear.gather [hbm4b:s11+s29], $0x2780, $0x38;
	[tilespmem:$0x1D000] =	vst v63  }
0x3a: {  	_ =	swait.ge [sflag:s15], $0x2780  }
0x3b: {  	[sflag:s15] =	ssyncset.done $0x0  }
0x3c: {  	[sflag:s15] =	ssyncadd.s32 $0xFFFFD880  }
0x3d: {  	s30 =	simm.s32 $0x0;
	[bflag:$0x0] =	sbarrier.arrive $0xFFFF  }
0x3e: {  	[tilespmem:s14], [sflag:$0x1] =	stream.indirect.gather [hbm4b:s4+s17], $0x80, s30, s17, $0xb8;
	[tilespmem:$0x1D000] =	vst v63  }
0x3f: {  	_ =	swait.ge [sflag:s15], $0x4000  }
0x40: {  	[sflag:s15] =	ssyncset.done $0x0  }
0x41: {  	s31 =	simm.s32 $0x2800;
	[sflag:s15] =	ssyncadd.s32 $0xFFFFC000  }
0x42: {  	[spmem:s2] =	stream.indirect.scatter.add.f32 [tilespmem:s14], [sflag:$0x1], $0x80, s31, s17, $0xb8;
	[tilespmem:$0x1D000] =	vst v63  }
0x43: {  	_ =	swait.ge [sflag:s15], $0x4000  }
0x44: {  	s20 =	simm.s32 $0x200;
	s21 =	simm.s32 $0x400;
	[sflag:s15] =	ssyncset.done $0x0  }
.LBB2_4:
0x45: {  	s22 =	sshra.s32 s20, $0x2  }
0x46: {  	[sflag:s15] =	ssyncadd.s32 $0xFFFFC000;
	s20 =	smov.u32 s21;
	s23 =	sadd.s32 $0x200, s21  }
0x47: {  	[tilespmem:s14], [sflag:$0x1] =	stream.indirect.gather [hbm4b:s4+s17], $0x80, s22, s17, $0xb8;
	[tilespmem:$0x1D000] =	vst v63  }
0x48: {  	p0 =	sne.s32 s21, $0x9C00;
	_ =	swait.ge [sflag:s15], $0x4000  }
.Ltmp1:
0x49: {  	[sflag:s15] =	ssyncset.done $0x0;
	(pc) =	sbr.rel @p0 .LBB2_4-.Ltmp1, $4  }
0x4a: {  	s21 =	sadd.s32 $0x2800, s22;
	[sflag:s15] =	ssyncadd.s32 $0xFFFFC000  }
0x4b: {  	[spmem:s2] =	stream.indirect.scatter.add.f32 [tilespmem:s14], [sflag:$0x1], $0x80, s21, s17, $0xb8;
	[tilespmem:$0x1D000] =	vst v63  }
0x4c: {  	_ =	swait.ge [sflag:s15], $0x4000  }
0x4d: {  	s21 =	smov.u32 s23;
	[sflag:s15] =	ssyncset.done $0x0  }
0x4e: {  	s20 =	sshra.s32 s20, $0x2;
	[sflag:s15] =	ssyncadd.s32 $0xFFFFC000  }
0x4f: {  	[tilespmem:s14], [sflag:$0x1] =	stream.indirect.gather [hbm4b:s4+s17], $0x80, s20, s17, $0xb8;
	[tilespmem:$0x1D000] =	vst v63  }
0x50: {  	_ =	swait.ge [sflag:s15], $0x4000  }
0x51: {  	[sflag:s15] =	ssyncset.done $0x0  }
0x52: {  	s20 =	sadd.s32 $0x2800, s20;
	[sflag:s15] =	ssyncadd.s32 $0xFFFFC000  }
0x53: {  	[spmem:s2] =	stream.indirect.scatter.add.f32 [tilespmem:s14], [sflag:$0x1], $0x80, s20, s17, $0xb8;
	[tilespmem:$0x1D000] =	vst v63  }
0x54: {  	_ =	swait.ge [sflag:s15], $0x4000  }
0x55: {  	s3 =	sadd.s32 $0x1, s3;
	[sflag:s15] =	ssyncset.done $0x0  }
0x56: {  	p0 =	sne.s32 s3, s13;
	[sflag:s15] =	ssyncadd.s32 $0xFFFFC000  }
.Ltmp2:
0x57: {  	[bflag:$0x0] =	sbarrier.arrive $0xFFFF;
	(pc) =	sbr.rel @p0 .LBB2_1-.Ltmp2, $4  }
0x58: {  	[hbm:s12], [sflag:s18] =	dma.local [spmem:s19], $0x2800  }
0x59: {  	_ =	swait.ge [sflag:s15], $0x2800  }
0x5a: {  	[sflag:s15] =	ssyncset.done $0x0  }
0x5b: {  	[sflag:s15] =	ssyncadd.s32 $0xFFFFD800  }
0x5c: {  	_ =	sfence.sel $0x180000  }
0x5d: {  	[bflag:$0x0] =	sbarrier.arrive $0xFFFF  }
0x5e: {  	p0 =	sne.s32 s0, $0x0;
	_ =	strace $0x9000004D  }
0x5f: {  	s0 =	sadd.s32 @!p0 $0x100000, s1;
	[bflag:$0x2] =	sbarrier.arrive $0xFFFF  }
0x60: {  	[sflag:s0] =	ssyncadd.tile.s32 @!p0 $0x1;
	_ =	shalt  }
.Lfunc_end2:
_tile_overlayer_lowered:
.L_overlay_start_2:
0x61: {  	(tag) =	ssettag $0x2  }
0x62: {  	s0 =	rddreg [dreg:$0x0];
	s2 =	stileid.u32  }
0x63: {  	s1 =	rddreg [dreg:$0x1];
	p0 =	sne.s32 s2, $0x0  }
0x64: {  	s3 =	rddreg [dreg:$0x2];
	[bflag:$0x3] =	sbarrier.arrive $0xFFFF;
	s2 =	simm.s32 @!p0 $0x1C01  }
0x65: {  	[timem:s3], [sflag:s2] =	dma.local @!p0 [hbm:s0], s1  }
0x66: {  	s0 =	simm.s32 @!p0 $0x1  }
0x67: {  	_ =	swait.ge @!p0 [sflag:s0], s1  }
0x68: {  	s1 =	ssub.s32 @!p0 $0x0, s1;
	[sflag:s0] =	ssyncset.done @!p0 $0x0  }
0x69: {  	[sflag:s0] =	ssyncadd.s32 @!p0 s1  }
0x6a: {  	[bflag:$0x3] =	sbarrier.arrive $0xFFFF  }
0x6b: {  	_ =	shalt  }

// kernel: kernel.18.cloned.1.call-start
scs
__scs_entry_jumppad:
0x0: {  	(pc) =	sbr.rel $0x88, $3  }
0x1: {  	(tag) =	ssettag $0x0;
	lr =	simm.s32 $0x1  }
0x2: {  	[smem:$0x3F96] =	sst lr;
	_ =	strace $0xD0000000  }
0x3: {  	_ = 	snop  }
0x4: {  	_ = 	snop  }
0x5: {  	_ = 	snop  }
0x6: {  	_ = 	snop  }
0x7: {  	_ = 	snop  }
__scs_overlays_trampoline_lowered:
0x8: {  	[smem:$0x3FA5] =	sst s0  }
0x9: {  	[smem:$0x3FA6] =	sst s1  }
0xa: {  	[smem:$0x3FA7] =	sst s2  }
0xb: {  	[smem:$0x3FA8] =	sst s3  }
0xc: {  	[smem:$0x3FA9] =	sst s4  }
0xd: {  	[smem:$0x3FAA] =	sst s5  }
0xe: {  	[smem:$0x3FAB] =	sst s6  }
0xf: {  	[smem:$0x3FAC] =	sst s7  }
0x10: {  	[smem:$0x3FAD] =	sst s8  }
0x11: {  	[smem:$0x3FAE] =	sst s9;
	s0 =	simm.s32 @!p0 $0x0  }
0x12: {  	s1 =	sld [smem:$0x3F94];
	s0 =	simm.s32 @p0 $0x1  }
0x13: {  	[smem:$0x3FAF] =	sst s0;
	s0 =	simm.s32 @!p1 $0x0  }
0x14: {  	s2 =	sld [smem:$0x3F93];
	s0 =	simm.s32 @p1 $0x1  }
0x15: {  	[smem:$0x3FB0] =	sst s0;
	s0 =	simm.s32 @!p2 $0x0  }
0x16: {  	s3 =	sld [smem:$0x3FDB];
	s0 =	simm.s32 @p2 $0x1  }
0x17: {  	s4 =	simm.s32 $0x1BF5;
	[smem:$0x3FB2] =	sst s0  }
0x18: {  	s0 =	sld [smem:$0x3F95];
	_ =	swait.ge [sflag:s4], $0x0  }
0x19: {  	s7 =	sld [smem:$0x3F96]  }
0x1a: {  	s8 =	sadd.s32 $0xFFFFE003, lr  }
0x1b: {  	s9 =	sadd.s32 $0xFFFFFEF7, lr;
	s5 =	simm.s32 $0xFFFFFFFF;
	p2 =	slt.u32 s8, $0xFFFFF086  }
0x1c: {  	p1 =	slt.u32 s9, $0xF7A;
	s5 =	simm.s32 @!p2 $0x0  }
0x1d: {  	s5 =	simm.s32 @p1 $0x1;
	p0 =	seq.s32 s7, s2  }
0x1e: {  	s7 =	smul.u32 @!p0 $0xF7A, s2;
	p2 =	seq.s32 @!p0 s5, $0x0  }
0x1f: {  	s9 =	smul.u32 $0xF7A, s1;
	s8 =	simm.s32 @!p0 $0x1BF5;
	p2 =	por !p2, p0  }
0x20: {  	[sflag:s8] =	ssyncset.s32 @!p0 $0xFFFFF086;
	s6 =	sadd.s32 @!p0 s3, s7;
	s7 =	simm.s32 @!p0 $0x108  }
0x21: {  	s3 =	sadd.s32 s3, s9;
	s6 =	sadd.s32 @!p0 $0x88, s6;
	s7 =	simm.s32 @p2 $0x1082  }
0x22: {  	[simem:s7], [sflag:s8] =	dma.local @!p0 [hbm:s6], $0xF7A  }
0x23: {  	s9 =	sor.u32 $0xD0000000, s2;
	s6 =	simm.s32 $0x108;
	_ =	swait.ge @!p0 [sflag:s8], $0x0  }
0x24: {  	s3 =	sadd.s32 $0x88, s3;
	s6 =	simm.s32 @!p1 $0x1082;
	[sflag:s4] =	ssyncset.s32 $0xFFFFF086  }
0x25: {  	[simem:s6], [sflag:s4] =	dma.local [hbm:s3], $0xF7A  }
0x26: {  	[smem:$0x3F96] =	sst s1;
	(tag) =	ssettag s2;
	_ =	strace s9  }
0x27: {  	s1 =	sld [smem:$0x3FA6]  }
0x28: {  	s2 =	sld [smem:$0x3FA7]  }
0x29: {  	s4 =	sld [smem:$0x3FA9]  }
0x2a: {  	p0 =	seq.s32 s5, $0x0;
	s5 =	sld [smem:$0x3FAA]  }
0x2b: {  	s6 =	sld [smem:$0x3FAB]  }
0x2c: {  	s7 =	sld [smem:$0x3FAC]  }
0x2d: {  	s3 =	simm.s32 $0x108;
	s8 =	sld [smem:$0x3FAD]  }
0x2e: {  	s3 =	simm.s32 @!p0 $0x1082;
	s9 =	sld [smem:$0x3FAE]  }
0x2f: {  	lr =	sadd.s32 s0, s3;
	s0 =	sld [smem:$0x3FA5]  }
0x30: {  	s3 =	sld [smem:$0x3FA8]  }
0x31: {  	[smem:$0x3FB1] =	sst s10  }
0x32: {  	s10 =	sld [smem:$0x3FAF];
	_ =	sdelay $0x3  }
0x33: {  	p0 =	seq.s32 s10, $0x1;
	s10 =	sld [smem:$0x3FB1];
	_ =	sdelay $0x3  }
0x34: {  	[smem:$0x3FB1] =	sst s10  }
0x35: {  	s10 =	sld [smem:$0x3FB0];
	_ =	sdelay $0x3  }
0x36: {  	p1 =	seq.s32 s10, $0x1;
	s10 =	sld [smem:$0x3FB1];
	_ =	sdelay $0x3  }
0x37: {  	[smem:$0x3FB1] =	sst s10  }
0x38: {  	s10 =	sld [smem:$0x3FB2]  }
0x39: {  	_ = 	snop;
	(pc) =	sbr.ind lr, $3  }
0x3a: {  	_ = 	snop  }
0x3b: {  	_ = 	snop  }
0x3c: {  	p2 =	seq.s32 s10, $0x1;
	s10 =	sld [smem:$0x3FB1]  }
0x3d: {  	_ =	shalt  }
0x3e: {  	_ =	shalt  }
0x3f: {  	_ =	shalt  }
0x40: {  	_ =	shalt  }
0x41: {  	_ =	shalt  }
0x42: {  	_ =	shalt  }
0x43: {  	_ =	shalt  }
0x44: {  	_ =	shalt  }
0x45: {  	_ =	shalt  }
0x46: {  	_ =	shalt  }
0x47: {  	_ =	shalt  }
0x48: {  	_ =	shalt  }
0x49: {  	_ =	shalt  }
0x4a: {  	_ =	shalt  }
0x4b: {  	_ =	shalt  }
0x4c: {  	_ =	shalt  }
0x4d: {  	_ =	shalt  }
0x4e: {  	_ =	shalt  }
0x4f: {  	_ =	shalt  }
0x50: {  	_ =	shalt  }
0x51: {  	_ =	shalt  }
0x52: {  	_ =	shalt  }
0x53: {  	_ =	shalt  }
0x54: {  	_ =	shalt  }
0x55: {  	_ =	shalt  }
0x56: {  	_ =	shalt  }
0x57: {  	_ =	shalt  }
0x58: {  	_ =	shalt  }
0x59: {  	_ =	shalt  }
0x5a: {  	_ =	shalt  }
0x5b: {  	_ =	shalt  }
0x5c: {  	_ =	shalt  }
0x5d: {  	_ =	shalt  }
0x5e: {  	_ =	shalt  }
0x5f: {  	_ =	shalt  }
0x60: {  	_ =	shalt  }
0x61: {  	_ =	shalt  }
0x62: {  	_ =	shalt  }
0x63: {  	_ =	shalt  }
0x64: {  	_ =	shalt  }
0x65: {  	_ =	shalt  }
0x66: {  	_ =	shalt  }
0x67: {  	_ =	shalt  }
0x68: {  	_ =	shalt  }
0x69: {  	_ =	shalt  }
0x6a: {  	_ =	shalt  }
0x6b: {  	_ =	shalt  }
0x6c: {  	_ =	shalt  }
0x6d: {  	_ =	shalt  }
0x6e: {  	_ =	shalt  }
0x6f: {  	_ =	shalt  }
0x70: {  	_ =	shalt  }
0x71: {  	_ =	shalt  }
0x72: {  	_ =	shalt  }
0x73: {  	_ =	shalt  }
0x74: {  	_ =	shalt  }
0x75: {  	_ =	shalt  }
0x76: {  	_ =	shalt  }
0x77: {  	_ =	shalt  }
0x78: {  	_ =	shalt  }
0x79: {  	_ =	shalt  }
0x7a: {  	_ =	shalt  }
0x7b: {  	_ =	shalt  }
0x7c: {  	_ =	shalt  }
0x7d: {  	_ =	shalt  }
0x7e: {  	_ =	shalt  }
0x7f: {  	_ =	shalt  }
0x80: {  	_ =	shalt  }
0x81: {  	_ =	shalt  }
0x82: {  	_ =	shalt  }
0x83: {  	_ =	shalt  }
0x84: {  	_ =	shalt  }
0x85: {  	_ =	shalt  }
0x86: {  	_ =	shalt  }
0x87: {  	_ =	shalt  }
.Lfunc_end0:
.L_simem_size_0:
called_computation.3_lowered:
.L_overlay_start_0:
0x88: {  	s2 =	sld [smem:$0x3FD9]  }
0x89: {  	s3 =	sld [smem:$0x3FFE];
	_ =	sdelay $0x1  }
0x8a: {  	s1 =	srdreg.scid  }
0x8b: {  	s0 =	sand.u32 $0x1, s1  }
0x8c: {  	s17 =	sshll.u32 s0, $0xA;
	s2 =	sadd.s32 s3, s2  }
0x8d: {  	s2 =	sadd.s32 s2, s17  }
0x8e: {  	[smem:$0x3FBD] =	sst s2  }
0x8f: {  	_ = 	snop  }
0x90: {  	s2 =	sld [smem:$0x3FD0];
	(tm) =	ssettm $0x1  }
0x91: {  	s18 =	sld [smem:$0x3FFB];
	_ =	sdelay $0x3  }
0x92: {  	_ =	strace s18  }
0x93: {  	s3 =	sld [smem:$0x3FFC];
	_ =	sdelay $0x3  }
0x94: {  	_ =	strace s3  }
0x95: {  	s3 =	sld [smem:$0x3FFD];
	_ =	sdelay $0x3  }
0x96: {  	_ =	strace s3  }
0x97: {  	_ =	strace $0x8FFFFFFF  }
0x98: {  	s19 =	sld [smem:$0x3FDB];
	_ =	sdelay $0x1  }
0x99: {  	s4 =	simm.s32 $_scs_section_size  }
0x9a: {  	s5 =	simm.s32 $_size__tile_overlayer_lowered;
	s6 =	simm.s32 $_tile_overlayer_lowered  }
0x9b: {  	s22 =	simm.s32 $0x1BFF;
	s21 =	sshll.u32 s6, $0x1;
	s3 =	sadd.s32 s4, s19  }
0x9c: {  	s7 =	simm.s32 $0x0;
	s20 =	sshll.u32 s5, $0x1;
	s5 =	sadd.s32 s21, s3  }
0x9d: {  	[timem:s7], [sflag:s22] =	dma.local [hbm:s5], s20  }
0x9e: {  	_ =	swait.ge [sflag:s22], s20  }
0x9f: {  	s4 =	ssub.s32 $0x0, s20;
	[sflag:s22] =	ssyncset.done $0x0  }
0xa0: {  	[sflag:s22] =	ssyncadd.s32 s4;
	_ =	sdelay $0x1  }
0xa1: {  	s23 =	simm.s32 $0x1B8B  }
0xa2: {  	_ =	swait.ge [sflag:s23], $0x1  }
0xa3: {  	[sflag:s23] =	ssyncset.done $0x0  }
0xa4: {  	s25 =	simm.s32 $0x1B8E;
	s24 =	sld [smem:$0x3FFE];
	[sflag:s23] =	ssyncadd.s32 $0xFFFFFFFF  }
0xa5: {  	s26 =	simm.s32 $execute0_lowered;
	[smem:$0x3FD2] =	sst s25  }
0xa6: {  	s5 =	sshll.u32 s26, $0x1;
	_ =	strace $0x8000004F;
	[dreg:$0x1] =	wrdreg $0xFFFFFFFF  }
0xa7: {  	s28 =	simm.s32 $_size_execute0_lowered;
	s3 =	sadd.s32 s3, s5;
	[dreg:$0x0] =	wrdreg $0x0  }
0xa8: {  	s5 =	sshll.u32 s28, $0x1;
	[dreg:$0x2] =	wrdreg s3  }
0xa9: {  	[dreg:$0x3] =	wrdreg s5  }
0xaa: {  	[dreg:$0x4] =	wrdreg $0xC0  }
0xab: {  	_ =	task [dreg:s7], $0x5FFFF  }
0xac: {  	[dreg:$0x1] =	wrdreg $0xFFFFFFFF  }
0xad: {  	[dreg:$0x0] =	wrdreg $0x60  }
0xae: {  	[dreg:$0x2] =	wrdreg s24  }
0xaf: {  	[dreg:$0x3] =	wrdreg s2  }
0xb0: {  	[dreg:$0x4] =	wrdreg $0x90000  }
0xb1: {  	[dreg:$0x5] =	wrdreg $0x9  }
0xb2: {  	_ =	task.clear_ibuf [dreg:s7], $0x6FFFF;
	_ =	strace $0x9000004F  }
0xb3: {  	s29 =	simm.s32 $0x9;
	_ =	strace $0x80000051  }
0xb4: {  	_ =	swait.ge [sflag:s29], $0x1  }
0xb5: {  	[sflag:s29] =	ssyncadd.s32 $0xFFFFFFFF  }
0xb6: {  	_ =	strace $0x90000051  }
0xb7: {  	_ =	sfence  }
0xb8: {  	s30 =	sld [smem:$0x0];
	_ =	sdelay $0x2  }
0xb9: {  	s31 =	sshll.u32 s1, $0xD;
	s1 =	sshrl.u32 s1, $0x2  }
0xba: {  	s3 =	sand.u32 $0x4000, s31;
	s1 =	sadd.s32 s1, s30  }
0xbb: {  	s0 =	sor.u32 s3, s0;
	s1 =	sshll.u32 s1, $0x11  }
0xbc: {  	s0 =	sor.u32 s1, s0  }
0xbd: {  	s0 =	sadd.s32 $0x8F2B, s0  }
0xbe: {  	[sflag:s0] =	ssyncadd.remote.s32 $0x1  }
0xbf: {  	_ =	sfence.sel $0xFFFF  }
0xc0: {  	[dreg:$0x0] =	wrdreg $0xFFFFFFFF;
	(pc) =	sbr.abs _section_cstart, $3  }
0xc1: {  	[dreg:$0x1] =	wrdreg $0xFFFFFFFF  }
0xc2: {  	_ =	task.clear_ibuf [dreg:s7], $0x2FFFF;
	_ =	strace $0x9FFFFFFF  }
0xc3: {  	(tm) =	ssettm $0x7FFFFFFF  }
tec
execute0_lowered:
.L_overlay_start_1:
0x0: {  	(tag) =	ssettag $0x1  }
0x1: {  	s5 =	rddreg [dreg:$0x0]  }
0x2: {  	s1 =	srdreg.scid;
	s11 =	rddreg [dreg:$0x1]  }
0x3: {  	s0 =	stileid.u32;
	s2 =	rddreg [dreg:$0x2]  }
0x4: {  	s3 =	simm.s32 $0x0;
	s15 =	simm.s32 $0x1;
	s16 =	simm.s32 $0x2800  }
0x5: {  	s17 =	simm.s32 $0x80;
	s6 =	sand.u32 $0x1, s1;
	s30 =	sshll.u32 s0, $0x1  }
0x6: {  	[smem:$0x7FF] =	sst s3;
	s8 =	smul.u32 $0x14000, s0;
	s4 =	sadd.s32 $0xCC00, s5  }
0x7: {  	s9 =	smul.u32 $0x50000, s0;
	s18 =	sshll.u32 s0, $0x6;
	s1 =	sor.u32 s6, s30  }
0x8: {  	s7 =	smul.u32 $0x140000, s6;
	s6 =	ssub.s32 $0x2, s6;
	s18 =	sor.u32 $0x1C01, s18  }
0x9: {  	s12 =	smul.u32 $0x500, s1;
	s1 =	rddreg [dreg:$0x3];
	_ =	strace $0x80000050  }
0xa: {  	s31 =	sshrl.u32 s6, $0x1;
	s9 =	sshrl.u32 s9, $0x2;
	s7 =	sadd.s32 s8, s7  }
0xb: {  	s14 =	ssub.s32 s6, s31;
	s10 =	sadd.s32 s12, s5;
	s7 =	sshrl.u32 s7, $0x3  }
0xc: {  	s11 =	sadd.s32 s11, s12;
	s13 =	sadd.s32 s7, s5;
	s5 =	sadd.s32 s9, s2  }
0xd: {  	s10 =	sadd.s32 $0x2C00, s10;
	s6 =	sadd.s32 $0x4000, s5;
	s7 =	sadd.s32 $0x8000, s5  }
0xe: {  	s8 =	sadd.s32 $0xC000, s5;
	s9 =	sadd.s32 $0x10000, s5;
	s12 =	sadd.s32 $0x34C00, s13  }
0xf: {  	v0 =	vimm.f32 $0.0e+00;
	s13 =	smax.u32 s14, $0x1;
	s14 =	simm.s32 $0x5000;
	s19 =	sshrl.u32 s5, $0x3  }
.LBB2_1:
0x10: {  	s20 =	simm.s32 $0x0;
	s21 =	simm.s32 $0x200  }
.LBB2_2:
0x11: {  	p0 =	sne.s32 s21, $0xFE00;
	[tilespmem:s20+$0x5070] =	vst v0  }
0x12: {  	[tilespmem:s20+$0x5000] =	vst v0  }
0x13: {  	[tilespmem:s20+$0x5010] =	vst v0  }
.Ltmp0:
0x14: {  	[tilespmem:s20+$0x5020] =	vst v0;
	(pc) =	sbr.rel @p0 .LBB2_2-.Ltmp0, $4  }
0x15: {  	[tilespmem:s20+$0x5030] =	vst v0  }
0x16: {  	[tilespmem:s20+$0x5040] =	vst v0  }
0x17: {  	[tilespmem:s20+$0x5050] =	vst v0  }
0x18: {  	[tilespmem:s20+$0x5060] =	vst v0;
	s20 =	sshra.s32 s21, $0x2;
	s21 =	sadd.s32 $0x200, s21  }
0x19: {  	[tilespmem:s20+$0x5070] =	vst v0  }
0x1a: {  	[tilespmem:s20+$0x5000] =	vst v0  }
0x1b: {  	[tilespmem:s20+$0x5010] =	vst v0  }
0x1c: {  	[tilespmem:s20+$0x5020] =	vst v0  }
0x1d: {  	[tilespmem:s20+$0x5030] =	vst v0  }
0x1e: {  	[tilespmem:s20+$0x5040] =	vst v0  }
0x1f: {  	[tilespmem:s20+$0x5050] =	vst v0  }
0x20: {  	[tilespmem:s20+$0x5060] =	vst v0  }
0x21: {  	[spmem:s5] =	stream.linear.scatter [tilespmem:s14], [sflag:$0x1], $0x4000, $0x38;
	[tilespmem:$0x1D000] =	vst v63  }
0x22: {  	_ =	swait.ge [sflag:s15], $0x4000  }
0x23: {  	[sflag:s15] =	ssyncset.done $0x0  }
0x24: {  	[sflag:s15] =	ssyncadd.s32 $0xFFFFC000  }
0x25: {  	[spmem:s6] =	stream.linear.scatter [tilespmem:s14], [sflag:$0x1], $0x4000, $0x38;
	[tilespmem:$0x1D000] =	vst v63  }
0x26: {  	_ =	swait.ge [sflag:s15], $0x4000  }
0x27: {  	[sflag:s15] =	ssyncset.done $0x0  }
0x28: {  	[sflag:s15] =	ssyncadd.s32 $0xFFFFC000  }
0x29: {  	[spmem:s7] =	stream.linear.scatter [tilespmem:s14], [sflag:$0x1], $0x4000, $0x38;
	[tilespmem:$0x1D000] =	vst v63  }
0x2a: {  	_ =	swait.ge [sflag:s15], $0x4000  }
0x2b: {  	[sflag:s15] =	ssyncset.done $0x0  }
0x2c: {  	[sflag:s15] =	ssyncadd.s32 $0xFFFFC000  }
0x2d: {  	[spmem:s8] =	stream.linear.scatter [tilespmem:s14], [sflag:$0x1], $0x4000, $0x38;
	[tilespmem:$0x1D000] =	vst v63  }
0x2e: {  	_ =	swait.ge [sflag:s15], $0x4000  }
0x2f: {  	[sflag:s15] =	ssyncset.done $0x0  }
0x30: {  	[sflag:s15] =	ssyncadd.s32 $0xFFFFC000  }
0x31: {  	[spmem:s9] =	stream.linear.scatter [tilespmem:s14], [sflag:$0x1], $0x4000, $0x38;
	[tilespmem:$0x1D000] =	vst v63  }
0x32: {  	_ =	swait.ge [sflag:s15], $0x4000  }
0x33: {  	[sflag:s15] =	ssyncset.done $0x0  }
0x34: {  	s29 =	simm.s32 $0x0;
	[sflag:s15] =	ssyncadd.s32 $0xFFFFC000  }
0x35: {  	[tilespmem:s29], [sflag:$0x1] =	stream.linear.gather [hbm4b:s10+s29], $0x2780, $0x38;
	[tilespmem:$0x1D000] =	vst v63  }
0x36: {  	_ =	swait.ge [sflag:s15], $0x2780  }
0x37: {  	[sflag:s15] =	ssyncset.done $0x0  }
0x38: {  	[sflag:s15] =	ssyncadd.s32 $0xFFFFD880  }
0x39: {  	[tilespmem:s16], [sflag:$0x1] =	stream.linear.gather [hbm4b:s11+s29], $0x2780, $0x38;
	[tilespmem:$0x1D000] =	vst v63  }
0x3a: {  	_ =	swait.ge [sflag:s15], $0x2780  }
0x3b: {  	[sflag:s15] =	ssyncset.done $0x0  }
0x3c: {  	[sflag:s15] =	ssyncadd.s32 $0xFFFFD880  }
0x3d: {  	s30 =	simm.s32 $0x0;
	[bflag:$0x0] =	sbarrier.arrive $0xFFFF  }
0x3e: {  	[tilespmem:s14], [sflag:$0x1] =	stream.indirect.gather [hbm4b:s4+s17], $0x80, s30, s17, $0xb8;
	[tilespmem:$0x1D000] =	vst v63  }
0x3f: {  	_ =	swait.ge [sflag:s15], $0x4000  }
0x40: {  	[sflag:s15] =	ssyncset.done $0x0  }
0x41: {  	s31 =	simm.s32 $0x2800;
	[sflag:s15] =	ssyncadd.s32 $0xFFFFC000  }
0x42: {  	[spmem:s2] =	stream.indirect.scatter.add.f32 [tilespmem:s14], [sflag:$0x1], $0x80, s31, s17, $0xb8;
	[tilespmem:$0x1D000] =	vst v63  }
0x43: {  	_ =	swait.ge [sflag:s15], $0x4000  }
0x44: {  	s20 =	simm.s32 $0x200;
	s21 =	simm.s32 $0x400;
	[sflag:s15] =	ssyncset.done $0x0  }
.LBB2_4:
0x45: {  	s22 =	sshra.s32 s20, $0x2  }
0x46: {  	[sflag:s15] =	ssyncadd.s32 $0xFFFFC000;
	s20 =	smov.u32 s21;
	s23 =	sadd.s32 $0x200, s21  }
0x47: {  	[tilespmem:s14], [sflag:$0x1] =	stream.indirect.gather [hbm4b:s4+s17], $0x80, s22, s17, $0xb8;
	[tilespmem:$0x1D000] =	vst v63  }
0x48: {  	p0 =	sne.s32 s21, $0x9C00;
	_ =	swait.ge [sflag:s15], $0x4000  }
.Ltmp1:
0x49: {  	[sflag:s15] =	ssyncset.done $0x0;
	(pc) =	sbr.rel @p0 .LBB2_4-.Ltmp1, $4  }
0x4a: {  	s21 =	sadd.s32 $0x2800, s22;
	[sflag:s15] =	ssyncadd.s32 $0xFFFFC000  }
0x4b: {  	[spmem:s2] =	stream.indirect.scatter.add.f32 [tilespmem:s14], [sflag:$0x1], $0x80, s21, s17, $0xb8;
	[tilespmem:$0x1D000] =	vst v63  }
0x4c: {  	_ =	swait.ge [sflag:s15], $0x4000  }
0x4d: {  	s21 =	smov.u32 s23;
	[sflag:s15] =	ssyncset.done $0x0  }
0x4e: {  	s20 =	sshra.s32 s20, $0x2;
	[sflag:s15] =	ssyncadd.s32 $0xFFFFC000  }
0x4f: {  	[tilespmem:s14], [sflag:$0x1] =	stream.indirect.gather [hbm4b:s4+s17], $0x80, s20, s17, $0xb8;
	[tilespmem:$0x1D000] =	vst v63  }
0x50: {  	_ =	swait.ge [sflag:s15], $0x4000  }
0x51: {  	[sflag:s15] =	ssyncset.done $0x0  }
0x52: {  	s20 =	sadd.s32 $0x2800, s20;
	[sflag:s15] =	ssyncadd.s32 $0xFFFFC000  }
0x53: {  	[spmem:s2] =	stream.indirect.scatter.add.f32 [tilespmem:s14], [sflag:$0x1], $0x80, s20, s17, $0xb8;
	[tilespmem:$0x1D000] =	vst v63  }
0x54: {  	_ =	swait.ge [sflag:s15], $0x4000  }
0x55: {  	s3 =	sadd.s32 $0x1, s3;
	[sflag:s15] =	ssyncset.done $0x0  }
0x56: {  	p0 =	sne.s32 s3, s13;
	[sflag:s15] =	ssyncadd.s32 $0xFFFFC000  }
.Ltmp2:
0x57: {  	[bflag:$0x0] =	sbarrier.arrive $0xFFFF;
	(pc) =	sbr.rel @p0 .LBB2_1-.Ltmp2, $4  }
0x58: {  	[hbm:s12], [sflag:s18] =	dma.local [spmem:s19], $0x2800  }
0x59: {  	_ =	swait.ge [sflag:s15], $0x2800  }
0x5a: {  	[sflag:s15] =	ssyncset.done $0x0  }
0x5b: {  	[sflag:s15] =	ssyncadd.s32 $0xFFFFD800  }
0x5c: {  	_ =	sfence.sel $0x180000  }
0x5d: {  	[bflag:$0x0] =	sbarrier.arrive $0xFFFF  }
0x5e: {  	p0 =	sne.s32 s0, $0x0;
	_ =	strace $0x90000050  }
0x5f: {  	s0 =	sadd.s32 @!p0 $0x100000, s1;
	[bflag:$0x2] =	sbarrier.arrive $0xFFFF  }
0x60: {  	[sflag:s0] =	ssyncadd.tile.s32 @!p0 $0x1;
	_ =	shalt  }
.Lfunc_end2:
_tile_overlayer_lowered:
.L_overlay_start_2:
0x61: {  	(tag) =	ssettag $0x2  }
0x62: {  	s0 =	rddreg [dreg:$0x0];
	s2 =	stileid.u32  }
0x63: {  	s1 =	rddreg [dreg:$0x1];
	p0 =	sne.s32 s2, $0x0  }
0x64: {  	s3 =	rddreg [dreg:$0x2];
	[bflag:$0x3] =	sbarrier.arrive $0xFFFF;
	s2 =	simm.s32 @!p0 $0x1C01  }
0x65: {  	[timem:s3], [sflag:s2] =	dma.local @!p0 [hbm:s0], s1  }
0x66: {  	s0 =	simm.s32 @!p0 $0x1  }
0x67: {  	_ =	swait.ge @!p0 [sflag:s0], s1  }
0x68: {  	s1 =	ssub.s32 @!p0 $0x0, s1;
	[sflag:s0] =	ssyncset.done @!p0 $0x0  }
0x69: {  	[sflag:s0] =	ssyncadd.s32 @!p0 s1  }
0x6a: {  	[bflag:$0x3] =	sbarrier.arrive $0xFFFF  }
0x6b: {  	_ =	shalt  }

// kernel: kernel.9.cloned.1.call-start
scs
__scs_entry_jumppad:
0x0: {  	(pc) =	sbr.rel $0x88, $3  }
0x1: {  	(tag) =	ssettag $0x0;
	lr =	simm.s32 $0x1  }
0x2: {  	[smem:$0x3F96] =	sst lr;
	_ =	strace $0xD0000000  }
0x3: {  	_ = 	snop  }
0x4: {  	_ = 	snop  }
0x5: {  	_ = 	snop  }
0x6: {  	_ = 	snop  }
0x7: {  	_ = 	snop  }
__scs_overlays_trampoline_lowered:
0x8: {  	[smem:$0x3FA5] =	sst s0  }
0x9: {  	[smem:$0x3FA6] =	sst s1  }
0xa: {  	[smem:$0x3FA7] =	sst s2  }
0xb: {  	[smem:$0x3FA8] =	sst s3  }
0xc: {  	[smem:$0x3FA9] =	sst s4  }
0xd: {  	[smem:$0x3FAA] =	sst s5  }
0xe: {  	[smem:$0x3FAB] =	sst s6  }
0xf: {  	[smem:$0x3FAC] =	sst s7  }
0x10: {  	[smem:$0x3FAD] =	sst s8  }
0x11: {  	[smem:$0x3FAE] =	sst s9;
	s0 =	simm.s32 @!p0 $0x0  }
0x12: {  	s1 =	sld [smem:$0x3F94];
	s0 =	simm.s32 @p0 $0x1  }
0x13: {  	[smem:$0x3FAF] =	sst s0;
	s0 =	simm.s32 @!p1 $0x0  }
0x14: {  	s2 =	sld [smem:$0x3F93];
	s0 =	simm.s32 @p1 $0x1  }
0x15: {  	[smem:$0x3FB0] =	sst s0;
	s0 =	simm.s32 @!p2 $0x0  }
0x16: {  	s3 =	sld [smem:$0x3FDB];
	s0 =	simm.s32 @p2 $0x1  }
0x17: {  	s4 =	simm.s32 $0x1BF5;
	[smem:$0x3FB2] =	sst s0  }
0x18: {  	s0 =	sld [smem:$0x3F95];
	_ =	swait.ge [sflag:s4], $0x0  }
0x19: {  	s7 =	sld [smem:$0x3F96]  }
0x1a: {  	s8 =	sadd.s32 $0xFFFFE003, lr  }
0x1b: {  	s9 =	sadd.s32 $0xFFFFFEF7, lr;
	s5 =	simm.s32 $0xFFFFFFFF;
	p2 =	slt.u32 s8, $0xFFFFF086  }
0x1c: {  	p1 =	slt.u32 s9, $0xF7A;
	s5 =	simm.s32 @!p2 $0x0  }
0x1d: {  	s5 =	simm.s32 @p1 $0x1;
	p0 =	seq.s32 s7, s2  }
0x1e: {  	s7 =	smul.u32 @!p0 $0xF7A, s2;
	p2 =	seq.s32 @!p0 s5, $0x0  }
0x1f: {  	s9 =	smul.u32 $0xF7A, s1;
	s8 =	simm.s32 @!p0 $0x1BF5;
	p2 =	por !p2, p0  }
0x20: {  	[sflag:s8] =	ssyncset.s32 @!p0 $0xFFFFF086;
	s6 =	sadd.s32 @!p0 s3, s7;
	s7 =	simm.s32 @!p0 $0x108  }
0x21: {  	s3 =	sadd.s32 s3, s9;
	s6 =	sadd.s32 @!p0 $0x88, s6;
	s7 =	simm.s32 @p2 $0x1082  }
0x22: {  	[simem:s7], [sflag:s8] =	dma.local @!p0 [hbm:s6], $0xF7A  }
0x23: {  	s9 =	sor.u32 $0xD0000000, s2;
	s6 =	simm.s32 $0x108;
	_ =	swait.ge @!p0 [sflag:s8], $0x0  }
0x24: {  	s3 =	sadd.s32 $0x88, s3;
	s6 =	simm.s32 @!p1 $0x1082;
	[sflag:s4] =	ssyncset.s32 $0xFFFFF086  }
0x25: {  	[simem:s6], [sflag:s4] =	dma.local [hbm:s3], $0xF7A  }
0x26: {  	[smem:$0x3F96] =	sst s1;
	(tag) =	ssettag s2;
	_ =	strace s9  }
0x27: {  	s1 =	sld [smem:$0x3FA6]  }
0x28: {  	s2 =	sld [smem:$0x3FA7]  }
0x29: {  	s4 =	sld [smem:$0x3FA9]  }
0x2a: {  	p0 =	seq.s32 s5, $0x0;
	s5 =	sld [smem:$0x3FAA]  }
0x2b: {  	s6 =	sld [smem:$0x3FAB]  }
0x2c: {  	s7 =	sld [smem:$0x3FAC]  }
0x2d: {  	s3 =	simm.s32 $0x108;
	s8 =	sld [smem:$0x3FAD]  }
0x2e: {  	s3 =	simm.s32 @!p0 $0x1082;
	s9 =	sld [smem:$0x3FAE]  }
0x2f: {  	lr =	sadd.s32 s0, s3;
	s0 =	sld [smem:$0x3FA5]  }
0x30: {  	s3 =	sld [smem:$0x3FA8]  }
0x31: {  	[smem:$0x3FB1] =	sst s10  }
0x32: {  	s10 =	sld [smem:$0x3FAF];
	_ =	sdelay $0x3  }
0x33: {  	p0 =	seq.s32 s10, $0x1;
	s10 =	sld [smem:$0x3FB1];
	_ =	sdelay $0x3  }
0x34: {  	[smem:$0x3FB1] =	sst s10  }
0x35: {  	s10 =	sld [smem:$0x3FB0];
	_ =	sdelay $0x3  }
0x36: {  	p1 =	seq.s32 s10, $0x1;
	s10 =	sld [smem:$0x3FB1];
	_ =	sdelay $0x3  }
0x37: {  	[smem:$0x3FB1] =	sst s10  }
0x38: {  	s10 =	sld [smem:$0x3FB2]  }
0x39: {  	_ = 	snop;
	(pc) =	sbr.ind lr, $3  }
0x3a: {  	_ = 	snop  }
0x3b: {  	_ = 	snop  }
0x3c: {  	p2 =	seq.s32 s10, $0x1;
	s10 =	sld [smem:$0x3FB1]  }
0x3d: {  	_ =	shalt  }
0x3e: {  	_ =	shalt  }
0x3f: {  	_ =	shalt  }
0x40: {  	_ =	shalt  }
0x41: {  	_ =	shalt  }
0x42: {  	_ =	shalt  }
0x43: {  	_ =	shalt  }
0x44: {  	_ =	shalt  }
0x45: {  	_ =	shalt  }
0x46: {  	_ =	shalt  }
0x47: {  	_ =	shalt  }
0x48: {  	_ =	shalt  }
0x49: {  	_ =	shalt  }
0x4a: {  	_ =	shalt  }
0x4b: {  	_ =	shalt  }
0x4c: {  	_ =	shalt  }
0x4d: {  	_ =	shalt  }
0x4e: {  	_ =	shalt  }
0x4f: {  	_ =	shalt  }
0x50: {  	_ =	shalt  }
0x51: {  	_ =	shalt  }
0x52: {  	_ =	shalt  }
0x53: {  	_ =	shalt  }
0x54: {  	_ =	shalt  }
0x55: {  	_ =	shalt  }
0x56: {  	_ =	shalt  }
0x57: {  	_ =	shalt  }
0x58: {  	_ =	shalt  }
0x59: {  	_ =	shalt  }
0x5a: {  	_ =	shalt  }
0x5b: {  	_ =	shalt  }
0x5c: {  	_ =	shalt  }
0x5d: {  	_ =	shalt  }
0x5e: {  	_ =	shalt  }
0x5f: {  	_ =	shalt  }
0x60: {  	_ =	shalt  }
0x61: {  	_ =	shalt  }
0x62: {  	_ =	shalt  }
0x63: {  	_ =	shalt  }
0x64: {  	_ =	shalt  }
0x65: {  	_ =	shalt  }
0x66: {  	_ =	shalt  }
0x67: {  	_ =	shalt  }
0x68: {  	_ =	shalt  }
0x69: {  	_ =	shalt  }
0x6a: {  	_ =	shalt  }
0x6b: {  	_ =	shalt  }
0x6c: {  	_ =	shalt  }
0x6d: {  	_ =	shalt  }
0x6e: {  	_ =	shalt  }
0x6f: {  	_ =	shalt  }
0x70: {  	_ =	shalt  }
0x71: {  	_ =	shalt  }
0x72: {  	_ =	shalt  }
0x73: {  	_ =	shalt  }
0x74: {  	_ =	shalt  }
0x75: {  	_ =	shalt  }
0x76: {  	_ =	shalt  }
0x77: {  	_ =	shalt  }
0x78: {  	_ =	shalt  }
0x79: {  	_ =	shalt  }
0x7a: {  	_ =	shalt  }
0x7b: {  	_ =	shalt  }
0x7c: {  	_ =	shalt  }
0x7d: {  	_ =	shalt  }
0x7e: {  	_ =	shalt  }
0x7f: {  	_ =	shalt  }
0x80: {  	_ =	shalt  }
0x81: {  	_ =	shalt  }
0x82: {  	_ =	shalt  }
0x83: {  	_ =	shalt  }
0x84: {  	_ =	shalt  }
0x85: {  	_ =	shalt  }
0x86: {  	_ =	shalt  }
0x87: {  	_ =	shalt  }
.Lfunc_end0:
.L_simem_size_0:
called_computation_lowered:
.L_overlay_start_0:
0x88: {  	s2 =	sld [smem:$0x3FD9]  }
0x89: {  	s3 =	sld [smem:$0x3FFE];
	_ =	sdelay $0x1  }
0x8a: {  	s1 =	srdreg.scid  }
0x8b: {  	s0 =	sand.u32 $0x1, s1  }
0x8c: {  	s17 =	sshll.u32 s0, $0xA;
	s2 =	sadd.s32 s3, s2  }
0x8d: {  	s2 =	sadd.s32 s2, s17  }
0x8e: {  	[smem:$0x3FBD] =	sst s2  }
0x8f: {  	_ = 	snop  }
0x90: {  	s18 =	sld [smem:$0x3FD0];
	(tm) =	ssettm $0x1  }
0x91: {  	s19 =	sld [smem:$0x3FFB];
	_ =	sdelay $0x3  }
0x92: {  	_ =	strace s19  }
0x93: {  	s2 =	sld [smem:$0x3FFC];
	_ =	sdelay $0x3  }
0x94: {  	_ =	strace s2  }
0x95: {  	s2 =	sld [smem:$0x3FFD];
	_ =	sdelay $0x3  }
0x96: {  	_ =	strace s2  }
0x97: {  	_ =	strace $0x8FFFFFFF  }
0x98: {  	s20 =	sld [smem:$0x3FDB];
	_ =	sdelay $0x1  }
0x99: {  	s4 =	simm.s32 $_scs_section_size  }
0x9a: {  	s5 =	simm.s32 $_size__tile_overlayer_lowered;
	s6 =	simm.s32 $_tile_overlayer_lowered  }
0x9b: {  	s7 =	simm.s32 $0x1BFF;
	s21 =	sshll.u32 s6, $0x1;
	s4 =	sadd.s32 s4, s20  }
0x9c: {  	s22 =	simm.s32 $0x0;
	s5 =	sshll.u32 s5, $0x1;
	s6 =	sadd.s32 s21, s4  }
0x9d: {  	[timem:s22], [sflag:s7] =	dma.local [hbm:s6], s5  }
0x9e: {  	_ =	swait.ge [sflag:s7], s5  }
0x9f: {  	s5 =	ssub.s32 $0x0, s5;
	[sflag:s7] =	ssyncset.done $0x0  }
0xa0: {  	[sflag:s7] =	ssyncadd.s32 s5;
	_ =	sdelay $0x1  }
0xa1: {  	s23 =	simm.s32 $0x1B8B  }
0xa2: {  	_ =	swait.ge [sflag:s23], $0x1  }
0xa3: {  	[sflag:s23] =	ssyncset.done $0x0  }
0xa4: {  	[sflag:s23] =	ssyncadd.s32 $0xFFFFFFFF  }
0xa5: {  	s5 =	sld [smem:$0x0]  }
0xa6: {  	s6 =	sand.u32 $0xFFFFFFFE, s1  }
0xa7: {  	p0 =	sne.s32 s1, s6  }
0xa8: {  	s6 =	sshll.u32 @p0 s6, $0xE  }
0xa9: {  	s6 =	sadd.s32 @p0 $0x11B8D, s6;
	s7 =	sshll.u32 @p0 s5, $0x11  }
0xaa: {  	s6 =	sor.u32 @p0 s7, s6  }
0xab: {  	[sflag:s6] =	ssyncadd.remote.s32 @p0 $0x1;
	_ =	sdelay $0x1  }
0xac: {  	s6 =	simm.s32 @p0 $0x1B8D  }
0xad: {  	_ =	swait.eq @p0 [sflag:s6], $0x1  }
0xae: {  	[sflag:s6] =	ssyncadd.s32 @p0 $0xFFFFFFFF  }
0xaf: {  	s7 =	sshll.u32 @!p0 s1, $0xE  }
0xb0: {  	s7 =	sor.u32 @!p0 $0x4000, s7;
	s6 =	simm.s32 @!p0 $0x1B8D  }
0xb1: {  	s5 =	sshll.u32 @!p0 s5, $0x11;
	s7 =	sadd.s32 @!p0 $0x11B8D, s7;
	_ =	swait.eq @!p0 [sflag:s6], $0x1  }
0xb2: {  	s5 =	sor.u32 @!p0 s5, s7;
	[sflag:s6] =	ssyncadd.s32 @!p0 $0xFFFFFFFF  }
0xb3: {  	s25 =	simm.s32 $0x1B8E;
	s24 =	sld [smem:$0x3FFE];
	[sflag:s5] =	ssyncadd.remote.s32 @!p0 $0x1  }
0xb4: {  	s26 =	simm.s32 $execute0_lowered;
	[smem:$0x3FD2] =	sst s25  }
0xb5: {  	s6 =	sshll.u32 s26, $0x1;
	_ =	strace $0x80000049;
	[dreg:$0x1] =	wrdreg $0xFFFFFFFF  }
0xb6: {  	s28 =	simm.s32 $_size_execute0_lowered;
	s4 =	sadd.s32 s4, s6;
	[dreg:$0x0] =	wrdreg $0x0  }
0xb7: {  	s6 =	sshll.u32 s28, $0x1;
	[dreg:$0x2] =	wrdreg s4  }
0xb8: {  	[dreg:$0x3] =	wrdreg s6  }
0xb9: {  	[dreg:$0x4] =	wrdreg $0xC0  }
0xba: {  	_ =	task [dreg:s22], $0x5FFFF  }
0xbb: {  	[dreg:$0x1] =	wrdreg $0xFFFFFFFF  }
0xbc: {  	[dreg:$0x0] =	wrdreg $0x60  }
0xbd: {  	[dreg:$0x2] =	wrdreg s18  }
0xbe: {  	[dreg:$0x3] =	wrdreg s24  }
0xbf: {  	[dreg:$0x4] =	wrdreg $0x68000  }
0xc0: {  	[dreg:$0x5] =	wrdreg $0x9  }
0xc1: {  	_ =	task.clear_ibuf [dreg:s22], $0x6FFFF;
	_ =	strace $0x90000049  }
0xc2: {  	s29 =	simm.s32 $0x9;
	_ =	strace $0x8000004B  }
0xc3: {  	_ =	swait.ge [sflag:s29], $0x1  }
0xc4: {  	[sflag:s29] =	ssyncadd.s32 $0xFFFFFFFF  }
0xc5: {  	_ =	strace $0x9000004B  }
0xc6: {  	_ =	sfence  }
0xc7: {  	s30 =	sld [smem:$0x0];
	_ =	sdelay $0x2  }
0xc8: {  	s31 =	sshll.u32 s1, $0xD;
	s1 =	sshrl.u32 s1, $0x2  }
0xc9: {  	s4 =	sand.u32 $0x4000, s31;
	s1 =	sadd.s32 s1, s30  }
0xca: {  	s0 =	sor.u32 s4, s0;
	s1 =	sshll.u32 s1, $0x11  }
0xcb: {  	s0 =	sor.u32 s1, s0  }
0xcc: {  	s0 =	sadd.s32 $0x8F2B, s0  }
0xcd: {  	[sflag:s0] =	ssyncadd.remote.s32 $0x1  }
0xce: {  	_ =	sfence.sel $0xFFFF  }
0xcf: {  	[dreg:$0x0] =	wrdreg $0xFFFFFFFF;
	(pc) =	sbr.abs _section_cstart, $3  }
0xd0: {  	[dreg:$0x1] =	wrdreg $0xFFFFFFFF  }
0xd1: {  	_ =	task.clear_ibuf [dreg:s22], $0x2FFFF;
	_ =	strace $0x9FFFFFFF  }
0xd2: {  	(tm) =	ssettm $0x7FFFFFFF  }
0xd3: {  	_ =	shalt  }
tec
execute0_lowered:
.L_overlay_start_1:
0x0: {  	(tag) =	ssettag $0x1  }
0x1: {  	s9 =	rddreg [dreg:$0x0]  }
0x2: {  	s6 =	rddreg [dreg:$0x1]  }
0x3: {  	s0 =	srdreg.scid;
	s2 =	rddreg [dreg:$0x2]  }
0x4: {  	s1 =	rddreg [dreg:$0x3];
	s3 =	simm.s32 $0x0;
	s4 =	sand.u32 $0x1, s0  }
0x5: {  	s13 =	simm.s32 $0x1;
	s0 =	stileid.u32;
	s5 =	smul.u32 $0x140000, s4  }
0x6: {  	s14 =	simm.s32 $0x80;
	[smem:$0x7FF] =	sst s3;
	s7 =	smul.u32 $0x14000, s0  }
0x7: {  	s29 =	smul.u32 $0x50000, s0;
	_ =	strace $0x8000004A;
	s30 =	ssub.s32 $0x2, s4  }
0x8: {  	s31 =	sshll.u32 s0, $0x1;
	s15 =	sshll.u32 s0, $0x6;
	s8 =	sshrl.u32 s30, $0x1  }
0x9: {  	s15 =	sor.u32 $0x1C01, s15;
	s5 =	sadd.s32 s7, s5;
	s11 =	ssub.s32 s30, s8  }
0xa: {  	s7 =	sshrl.u32 s29, $0x2;
	s5 =	sshrl.u32 s5, $0x3;
	s11 =	smax.u32 s11, $0x1  }
0xb: {  	s10 =	sadd.s32 s5, s6;
	s6 =	sor.u32 s4, s31;
	s4 =	sadd.s32 s7, s2  }
0xc: {  	s5 =	sadd.s32 $0x4000, s4;
	s12 =	smul.u32 $0x500, s6;
	s6 =	sadd.s32 $0x8000, s4  }
0xd: {  	s7 =	sadd.s32 $0xC000, s4;
	s8 =	sadd.s32 $0x10000, s4;
	s10 =	sadd.s32 $0x84C00, s10  }
0xe: {  	v0 =	vimm.f32 $0.0e+00;
	v1 =	vimm.f32 $1.000000000e+00;
	s16 =	sshrl.u32 s4, $0x3;
	s9 =	sadd.s32 s9, s12;
	s12 =	simm.s32 $0x2800  }
.LBB2_1:
0xf: {  	s17 =	simm.s32 $0x0;
	s18 =	simm.s32 $0x200  }
.LBB2_2:
0x10: {  	p0 =	sne.s32 s18, $0xFE00;
	[tilespmem:s17+$0x2870] =	vst v0  }
0x11: {  	[tilespmem:s17+$0x2800] =	vst v0  }
0x12: {  	[tilespmem:s17+$0x2810] =	vst v0  }
.Ltmp0:
0x13: {  	[tilespmem:s17+$0x2820] =	vst v0;
	(pc) =	sbr.rel @p0 .LBB2_2-.Ltmp0, $4  }
0x14: {  	[tilespmem:s17+$0x2830] =	vst v0  }
0x15: {  	[tilespmem:s17+$0x2840] =	vst v0  }
0x16: {  	[tilespmem:s17+$0x2850] =	vst v0  }
0x17: {  	[tilespmem:s17+$0x2860] =	vst v0;
	s17 =	sshra.s32 s18, $0x2;
	s18 =	sadd.s32 $0x200, s18  }
0x18: {  	[tilespmem:s17+$0x2870] =	vst v0  }
0x19: {  	[tilespmem:s17+$0x2800] =	vst v0  }
0x1a: {  	[tilespmem:s17+$0x2810] =	vst v0  }
0x1b: {  	[tilespmem:s17+$0x2820] =	vst v0  }
0x1c: {  	[tilespmem:s17+$0x2830] =	vst v0  }
0x1d: {  	[tilespmem:s17+$0x2840] =	vst v0  }
0x1e: {  	[tilespmem:s17+$0x2850] =	vst v0  }
0x1f: {  	[tilespmem:s17+$0x2860] =	vst v0  }
0x20: {  	[spmem:s4] =	stream.linear.scatter [tilespmem:s12], [sflag:$0x1], $0x4000, $0x38;
	[tilespmem:$0x1A800] =	vst v63  }
0x21: {  	_ =	swait.ge [sflag:s13], $0x4000  }
0x22: {  	[sflag:s13] =	ssyncset.done $0x0  }
0x23: {  	[sflag:s13] =	ssyncadd.s32 $0xFFFFC000  }
0x24: {  	[spmem:s5] =	stream.linear.scatter [tilespmem:s12], [sflag:$0x1], $0x4000, $0x38;
	[tilespmem:$0x1A800] =	vst v63  }
0x25: {  	_ =	swait.ge [sflag:s13], $0x4000  }
0x26: {  	[sflag:s13] =	ssyncset.done $0x0  }
0x27: {  	[sflag:s13] =	ssyncadd.s32 $0xFFFFC000  }
0x28: {  	[spmem:s6] =	stream.linear.scatter [tilespmem:s12], [sflag:$0x1], $0x4000, $0x38;
	[tilespmem:$0x1A800] =	vst v63  }
0x29: {  	_ =	swait.ge [sflag:s13], $0x4000  }
0x2a: {  	[sflag:s13] =	ssyncset.done $0x0  }
0x2b: {  	[sflag:s13] =	ssyncadd.s32 $0xFFFFC000  }
0x2c: {  	[spmem:s7] =	stream.linear.scatter [tilespmem:s12], [sflag:$0x1], $0x4000, $0x38;
	[tilespmem:$0x1A800] =	vst v63  }
0x2d: {  	_ =	swait.ge [sflag:s13], $0x4000  }
0x2e: {  	[sflag:s13] =	ssyncset.done $0x0  }
0x2f: {  	[sflag:s13] =	ssyncadd.s32 $0xFFFFC000  }
0x30: {  	[spmem:s8] =	stream.linear.scatter [tilespmem:s12], [sflag:$0x1], $0x4000, $0x38;
	[tilespmem:$0x1A800] =	vst v63  }
0x31: {  	_ =	swait.ge [sflag:s13], $0x4000  }
0x32: {  	[sflag:s13] =	ssyncset.done $0x0  }
0x33: {  	s17 =	simm.s32 $0x0;
	s18 =	simm.s32 $0x200;
	[sflag:s13] =	ssyncadd.s32 $0xFFFFC000  }
.LBB2_4:
0x34: {  	p0 =	sne.s32 s18, $0xFE00;
	[tilespmem:s17+$0x2870] =	vst v1  }
0x35: {  	[tilespmem:s17+$0x2800] =	vst v1  }
0x36: {  	[tilespmem:s17+$0x2810] =	vst v1  }
.Ltmp1:
0x37: {  	[tilespmem:s17+$0x2820] =	vst v1;
	(pc) =	sbr.rel @p0 .LBB2_4-.Ltmp1, $4  }
0x38: {  	[tilespmem:s17+$0x2830] =	vst v1  }
0x39: {  	[tilespmem:s17+$0x2840] =	vst v1  }
0x3a: {  	[tilespmem:s17+$0x2850] =	vst v1  }
0x3b: {  	[tilespmem:s17+$0x2860] =	vst v1;
	s17 =	sshra.s32 s18, $0x2;
	s18 =	sadd.s32 $0x200, s18  }
0x3c: {  	[tilespmem:s17+$0x2870] =	vst v1  }
0x3d: {  	[tilespmem:s17+$0x2800] =	vst v1  }
0x3e: {  	[tilespmem:s17+$0x2810] =	vst v1  }
0x3f: {  	[tilespmem:s17+$0x2820] =	vst v1  }
0x40: {  	[tilespmem:s17+$0x2830] =	vst v1  }
0x41: {  	[tilespmem:s17+$0x2840] =	vst v1  }
0x42: {  	[tilespmem:s17+$0x2850] =	vst v1  }
0x43: {  	[tilespmem:s17+$0x2860] =	vst v1;
	s30 =	simm.s32 $0x0  }
0x44: {  	[tilespmem:s30], [sflag:$0x1] =	stream.linear.gather [hbm4b:s9+s30], $0x2780, $0x38;
	[tilespmem:$0x1A800] =	vst v63  }
0x45: {  	_ =	swait.ge [sflag:s13], $0x2780  }
0x46: {  	[sflag:s13] =	ssyncset.done $0x0  }
0x47: {  	[sflag:s13] =	ssyncadd.s32 $0xFFFFD880  }
0x48: {  	s31 =	simm.s32 $0x0;
	[bflag:$0x0] =	sbarrier.arrive $0xFFFF  }
0x49: {  	[spmem:s2] =	stream.indirect.scatter.add.f32 [tilespmem:s12], [sflag:$0x1], $0x80, s31, s14, $0xb8;
	[tilespmem:$0x1A800] =	vst v63  }
0x4a: {  	_ =	swait.ge [sflag:s13], $0x4000  }
0x4b: {  	s17 =	simm.s32 $0x200;
	[sflag:s13] =	ssyncset.done $0x0  }
.LBB2_6:
0x4c: {  	s18 =	sshra.s32 s17, $0x2;
	[sflag:s13] =	ssyncadd.s32 $0xFFFFC000;
	p0 =	sne.s32 s17, $0x9C00  }
0x4d: {  	[spmem:s2] =	stream.indirect.scatter.add.f32 [tilespmem:s12], [sflag:$0x1], $0x80, s18, s14, $0xb8;
	[tilespmem:$0x1A800] =	vst v63  }
.Ltmp2:
0x4e: {  	_ = 	snop;
	(pc) =	sbr.rel @p0 .LBB2_6-.Ltmp2, $4  }
0x4f: {  	_ = 	snop  }
0x50: {  	s17 =	sadd.s32 $0x200, s17  }
0x51: {  	_ =	swait.ge [sflag:s13], $0x4000  }
0x52: {  	[sflag:s13] =	ssyncset.done $0x0  }
0x53: {  	s3 =	sadd.s32 $0x1, s3  }
0x54: {  	[sflag:s13] =	ssyncadd.s32 $0xFFFFC000;
	p0 =	sne.s32 s3, s11  }
.Ltmp3:
0x55: {  	[bflag:$0x0] =	sbarrier.arrive $0xFFFF;
	(pc) =	sbr.rel @p0 .LBB2_1-.Ltmp3, $4  }
0x56: {  	[hbm:s10], [sflag:s15] =	dma.local [spmem:s16], $0x2800  }
0x57: {  	_ =	swait.ge [sflag:s13], $0x2800  }
0x58: {  	[sflag:s13] =	ssyncset.done $0x0  }
0x59: {  	[sflag:s13] =	ssyncadd.s32 $0xFFFFD800  }
0x5a: {  	_ =	sfence.sel $0x180000  }
0x5b: {  	[bflag:$0x0] =	sbarrier.arrive $0xFFFF  }
0x5c: {  	p0 =	sne.s32 s0, $0x0;
	_ =	strace $0x9000004A  }
0x5d: {  	s0 =	sadd.s32 @!p0 $0x100000, s1;
	[bflag:$0x2] =	sbarrier.arrive $0xFFFF  }
0x5e: {  	[sflag:s0] =	ssyncadd.tile.s32 @!p0 $0x1;
	_ =	shalt  }
.Lfunc_end2:
_tile_overlayer_lowered:
.L_overlay_start_2:
0x5f: {  	(tag) =	ssettag $0x2  }
0x60: {  	s0 =	rddreg [dreg:$0x0];
	s2 =	stileid.u32  }
0x61: {  	s1 =	rddreg [dreg:$0x1];
	p0 =	sne.s32 s2, $0x0  }
0x62: {  	s3 =	rddreg [dreg:$0x2];
	[bflag:$0x3] =	sbarrier.arrive $0xFFFF;
	s2 =	simm.s32 @!p0 $0x1C01  }
0x63: {  	[timem:s3], [sflag:s2] =	dma.local @!p0 [hbm:s0], s1  }
0x64: {  	s0 =	simm.s32 @!p0 $0x1  }
0x65: {  	_ =	swait.ge @!p0 [sflag:s0], s1  }
0x66: {  	s1 =	ssub.s32 @!p0 $0x0, s1;
	[sflag:s0] =	ssyncset.done @!p0 $0x0  }
0x67: {  	[sflag:s0] =	ssyncadd.s32 @!p0 s1  }
0x68: {  	[bflag:$0x3] =	sbarrier.arrive $0xFFFF  }
0x69: {  	_ =	shalt  }

</sc_bundles>
